<compile_context>
chip_gen: v7x
topology: tpu7x:2x2x1
jax: 0.10.2.dev20260603
libtpu: 0.0.44.dev20260713+nightly
codegen_flags: <defaults>
</compile_context>

<pallas_src>
import functools

import jax
import jax.numpy as jnp
from jax import lax
from jax.experimental import pallas as pl
from jax.experimental.pallas import tpu as pltpu
from jax.experimental.pallas import tpu_sc as plsc

V = 1000000
D = 128
N = 819200
B = 16384

NC = 2
NS = 16
NW = NC * NS
BAGS_W = B // NW
BAGS_SC = B // NC
C = 128
TRASH = BAGS_SC


def _sc_embedding_bag(ff, off_ext, weight, bias_rows):
    mesh = plsc.VectorSubcoreMesh(core_axis_name="c", subcore_axis_name="s")

    @functools.partial(
        pl.kernel,
        out_type=jax.ShapeDtypeStruct((B, D), jnp.float32),
        mesh=mesh,
        compiler_params=pltpu.CompilerParams(needs_layout_passes=False),
        scratch_types=[
            pltpu.VMEM((520,), jnp.int32),
            pltpu.VMEM((1, C), jnp.int32),
            pltpu.VMEM((1, C), jnp.int32),
            pltpu.VMEM((C, D), jnp.float32),
            pltpu.VMEM_SHARED((BAGS_SC + 8, D), jnp.float32),
            pltpu.SemaphoreType.DMA,
        ],
    )
    def k(ff_hbm, off_hbm, w_hbm, binit_hbm, out_hbm,
          off_v, fidx, dst, rows, spacc, sem):
        c = lax.axis_index("c")
        s = lax.axis_index("s")
        w = c * NS + s

        pltpu.sync_copy(off_hbm.at[pl.ds(w * BAGS_W, 520)], off_v)
        pltpu.sync_copy(binit_hbm, spacc.at[pl.ds(s * BAGS_W, BAGS_W)])

        start = off_v[pl.ds(0, 16)][0]
        end = off_v[pl.ds(BAGS_W - 8, 16)][8]
        k0 = start >> 7
        k1 = (end + (C - 1)) >> 7
        lanes = lax.iota(jnp.int32, 16)

        def body(kk, carry):
            base = kk * C
            pltpu.sync_copy(ff_hbm.at[pl.ds(base, C)], fidx.at[0])
            cp = pltpu.async_copy(w_hbm.at[fidx.at[0]], rows, sem)
            for j in range(C // 16):
                pos = base + j * 16 + lanes
                lo = jnp.zeros((16,), jnp.int32)
                hi = jnp.full((16,), BAGS_W + 1, jnp.int32)
                for _ in range(10):
                    mid = (lo + hi) >> 1
                    vo = plsc.load_gather(off_v, [mid])
                    le = vo <= pos
                    lo = jnp.where(le, mid + 1, lo)
                    hi = jnp.where(le, hi, mid)
                valid = (pos >= start) & (pos < end)
                d_ = jnp.where(valid, s * BAGS_W + (lo - 1), TRASH)
                dst[0, pl.ds(j * 16, 16)] = d_
            cp.wait()
            pltpu.sync_copy(rows, spacc.at[dst.at[0]], add=True)
            return carry

        lax.fori_loop(k0, k1, body, 0)

        pltpu.sync_copy(spacc.at[pl.ds(s * BAGS_W, BAGS_W)],
                        out_hbm.at[pl.ds(w * BAGS_W, BAGS_W)])

    return k(ff, off_ext, weight, bias_rows)


def kernel(flat_features, offsets, weight, bias):
    off_ext = jnp.concatenate(
        [offsets.astype(jnp.int32), jnp.full((8,), N, jnp.int32)])
    bias_rows = jnp.tile(bias.astype(jnp.float32)[None, :], (BAGS_W, 1))
    return _sc_embedding_bag(flat_features, off_ext, weight, bias_rows)

# --- scband reference (transcript-rebuilt; emitter-appended) ---
"""Pipeline reference for scband-hashed-linear-multilabel-model-39350490366036 (READ-ONLY COPY).

The authoritative reference and input builder live on the scoring server;
editing this copy changes nothing except your own understanding.
"""

import jax, jax.numpy as jnp
import numpy as np

V = 1000000
D = 128
N = 819200
B = 16384

def setup_inputs(seed: int = 0) -> dict:
    key = jax.random.key(seed)
    k1, k2, k3 = jax.random.split(key, 3)
    flat_features = jax.random.randint(k1, (N,), 0, V, dtype=jnp.int32)
    offsets = jnp.sort(jax.random.randint(k2, (B,), 0, N, dtype=jnp.int32))
    offsets = offsets.at[0].set(0)  # torch embedding_bag requires offsets[0] == 0
    # xavier_uniform for embedding weight of shape (V, D)
    bound = float(np.sqrt(6.0 / (V + D)))
    weight = jax.random.uniform(k3, (V, D), minval=-bound, maxval=bound, dtype=jnp.float32)
    bias = jnp.zeros((D,), dtype=jnp.float32)
    return {"flat_features": flat_features, "offsets": offsets, "weight": weight, "bias": bias}

def reference(flat_features, offsets, weight, bias):
    # F.embedding_bag(mode='sum', include_last_offset=False):
    # bag i sums rows flat_features[offsets[i]:offsets[i+1]] (last bag goes to end).
    n = flat_features.shape[0]
    seg_ids = jnp.searchsorted(offsets, jnp.arange(n, dtype=offsets.dtype), side='right') - 1
    gathered = jnp.take(weight, flat_features, axis=0)
    logits = jax.ops.segment_sum(gathered, seg_ids, num_segments=offsets.shape[0])
    return logits + bias

if __name__ == "__main__":
    import jax
    _d = setup_inputs()
    print(jax.jit(kernel)(*tuple(_d.values())))

</pallas_src>

<mosaic_0001>
#map = affine_map<(d0, d1) -> (0)>
#map1 = affine_map<(d0, d1) -> (0, 0)>
module attributes {stable_mosaic.version = 14 : i64} {
  func.func @k(%arg0: i32, %arg1: i32, %arg2: memref<819200xi32, #tpu.memory_space<hbm>>, %arg3: memref<16392xi32, #tpu.memory_space<hbm>>, %arg4: memref<1000000x128xf32, #tpu.memory_space<hbm>>, %arg5: memref<512x128xf32, #tpu.memory_space<hbm>>, %arg6: memref<16384x128xf32, #tpu.memory_space<hbm>>, %arg7: memref<520xi32, #tpu.memory_space<vmem>>, %arg8: memref<1x128xi32, #tpu.memory_space<vmem>>, %arg9: memref<1x128xi32, #tpu.memory_space<vmem>>, %arg10: memref<128x128xf32, #tpu.memory_space<vmem>>, %arg11: memref<8200x128xf32, #tpu.memory_space<vmem_shared>>, %arg12: memref<!tpu.dma_semaphore, #tpu.memory_space<semaphore_mem>>) attributes {dimension_semantics = [#tpu.dimension_semantics<core_parallel>, #tpu.dimension_semantics<subcore_parallel>], iteration_bounds = array<i64: 2, 16>, scalar_prefetch = 0 : i64, scratch_operands = 6 : i64, tpu.core_type = #tpu.core_type<sc_vector_subcore>, window_params = [{transform_indices = #map}, {transform_indices = #map}, {transform_indices = #map1}, {transform_indices = #map1}, {transform_indices = #map1}]} {
    %mul3A = arith.constant 16 : i32
    %mul3A_0 = arith.muli %arg0, %mul3A : i32
    %add3A = arith.addi %mul3A_0, %arg1 : i32
    %mul3A_1 = arith.constant 512 : i32
    %mul3A_2 = arith.muli %add3A, %mul3A_1 : i32
    "tpu.region"() ({
      %run_scoped3A = tpu.sem_alloc : memref<!tpu.dma_semaphore, #tpu.memory_space<semaphore_mem>>
      %dma_start3A = tpu.memref_slice %arg3[%mul3A_2] : memref<16392xi32, #tpu.memory_space<hbm>> -> memref<520xi32, #tpu.memory_space<hbm>>
      %dma_start3A_27 = tpu.memref_slice %arg3[%mul3A_2] : memref<16392xi32, #tpu.memory_space<hbm>> -> memref<520xi32, #tpu.memory_space<hbm>>
      tpu.enqueue_dma source(%dma_start3A_27 : memref<520xi32, #tpu.memory_space<hbm>>) target(%arg7 : memref<520xi32, #tpu.memory_space<vmem>>) target_semaphore(%run_scoped3A : memref<!tpu.dma_semaphore, #tpu.memory_space<semaphore_mem>>)
      %dma_wait3A = tpu.memref_slice %arg3[%mul3A_2] : memref<16392xi32, #tpu.memory_space<hbm>> -> memref<520xi32, #tpu.memory_space<hbm>>
      %dma_wait3A_28 = tpu.memref_slice %arg3[%mul3A_2] : memref<16392xi32, #tpu.memory_space<hbm>> -> memref<520xi32, #tpu.memory_space<hbm>>
      tpu.wait_dma2 semaphore(%run_scoped3A : memref<!tpu.dma_semaphore, #tpu.memory_space<semaphore_mem>>) src(%dma_wait3A_28 : memref<520xi32, #tpu.memory_space<hbm>>) dst(%arg7 : memref<520xi32, #tpu.memory_space<vmem>>)
      tpu.yield
    }) : () -> ()
    %mul3A_3 = arith.constant 512 : i32
    %mul3A_4 = arith.muli %arg1, %mul3A_3 : i32
    "tpu.region"() ({
      %run_scoped3A = tpu.sem_alloc : memref<!tpu.dma_semaphore, #tpu.memory_space<semaphore_mem>>
      %dma_start3A = arith.constant 0 : i32
      %dma_start3A_27 = tpu.memref_slice %arg11[%mul3A_4, %dma_start3A] : memref<8200x128xf32, #tpu.memory_space<vmem_shared>> -> memref<512x128xf32, #tpu.memory_space<vmem_shared>>
      tpu.enqueue_dma source(%arg5 : memref<512x128xf32, #tpu.memory_space<hbm>>) target(%dma_start3A_27 : memref<512x128xf32, #tpu.memory_space<vmem_shared>>) target_semaphore(%run_scoped3A : memref<!tpu.dma_semaphore, #tpu.memory_space<semaphore_mem>>)
      %dma_wait3A = arith.constant 0 : i32
      %dma_wait3A_28 = tpu.memref_slice %arg11[%mul3A_4, %dma_wait3A] : memref<8200x128xf32, #tpu.memory_space<vmem_shared>> -> memref<512x128xf32, #tpu.memory_space<vmem_shared>>
      tpu.wait_dma2 semaphore(%run_scoped3A : memref<!tpu.dma_semaphore, #tpu.memory_space<semaphore_mem>>) src(%arg5 : memref<512x128xf32, #tpu.memory_space<hbm>>) dst(%dma_wait3A_28 : memref<512x128xf32, #tpu.memory_space<vmem_shared>>)
      tpu.yield
    }) : () -> ()
    %get3A = arith.constant 0 : index
    %get3A_5 = tpu.vector_load %arg7[%get3A] {strides = array<i32>} : memref<520xi32, #tpu.memory_space<vmem>>, vector<16xi32>,
    %slice3A = vector.extract_strided_slice %get3A_5 {offsets = [0], sizes = [1], strides = [1]} : vector<16xi32> to vector<1xi32>
    %squeeze3A = vector.extract %slice3A[0] : i32 from vector<1xi32>
    %get3A_6 = arith.constant 504 : index
    %get3A_7 = tpu.vector_load %arg7[%get3A_6] {strides = array<i32>} : memref<520xi32, #tpu.memory_space<vmem>>, vector<16xi32>,
    %slice3A_8 = vector.extract_strided_slice %get3A_7 {offsets = [8], sizes = [1], strides = [1]} : vector<16xi32> to vector<1xi32>
    %squeeze3A_9 = vector.extract %slice3A_8[0] : i32 from vector<1xi32>
    %shift_right_arithmetic3A = arith.constant 7 : i32
    %shift_right_arithmetic3A_10 = arith.shrsi %squeeze3A, %shift_right_arithmetic3A : i32
    %add3A_11 = arith.constant 127 : i32
    %add3A_12 = arith.addi %squeeze3A_9, %add3A_11 : i32
    %shift_right_arithmetic3A_13 = arith.constant 7 : i32
    %shift_right_arithmetic3A_14 = arith.shrsi %add3A_12, %shift_right_arithmetic3A_13 : i32
    %iota3A = tpu.iota {dimensions = array<i32: 0>} : vector<16xi32>
    %while3A = arith.constant 0 : i32
    %while3A_15 = arith.subi %shift_right_arithmetic3A_14, %shift_right_arithmetic3A_10 : i32
    %while3A_16 = arith.addi %shift_right_arithmetic3A_10, %while3A_15 : i32
    %while3A_17 = arith.constant 1 : i32
    %while3A_18 = arith.divsi %while3A_15, %while3A_17 : i32
    %while3A_19 = arith.muli %while3A_18, %while3A_17 : i32
    %while3A_20 = arith.addi %shift_right_arithmetic3A_10, %while3A_19 : i32
    %while3A_21 = arith.constant 1 : i32
    scf.for %while3A_27 = %shift_right_arithmetic3A_10 to %while3A_20 step %while3A_21  : i32 {
      %mul3A_28 = arith.constant 128 : i32
      %mul3A_29 = arith.muli %while3A_27, %mul3A_28 : i32
      %run_scoped3A = arith.constant 0 : i32
      "tpu.region"() ({
        %run_scoped3A_1129 = tpu.sem_alloc : memref<!tpu.dma_semaphore, #tpu.memory_space<semaphore_mem>>
        %dma_start3A_1130 = arith.constant 0 : i32
        %dma_start3A_1131 = tpu.memref_slice %arg8[%run_scoped3A, %dma_start3A_1130] : memref<1x128xi32, #tpu.memory_space<vmem>> -> memref<1x128xi32, #tpu.memory_space<vmem>>
        %dma_start3A_1132 = tpu.memref_squeeze %dma_start3A_1131 : memref<1x128xi32, #tpu.memory_space<vmem>> -> memref<128xi32, #tpu.memory_space<vmem>>
        %dma_start3A_1133 = tpu.memref_slice %arg2[%mul3A_29] : memref<819200xi32, #tpu.memory_space<hbm>> -> memref<128xi32, #tpu.memory_space<hbm>>
        %dma_start3A_1134 = arith.constant 0 : i32
        %dma_start3A_1135 = tpu.memref_slice %arg8[%run_scoped3A, %dma_start3A_1134] : memref<1x128xi32, #tpu.memory_space<vmem>> -> memref<1x128xi32, #tpu.memory_space<vmem>>
        %dma_start3A_1136 = tpu.memref_squeeze %dma_start3A_1135 : memref<1x128xi32, #tpu.memory_space<vmem>> -> memref<128xi32, #tpu.memory_space<vmem>>
        %dma_start3A_1137 = tpu.memref_slice %arg2[%mul3A_29] : memref<819200xi32, #tpu.memory_space<hbm>> -> memref<128xi32, #tpu.memory_space<hbm>>
        tpu.enqueue_dma source(%dma_start3A_1137 : memref<128xi32, #tpu.memory_space<hbm>>) target(%dma_start3A_1136 : memref<128xi32, #tpu.memory_space<vmem>>) target_semaphore(%run_scoped3A_1129 : memref<!tpu.dma_semaphore, #tpu.memory_space<semaphore_mem>>)
        %dma_wait3A_1138 = arith.constant 0 : i32
        %dma_wait3A_1139 = tpu.memref_slice %arg8[%run_scoped3A, %dma_wait3A_1138] : memref<1x128xi32, #tpu.memory_space<vmem>> -> memref<1x128xi32, #tpu.memory_space<vmem>>
        %dma_wait3A_1140 = tpu.memref_squeeze %dma_wait3A_1139 : memref<1x128xi32, #tpu.memory_space<vmem>> -> memref<128xi32, #tpu.memory_space<vmem>>
        %dma_wait3A_1141 = tpu.memref_slice %arg2[%mul3A_29] : memref<819200xi32, #tpu.memory_space<hbm>> -> memref<128xi32, #tpu.memory_space<hbm>>
        %dma_wait3A_1142 = arith.constant 0 : i32
        %dma_wait3A_1143 = tpu.memref_slice %arg8[%run_scoped3A, %dma_wait3A_1142] : memref<1x128xi32, #tpu.memory_space<vmem>> -> memref<1x128xi32, #tpu.memory_space<vmem>>
        %dma_wait3A_1144 = tpu.memref_squeeze %dma_wait3A_1143 : memref<1x128xi32, #tpu.memory_space<vmem>> -> memref<128xi32, #tpu.memory_space<vmem>>
        %dma_wait3A_1145 = tpu.memref_slice %arg2[%mul3A_29] : memref<819200xi32, #tpu.memory_space<hbm>> -> memref<128xi32, #tpu.memory_space<hbm>>
        tpu.wait_dma2 semaphore(%run_scoped3A_1129 : memref<!tpu.dma_semaphore, #tpu.memory_space<semaphore_mem>>) src(%dma_wait3A_1145 : memref<128xi32, #tpu.memory_space<hbm>>) dst(%dma_wait3A_1144 : memref<128xi32, #tpu.memory_space<vmem>>)
        tpu.yield
      }) : () -> ()
      %dma_start3A = arith.constant 0 : i32
      %dma_start3A_30 = arith.constant 0 : i32
      %dma_start3A_31 = tpu.memref_slice %arg8[%dma_start3A, %dma_start3A_30] : memref<1x128xi32, #tpu.memory_space<vmem>> -> memref<1x128xi32, #tpu.memory_space<vmem>>
      %dma_start3A_32 = tpu.memref_squeeze %dma_start3A_31 : memref<1x128xi32, #tpu.memory_space<vmem>> -> memref<128xi32, #tpu.memory_space<vmem>>
      %dma_start3A_33 = arith.constant 0 : i32
      %dma_start3A_34 = arith.constant 0 : i32
      %dma_start3A_35 = tpu.memref_slice %arg4[%dma_start3A_33, %dma_start3A_34] : memref<1000000x128xf32, #tpu.memory_space<hbm>> -> memref<1000000x128xf32, #tpu.memory_space<hbm>>
      tpu.enqueue_indirect_dma source(%dma_start3A_35 : memref<1000000x128xf32, #tpu.memory_space<hbm>>) target(%arg10 : memref<128x128xf32, #tpu.memory_space<vmem>>) offsets(%dma_start3A_32 : memref<128xi32, #tpu.memory_space<vmem>>) semaphore(%arg12 : memref<!tpu.dma_semaphore, #tpu.memory_space<semaphore_mem>>)
      %add3A_36 = arith.constant 0 : i32
      %add3A_37 = arith.addi %mul3A_29, %add3A_36 : i32
      %add3A_38 = vector.broadcast %add3A_37 : i32 to vector<16xi32>
      %add3A_39 = arith.addi %add3A_38, %iota3A : vector<16xi32>
      %broadcast_in_dim3A = arith.constant 0 : i32
      %broadcast_in_dim3A_40 = vector.broadcast %broadcast_in_dim3A : i32 to vector<16xi32>
      %broadcast_in_dim3A_41 = arith.constant 513 : i32
      %broadcast_in_dim3A_42 = vector.broadcast %broadcast_in_dim3A_41 : i32 to vector<16xi32>
      %add3A_43 = arith.addi %broadcast_in_dim3A_40, %broadcast_in_dim3A_42 : vector<16xi32>
      %shift_right_arithmetic3A_44 = arith.constant 1 : i32
      %shift_right_arithmetic3A_45 = vector.broadcast %shift_right_arithmetic3A_44 : i32 to vector<16xi32>
      %shift_right_arithmetic3A_46 = arith.shrsi %add3A_43, %shift_right_arithmetic3A_45 : vector<16xi32>
      %gather3A = tpu.vector_load_idx %arg7[%shift_right_arithmetic3A_46] : memref<520xi32, #tpu.memory_space<vmem>>[vector<16xi32>], vector<16xi32>,
      %le3A = arith.cmpi sle, %gather3A, %add3A_39 : vector<16xi32>
      %add3A_47 = arith.constant 1 : i32
      %add3A_48 = vector.broadcast %add3A_47 : i32 to vector<16xi32>
      %add3A_49 = arith.addi %shift_right_arithmetic3A_46, %add3A_48 : vector<16xi32>
      %select_n3A = arith.select %le3A, %add3A_49, %broadcast_in_dim3A_40 : vector<16xi1>, vector<16xi32>
      %select_n3A_50 = arith.select %le3A, %broadcast_in_dim3A_42, %shift_right_arithmetic3A_46 : vector<16xi1>, vector<16xi32>
      %add3A_51 = arith.addi %select_n3A, %select_n3A_50 : vector<16xi32>
      %shift_right_arithmetic3A_52 = arith.constant 1 : i32
      %shift_right_arithmetic3A_53 = vector.broadcast %shift_right_arithmetic3A_52 : i32 to vector<16xi32>
      %shift_right_arithmetic3A_54 = arith.shrsi %add3A_51, %shift_right_arithmetic3A_53 : vector<16xi32>
      %gather3A_55 = tpu.vector_load_idx %arg7[%shift_right_arithmetic3A_54] : memref<520xi32, #tpu.memory_space<vmem>>[vector<16xi32>], vector<16xi32>,
      %le3A_56 = arith.cmpi sle, %gather3A_55, %add3A_39 : vector<16xi32>
      %add3A_57 = arith.constant 1 : i32
      %add3A_58 = vector.broadcast %add3A_57 : i32 to vector<16xi32>
      %add3A_59 = arith.addi %shift_right_arithmetic3A_54, %add3A_58 : vector<16xi32>
      %select_n3A_60 = arith.select %le3A_56, %add3A_59, %select_n3A : vector<16xi1>, vector<16xi32>
      %select_n3A_61 = arith.select %le3A_56, %select_n3A_50, %shift_right_arithmetic3A_54 : vector<16xi1>, vector<16xi32>
      %add3A_62 = arith.addi %select_n3A_60, %select_n3A_61 : vector<16xi32>
      %shift_right_arithmetic3A_63 = arith.constant 1 : i32
      %shift_right_arithmetic3A_64 = vector.broadcast %shift_right_arithmetic3A_63 : i32 to vector<16xi32>
      %shift_right_arithmetic3A_65 = arith.shrsi %add3A_62, %shift_right_arithmetic3A_64 : vector<16xi32>
      %gather3A_66 = tpu.vector_load_idx %arg7[%shift_right_arithmetic3A_65] : memref<520xi32, #tpu.memory_space<vmem>>[vector<16xi32>], vector<16xi32>,
      %le3A_67 = arith.cmpi sle, %gather3A_66, %add3A_39 : vector<16xi32>
      %add3A_68 = arith.constant 1 : i32
      %add3A_69 = vector.broadcast %add3A_68 : i32 to vector<16xi32>
      %add3A_70 = arith.addi %shift_right_arithmetic3A_65, %add3A_69 : vector<16xi32>
      %select_n3A_71 = arith.select %le3A_67, %add3A_70, %select_n3A_60 : vector<16xi1>, vector<16xi32>
      %select_n3A_72 = arith.select %le3A_67, %select_n3A_61, %shift_right_arithmetic3A_65 : vector<16xi1>, vector<16xi32>
      %add3A_73 = arith.addi %select_n3A_71, %select_n3A_72 : vector<16xi32>
      %shift_right_arithmetic3A_74 = arith.constant 1 : i32
      %shift_right_arithmetic3A_75 = vector.broadcast %shift_right_arithmetic3A_74 : i32 to vector<16xi32>
      %shift_right_arithmetic3A_76 = arith.shrsi %add3A_73, %shift_right_arithmetic3A_75 : vector<16xi32>
      %gather3A_77 = tpu.vector_load_idx %arg7[%shift_right_arithmetic3A_76] : memref<520xi32, #tpu.memory_space<vmem>>[vector<16xi32>], vector<16xi32>,
      %le3A_78 = arith.cmpi sle, %gather3A_77, %add3A_39 : vector<16xi32>
      %add3A_79 = arith.constant 1 : i32
      %add3A_80 = vector.broadcast %add3A_79 : i32 to vector<16xi32>
      %add3A_81 = arith.addi %shift_right_arithmetic3A_76, %add3A_80 : vector<16xi32>
      %select_n3A_82 = arith.select %le3A_78, %add3A_81, %select_n3A_71 : vector<16xi1>, vector<16xi32>
      %select_n3A_83 = arith.select %le3A_78, %select_n3A_72, %shift_right_arithmetic3A_76 : vector<16xi1>, vector<16xi32>
      %add3A_84 = arith.addi %select_n3A_82, %select_n3A_83 : vector<16xi32>
      %shift_right_arithmetic3A_85 = arith.constant 1 : i32
      %shift_right_arithmetic3A_86 = vector.broadcast %shift_right_arithmetic3A_85 : i32 to vector<16xi32>
      %shift_right_arithmetic3A_87 = arith.shrsi %add3A_84, %shift_right_arithmetic3A_86 : vector<16xi32>
      %gather3A_88 = tpu.vector_load_idx %arg7[%shift_right_arithmetic3A_87] : memref<520xi32, #tpu.memory_space<vmem>>[vector<16xi32>], vector<16xi32>,
      %le3A_89 = arith.cmpi sle, %gather3A_88, %add3A_39 : vector<16xi32>
      %add3A_90 = arith.constant 1 : i32
      %add3A_91 = vector.broadcast %add3A_90 : i32 to vector<16xi32>
      %add3A_92 = arith.addi %shift_right_arithmetic3A_87, %add3A_91 : vector<16xi32>
      %select_n3A_93 = arith.select %le3A_89, %add3A_92, %select_n3A_82 : vector<16xi1>, vector<16xi32>
      %select_n3A_94 = arith.select %le3A_89, %select_n3A_83, %shift_right_arithmetic3A_87 : vector<16xi1>, vector<16xi32>
      %add3A_95 = arith.addi %select_n3A_93, %select_n3A_94 : vector<16xi32>
      %shift_right_arithmetic3A_96 = arith.constant 1 : i32
      %shift_right_arithmetic3A_97 = vector.broadcast %shift_right_arithmetic3A_96 : i32 to vector<16xi32>
      %shift_right_arithmetic3A_98 = arith.shrsi %add3A_95, %shift_right_arithmetic3A_97 : vector<16xi32>
      %gather3A_99 = tpu.vector_load_idx %arg7[%shift_right_arithmetic3A_98] : memref<520xi32, #tpu.memory_space<vmem>>[vector<16xi32>], vector<16xi32>,
      %le3A_100 = arith.cmpi sle, %gather3A_99, %add3A_39 : vector<16xi32>
      %add3A_101 = arith.constant 1 : i32
      %add3A_102 = vector.broadcast %add3A_101 : i32 to vector<16xi32>
      %add3A_103 = arith.addi %shift_right_arithmetic3A_98, %add3A_102 : vector<16xi32>
      %select_n3A_104 = arith.select %le3A_100, %add3A_103, %select_n3A_93 : vector<16xi1>, vector<16xi32>
      %select_n3A_105 = arith.select %le3A_100, %select_n3A_94, %shift_right_arithmetic3A_98 : vector<16xi1>, vector<16xi32>
      %add3A_106 = arith.addi %select_n3A_104, %select_n3A_105 : vector<16xi32>
      %shift_right_arithmetic3A_107 = arith.constant 1 : i32
      %shift_right_arithmetic3A_108 = vector.broadcast %shift_right_arithmetic3A_107 : i32 to vector<16xi32>
      %shift_right_arithmetic3A_109 = arith.shrsi %add3A_106, %shift_right_arithmetic3A_108 : vector<16xi32>
      %gather3A_110 = tpu.vector_load_idx %arg7[%shift_right_arithmetic3A_109] : memref<520xi32, #tpu.memory_space<vmem>>[vector<16xi32>], vector<16xi32>,
      %le3A_111 = arith.cmpi sle, %gather3A_110, %add3A_39 : vector<16xi32>
      %add3A_112 = arith.constant 1 : i32
      %add3A_113 = vector.broadcast %add3A_112 : i32 to vector<16xi32>
      %add3A_114 = arith.addi %shift_right_arithmetic3A_109, %add3A_113 : vector<16xi32>
      %select_n3A_115 = arith.select %le3A_111, %add3A_114, %select_n3A_104 : vector<16xi1>, vector<16xi32>
      %select_n3A_116 = arith.select %le3A_111, %select_n3A_105, %shift_right_arithmetic3A_109 : vector<16xi1>, vector<16xi32>
      %add3A_117 = arith.addi %select_n3A_115, %select_n3A_116 : vector<16xi32>
      %shift_right_arithmetic3A_118 = arith.constant 1 : i32
      %shift_right_arithmetic3A_119 = vector.broadcast %shift_right_arithmetic3A_118 : i32 to vector<16xi32>
      %shift_right_arithmetic3A_120 = arith.shrsi %add3A_117, %shift_right_arithmetic3A_119 : vector<16xi32>
      %gather3A_121 = tpu.vector_load_idx %arg7[%shift_right_arithmetic3A_120] : memref<520xi32, #tpu.memory_space<vmem>>[vector<16xi32>], vector<16xi32>,
      %le3A_122 = arith.cmpi sle, %gather3A_121, %add3A_39 : vector<16xi32>
      %add3A_123 = arith.constant 1 : i32
      %add3A_124 = vector.broadcast %add3A_123 : i32 to vector<16xi32>
      %add3A_125 = arith.addi %shift_right_arithmetic3A_120, %add3A_124 : vector<16xi32>
      %select_n3A_126 = arith.select %le3A_122, %add3A_125, %select_n3A_115 : vector<16xi1>, vector<16xi32>
      %select_n3A_127 = arith.select %le3A_122, %select_n3A_116, %shift_right_arithmetic3A_120 : vector<16xi1>, vector<16xi32>
      %add3A_128 = arith.addi %select_n3A_126, %select_n3A_127 : vector<16xi32>
      %shift_right_arithmetic3A_129 = arith.constant 1 : i32
      %shift_right_arithmetic3A_130 = vector.broadcast %shift_right_arithmetic3A_129 : i32 to vector<16xi32>
      %shift_right_arithmetic3A_131 = arith.shrsi %add3A_128, %shift_right_arithmetic3A_130 : vector<16xi32>
      %gather3A_132 = tpu.vector_load_idx %arg7[%shift_right_arithmetic3A_131] : memref<520xi32, #tpu.memory_space<vmem>>[vector<16xi32>], vector<16xi32>,
      %le3A_133 = arith.cmpi sle, %gather3A_132, %add3A_39 : vector<16xi32>
      %add3A_134 = arith.constant 1 : i32
      %add3A_135 = vector.broadcast %add3A_134 : i32 to vector<16xi32>
      %add3A_136 = arith.addi %shift_right_arithmetic3A_131, %add3A_135 : vector<16xi32>
      %select_n3A_137 = arith.select %le3A_133, %add3A_136, %select_n3A_126 : vector<16xi1>, vector<16xi32>
      %select_n3A_138 = arith.select %le3A_133, %select_n3A_127, %shift_right_arithmetic3A_131 : vector<16xi1>, vector<16xi32>
      %add3A_139 = arith.addi %select_n3A_137, %select_n3A_138 : vector<16xi32>
      %shift_right_arithmetic3A_140 = arith.constant 1 : i32
      %shift_right_arithmetic3A_141 = vector.broadcast %shift_right_arithmetic3A_140 : i32 to vector<16xi32>
      %shift_right_arithmetic3A_142 = arith.shrsi %add3A_139, %shift_right_arithmetic3A_141 : vector<16xi32>
      %gather3A_143 = tpu.vector_load_idx %arg7[%shift_right_arithmetic3A_142] : memref<520xi32, #tpu.memory_space<vmem>>[vector<16xi32>], vector<16xi32>,
      %le3A_144 = arith.cmpi sle, %gather3A_143, %add3A_39 : vector<16xi32>
      %add3A_145 = arith.constant 1 : i32
      %add3A_146 = vector.broadcast %add3A_145 : i32 to vector<16xi32>
      %add3A_147 = arith.addi %shift_right_arithmetic3A_142, %add3A_146 : vector<16xi32>
      %select_n3A_148 = arith.select %le3A_144, %add3A_147, %select_n3A_137 : vector<16xi1>, vector<16xi32>
      %select_n3A_149 = arith.select %le3A_144, %select_n3A_138, %shift_right_arithmetic3A_142 : vector<16xi1>, vector<16xi32>
      %ge3A = vector.broadcast %squeeze3A : i32 to vector<16xi32>
      %ge3A_150 = arith.cmpi sge, %add3A_39, %ge3A : vector<16xi32>
      %lt3A = vector.broadcast %squeeze3A_9 : i32 to vector<16xi32>
      %lt3A_151 = arith.cmpi slt, %add3A_39, %lt3A : vector<16xi32>
      %and3A = arith.andi %ge3A_150, %lt3A_151 : vector<16xi1>
      %mul3A_152 = arith.constant 512 : i32
      %mul3A_153 = arith.muli %arg1, %mul3A_152 : i32
      %sub3A = arith.constant 1 : i32
      %sub3A_154 = vector.broadcast %sub3A : i32 to vector<16xi32>
      %sub3A_155 = arith.subi %select_n3A_148, %sub3A_154 : vector<16xi32>
      %add3A_156 = vector.broadcast %mul3A_153 : i32 to vector<16xi32>
      %add3A_157 = arith.addi %add3A_156, %sub3A_155 : vector<16xi32>
      %jit3A = arith.constant 8192 : i32
      %broadcast_in_dim3A_158 = vector.broadcast %jit3A : i32 to vector<16xi32>
      %select_n3A_159 = arith.select %and3A, %add3A_157, %broadcast_in_dim3A_158 : vector<16xi1>, vector<16xi32>
      %swap3A = arith.constant 0 : i32
      %swap3A_160 = arith.index_cast %swap3A : i32 to index
      %swap3A_161 = arith.constant 0 : index
      %swap3A_162 = tpu.vector_load %arg9[%swap3A_160, %swap3A_161] {strides = array<i32>} : memref<1x128xi32, #tpu.memory_space<vmem>>, vector<16xi32>,
      tpu.vector_store %arg9[%swap3A_160, %swap3A_161], %select_n3A_159 {strides = array<i32>} : memref<1x128xi32, #tpu.memory_space<vmem>>, vector<16xi32>,
      %add3A_163 = arith.constant 16 : i32
      %add3A_164 = arith.addi %mul3A_29, %add3A_163 : i32
      %add3A_165 = vector.broadcast %add3A_164 : i32 to vector<16xi32>
      %add3A_166 = arith.addi %add3A_165, %iota3A : vector<16xi32>
      %broadcast_in_dim3A_167 = arith.constant 0 : i32
      %broadcast_in_dim3A_168 = vector.broadcast %broadcast_in_dim3A_167 : i32 to vector<16xi32>
      %broadcast_in_dim3A_169 = arith.constant 513 : i32
      %broadcast_in_dim3A_170 = vector.broadcast %broadcast_in_dim3A_169 : i32 to vector<16xi32>
      %add3A_171 = arith.addi %broadcast_in_dim3A_168, %broadcast_in_dim3A_170 : vector<16xi32>
      %shift_right_arithmetic3A_172 = arith.constant 1 : i32
      %shift_right_arithmetic3A_173 = vector.broadcast %shift_right_arithmetic3A_172 : i32 to vector<16xi32>
      %shift_right_arithmetic3A_174 = arith.shrsi %add3A_171, %shift_right_arithmetic3A_173 : vector<16xi32>
      %gather3A_175 = tpu.vector_load_idx %arg7[%shift_right_arithmetic3A_174] : memref<520xi32, #tpu.memory_space<vmem>>[vector<16xi32>], vector<16xi32>,
      %le3A_176 = arith.cmpi sle, %gather3A_175, %add3A_166 : vector<16xi32>
      %add3A_177 = arith.constant 1 : i32
      %add3A_178 = vector.broadcast %add3A_177 : i32 to vector<16xi32>
      %add3A_179 = arith.addi %shift_right_arithmetic3A_174, %add3A_178 : vector<16xi32>
      %select_n3A_180 = arith.select %le3A_176, %add3A_179, %broadcast_in_dim3A_168 : vector<16xi1>, vector<16xi32>
      %select_n3A_181 = arith.select %le3A_176, %broadcast_in_dim3A_170, %shift_right_arithmetic3A_174 : vector<16xi1>, vector<16xi32>
      %add3A_182 = arith.addi %select_n3A_180, %select_n3A_181 : vector<16xi32>
      %shift_right_arithmetic3A_183 = arith.constant 1 : i32
      %shift_right_arithmetic3A_184 = vector.broadcast %shift_right_arithmetic3A_183 : i32 to vector<16xi32>
      %shift_right_arithmetic3A_185 = arith.shrsi %add3A_182, %shift_right_arithmetic3A_184 : vector<16xi32>
      %gather3A_186 = tpu.vector_load_idx %arg7[%shift_right_arithmetic3A_185] : memref<520xi32, #tpu.memory_space<vmem>>[vector<16xi32>], vector<16xi32>,
      %le3A_187 = arith.cmpi sle, %gather3A_186, %add3A_166 : vector<16xi32>
      %add3A_188 = arith.constant 1 : i32
      %add3A_189 = vector.broadcast %add3A_188 : i32 to vector<16xi32>
      %add3A_190 = arith.addi %shift_right_arithmetic3A_185, %add3A_189 : vector<16xi32>
      %select_n3A_191 = arith.select %le3A_187, %add3A_190, %select_n3A_180 : vector<16xi1>, vector<16xi32>
      %select_n3A_192 = arith.select %le3A_187, %select_n3A_181, %shift_right_arithmetic3A_185 : vector<16xi1>, vector<16xi32>
      %add3A_193 = arith.addi %select_n3A_191, %select_n3A_192 : vector<16xi32>
      %shift_right_arithmetic3A_194 = arith.constant 1 : i32
      %shift_right_arithmetic3A_195 = vector.broadcast %shift_right_arithmetic3A_194 : i32 to vector<16xi32>
      %shift_right_arithmetic3A_196 = arith.shrsi %add3A_193, %shift_right_arithmetic3A_195 : vector<16xi32>
      %gather3A_197 = tpu.vector_load_idx %arg7[%shift_right_arithmetic3A_196] : memref<520xi32, #tpu.memory_space<vmem>>[vector<16xi32>], vector<16xi32>,
      %le3A_198 = arith.cmpi sle, %gather3A_197, %add3A_166 : vector<16xi32>
      %add3A_199 = arith.constant 1 : i32
      %add3A_200 = vector.broadcast %add3A_199 : i32 to vector<16xi32>
      %add3A_201 = arith.addi %shift_right_arithmetic3A_196, %add3A_200 : vector<16xi32>
      %select_n3A_202 = arith.select %le3A_198, %add3A_201, %select_n3A_191 : vector<16xi1>, vector<16xi32>
      %select_n3A_203 = arith.select %le3A_198, %select_n3A_192, %shift_right_arithmetic3A_196 : vector<16xi1>, vector<16xi32>
      %add3A_204 = arith.addi %select_n3A_202, %select_n3A_203 : vector<16xi32>
      %shift_right_arithmetic3A_205 = arith.constant 1 : i32
      %shift_right_arithmetic3A_206 = vector.broadcast %shift_right_arithmetic3A_205 : i32 to vector<16xi32>
      %shift_right_arithmetic3A_207 = arith.shrsi %add3A_204, %shift_right_arithmetic3A_206 : vector<16xi32>
      %gather3A_208 = tpu.vector_load_idx %arg7[%shift_right_arithmetic3A_207] : memref<520xi32, #tpu.memory_space<vmem>>[vector<16xi32>], vector<16xi32>,
      %le3A_209 = arith.cmpi sle, %gather3A_208, %add3A_166 : vector<16xi32>
      %add3A_210 = arith.constant 1 : i32
      %add3A_211 = vector.broadcast %add3A_210 : i32 to vector<16xi32>
      %add3A_212 = arith.addi %shift_right_arithmetic3A_207, %add3A_211 : vector<16xi32>
      %select_n3A_213 = arith.select %le3A_209, %add3A_212, %select_n3A_202 : vector<16xi1>, vector<16xi32>
      %select_n3A_214 = arith.select %le3A_209, %select_n3A_203, %shift_right_arithmetic3A_207 : vector<16xi1>, vector<16xi32>
      %add3A_215 = arith.addi %select_n3A_213, %select_n3A_214 : vector<16xi32>
      %shift_right_arithmetic3A_216 = arith.constant 1 : i32
      %shift_right_arithmetic3A_217 = vector.broadcast %shift_right_arithmetic3A_216 : i32 to vector<16xi32>
      %shift_right_arithmetic3A_218 = arith.shrsi %add3A_215, %shift_right_arithmetic3A_217 : vector<16xi32>
      %gather3A_219 = tpu.vector_load_idx %arg7[%shift_right_arithmetic3A_218] : memref<520xi32, #tpu.memory_space<vmem>>[vector<16xi32>], vector<16xi32>,
      %le3A_220 = arith.cmpi sle, %gather3A_219, %add3A_166 : vector<16xi32>
      %add3A_221 = arith.constant 1 : i32
      %add3A_222 = vector.broadcast %add3A_221 : i32 to vector<16xi32>
      %add3A_223 = arith.addi %shift_right_arithmetic3A_218, %add3A_222 : vector<16xi32>
      %select_n3A_224 = arith.select %le3A_220, %add3A_223, %select_n3A_213 : vector<16xi1>, vector<16xi32>
      %select_n3A_225 = arith.select %le3A_220, %select_n3A_214, %shift_right_arithmetic3A_218 : vector<16xi1>, vector<16xi32>
      %add3A_226 = arith.addi %select_n3A_224, %select_n3A_225 : vector<16xi32>
      %shift_right_arithmetic3A_227 = arith.constant 1 : i32
      %shift_right_arithmetic3A_228 = vector.broadcast %shift_right_arithmetic3A_227 : i32 to vector<16xi32>
      %shift_right_arithmetic3A_229 = arith.shrsi %add3A_226, %shift_right_arithmetic3A_228 : vector<16xi32>
      %gather3A_230 = tpu.vector_load_idx %arg7[%shift_right_arithmetic3A_229] : memref<520xi32, #tpu.memory_space<vmem>>[vector<16xi32>], vector<16xi32>,
      %le3A_231 = arith.cmpi sle, %gather3A_230, %add3A_166 : vector<16xi32>
      %add3A_232 = arith.constant 1 : i32
      %add3A_233 = vector.broadcast %add3A_232 : i32 to vector<16xi32>
      %add3A_234 = arith.addi %shift_right_arithmetic3A_229, %add3A_233 : vector<16xi32>
      %select_n3A_235 = arith.select %le3A_231, %add3A_234, %select_n3A_224 : vector<16xi1>, vector<16xi32>
      %select_n3A_236 = arith.select %le3A_231, %select_n3A_225, %shift_right_arithmetic3A_229 : vector<16xi1>, vector<16xi32>
      %add3A_237 = arith.addi %select_n3A_235, %select_n3A_236 : vector<16xi32>
      %shift_right_arithmetic3A_238 = arith.constant 1 : i32
      %shift_right_arithmetic3A_239 = vector.broadcast %shift_right_arithmetic3A_238 : i32 to vector<16xi32>
      %shift_right_arithmetic3A_240 = arith.shrsi %add3A_237, %shift_right_arithmetic3A_239 : vector<16xi32>
      %gather3A_241 = tpu.vector_load_idx %arg7[%shift_right_arithmetic3A_240] : memref<520xi32, #tpu.memory_space<vmem>>[vector<16xi32>], vector<16xi32>,
      %le3A_242 = arith.cmpi sle, %gather3A_241, %add3A_166 : vector<16xi32>
      %add3A_243 = arith.constant 1 : i32
      %add3A_244 = vector.broadcast %add3A_243 : i32 to vector<16xi32>
      %add3A_245 = arith.addi %shift_right_arithmetic3A_240, %add3A_244 : vector<16xi32>
      %select_n3A_246 = arith.select %le3A_242, %add3A_245, %select_n3A_235 : vector<16xi1>, vector<16xi32>
      %select_n3A_247 = arith.select %le3A_242, %select_n3A_236, %shift_right_arithmetic3A_240 : vector<16xi1>, vector<16xi32>
      %add3A_248 = arith.addi %select_n3A_246, %select_n3A_247 : vector<16xi32>
      %shift_right_arithmetic3A_249 = arith.constant 1 : i32
      %shift_right_arithmetic3A_250 = vector.broadcast %shift_right_arithmetic3A_249 : i32 to vector<16xi32>
      %shift_right_arithmetic3A_251 = arith.shrsi %add3A_248, %shift_right_arithmetic3A_250 : vector<16xi32>
      %gather3A_252 = tpu.vector_load_idx %arg7[%shift_right_arithmetic3A_251] : memref<520xi32, #tpu.memory_space<vmem>>[vector<16xi32>], vector<16xi32>,
      %le3A_253 = arith.cmpi sle, %gather3A_252, %add3A_166 : vector<16xi32>
      %add3A_254 = arith.constant 1 : i32
      %add3A_255 = vector.broadcast %add3A_254 : i32 to vector<16xi32>
      %add3A_256 = arith.addi %shift_right_arithmetic3A_251, %add3A_255 : vector<16xi32>
      %select_n3A_257 = arith.select %le3A_253, %add3A_256, %select_n3A_246 : vector<16xi1>, vector<16xi32>
      %select_n3A_258 = arith.select %le3A_253, %select_n3A_247, %shift_right_arithmetic3A_251 : vector<16xi1>, vector<16xi32>
      %add3A_259 = arith.addi %select_n3A_257, %select_n3A_258 : vector<16xi32>
      %shift_right_arithmetic3A_260 = arith.constant 1 : i32
      %shift_right_arithmetic3A_261 = vector.broadcast %shift_right_arithmetic3A_260 : i32 to vector<16xi32>
      %shift_right_arithmetic3A_262 = arith.shrsi %add3A_259, %shift_right_arithmetic3A_261 : vector<16xi32>
      %gather3A_263 = tpu.vector_load_idx %arg7[%shift_right_arithmetic3A_262] : memref<520xi32, #tpu.memory_space<vmem>>[vector<16xi32>], vector<16xi32>,
      %le3A_264 = arith.cmpi sle, %gather3A_263, %add3A_166 : vector<16xi32>
      %add3A_265 = arith.constant 1 : i32
      %add3A_266 = vector.broadcast %add3A_265 : i32 to vector<16xi32>
      %add3A_267 = arith.addi %shift_right_arithmetic3A_262, %add3A_266 : vector<16xi32>
      %select_n3A_268 = arith.select %le3A_264, %add3A_267, %select_n3A_257 : vector<16xi1>, vector<16xi32>
      %select_n3A_269 = arith.select %le3A_264, %select_n3A_258, %shift_right_arithmetic3A_262 : vector<16xi1>, vector<16xi32>
      %add3A_270 = arith.addi %select_n3A_268, %select_n3A_269 : vector<16xi32>
      %shift_right_arithmetic3A_271 = arith.constant 1 : i32
      %shift_right_arithmetic3A_272 = vector.broadcast %shift_right_arithmetic3A_271 : i32 to vector<16xi32>
      %shift_right_arithmetic3A_273 = arith.shrsi %add3A_270, %shift_right_arithmetic3A_272 : vector<16xi32>
      %gather3A_274 = tpu.vector_load_idx %arg7[%shift_right_arithmetic3A_273] : memref<520xi32, #tpu.memory_space<vmem>>[vector<16xi32>], vector<16xi32>,
      %le3A_275 = arith.cmpi sle, %gather3A_274, %add3A_166 : vector<16xi32>
      %add3A_276 = arith.constant 1 : i32
      %add3A_277 = vector.broadcast %add3A_276 : i32 to vector<16xi32>
      %add3A_278 = arith.addi %shift_right_arithmetic3A_273, %add3A_277 : vector<16xi32>
      %select_n3A_279 = arith.select %le3A_275, %add3A_278, %select_n3A_268 : vector<16xi1>, vector<16xi32>
      %select_n3A_280 = arith.select %le3A_275, %select_n3A_269, %shift_right_arithmetic3A_273 : vector<16xi1>, vector<16xi32>
      %ge3A_281 = vector.broadcast %squeeze3A : i32 to vector<16xi32>
      %ge3A_282 = arith.cmpi sge, %add3A_166, %ge3A_281 : vector<16xi32>
      %lt3A_283 = vector.broadcast %squeeze3A_9 : i32 to vector<16xi32>
      %lt3A_284 = arith.cmpi slt, %add3A_166, %lt3A_283 : vector<16xi32>
      %and3A_285 = arith.andi %ge3A_282, %lt3A_284 : vector<16xi1>
      %mul3A_286 = arith.constant 512 : i32
      %mul3A_287 = arith.muli %arg1, %mul3A_286 : i32
      %sub3A_288 = arith.constant 1 : i32
      %sub3A_289 = vector.broadcast %sub3A_288 : i32 to vector<16xi32>
      %sub3A_290 = arith.subi %select_n3A_279, %sub3A_289 : vector<16xi32>
      %add3A_291 = vector.broadcast %mul3A_287 : i32 to vector<16xi32>
      %add3A_292 = arith.addi %add3A_291, %sub3A_290 : vector<16xi32>
      %jit3A_293 = arith.constant 8192 : i32
      %broadcast_in_dim3A_294 = vector.broadcast %jit3A_293 : i32 to vector<16xi32>
      %select_n3A_295 = arith.select %and3A_285, %add3A_292, %broadcast_in_dim3A_294 : vector<16xi1>, vector<16xi32>
      %swap3A_296 = arith.constant 0 : i32
      %swap3A_297 = arith.index_cast %swap3A_296 : i32 to index
      %swap3A_298 = arith.constant 16 : index
      %swap3A_299 = tpu.vector_load %arg9[%swap3A_297, %swap3A_298] {strides = array<i32>} : memref<1x128xi32, #tpu.memory_space<vmem>>, vector<16xi32>,
      tpu.vector_store %arg9[%swap3A_297, %swap3A_298], %select_n3A_295 {strides = array<i32>} : memref<1x128xi32, #tpu.memory_space<vmem>>, vector<16xi32>,
      %add3A_300 = arith.constant 32 : i32
      %add3A_301 = arith.addi %mul3A_29, %add3A_300 : i32
      %add3A_302 = vector.broadcast %add3A_301 : i32 to vector<16xi32>
      %add3A_303 = arith.addi %add3A_302, %iota3A : vector<16xi32>
      %broadcast_in_dim3A_304 = arith.constant 0 : i32
      %broadcast_in_dim3A_305 = vector.broadcast %broadcast_in_dim3A_304 : i32 to vector<16xi32>
      %broadcast_in_dim3A_306 = arith.constant 513 : i32
      %broadcast_in_dim3A_307 = vector.broadcast %broadcast_in_dim3A_306 : i32 to vector<16xi32>
      %add3A_308 = arith.addi %broadcast_in_dim3A_305, %broadcast_in_dim3A_307 : vector<16xi32>
      %shift_right_arithmetic3A_309 = arith.constant 1 : i32
      %shift_right_arithmetic3A_310 = vector.broadcast %shift_right_arithmetic3A_309 : i32 to vector<16xi32>
      %shift_right_arithmetic3A_311 = arith.shrsi %add3A_308, %shift_right_arithmetic3A_310 : vector<16xi32>
      %gather3A_312 = tpu.vector_load_idx %arg7[%shift_right_arithmetic3A_311] : memref<520xi32, #tpu.memory_space<vmem>>[vector<16xi32>], vector<16xi32>,
      %le3A_313 = arith.cmpi sle, %gather3A_312, %add3A_303 : vector<16xi32>
      %add3A_314 = arith.constant 1 : i32
      %add3A_315 = vector.broadcast %add3A_314 : i32 to vector<16xi32>
      %add3A_316 = arith.addi %shift_right_arithmetic3A_311, %add3A_315 : vector<16xi32>
      %select_n3A_317 = arith.select %le3A_313, %add3A_316, %broadcast_in_dim3A_305 : vector<16xi1>, vector<16xi32>
      %select_n3A_318 = arith.select %le3A_313, %broadcast_in_dim3A_307, %shift_right_arithmetic3A_311 : vector<16xi1>, vector<16xi32>
      %add3A_319 = arith.addi %select_n3A_317, %select_n3A_318 : vector<16xi32>
      %shift_right_arithmetic3A_320 = arith.constant 1 : i32
      %shift_right_arithmetic3A_321 = vector.broadcast %shift_right_arithmetic3A_320 : i32 to vector<16xi32>
      %shift_right_arithmetic3A_322 = arith.shrsi %add3A_319, %shift_right_arithmetic3A_321 : vector<16xi32>
      %gather3A_323 = tpu.vector_load_idx %arg7[%shift_right_arithmetic3A_322] : memref<520xi32, #tpu.memory_space<vmem>>[vector<16xi32>], vector<16xi32>,
      %le3A_324 = arith.cmpi sle, %gather3A_323, %add3A_303 : vector<16xi32>
      %add3A_325 = arith.constant 1 : i32
      %add3A_326 = vector.broadcast %add3A_325 : i32 to vector<16xi32>
      %add3A_327 = arith.addi %shift_right_arithmetic3A_322, %add3A_326 : vector<16xi32>
      %select_n3A_328 = arith.select %le3A_324, %add3A_327, %select_n3A_317 : vector<16xi1>, vector<16xi32>
      %select_n3A_329 = arith.select %le3A_324, %select_n3A_318, %shift_right_arithmetic3A_322 : vector<16xi1>, vector<16xi32>
      %add3A_330 = arith.addi %select_n3A_328, %select_n3A_329 : vector<16xi32>
      %shift_right_arithmetic3A_331 = arith.constant 1 : i32
      %shift_right_arithmetic3A_332 = vector.broadcast %shift_right_arithmetic3A_331 : i32 to vector<16xi32>
      %shift_right_arithmetic3A_333 = arith.shrsi %add3A_330, %shift_right_arithmetic3A_332 : vector<16xi32>
      %gather3A_334 = tpu.vector_load_idx %arg7[%shift_right_arithmetic3A_333] : memref<520xi32, #tpu.memory_space<vmem>>[vector<16xi32>], vector<16xi32>,
      %le3A_335 = arith.cmpi sle, %gather3A_334, %add3A_303 : vector<16xi32>
      %add3A_336 = arith.constant 1 : i32
      %add3A_337 = vector.broadcast %add3A_336 : i32 to vector<16xi32>
      %add3A_338 = arith.addi %shift_right_arithmetic3A_333, %add3A_337 : vector<16xi32>
      %select_n3A_339 = arith.select %le3A_335, %add3A_338, %select_n3A_328 : vector<16xi1>, vector<16xi32>
      %select_n3A_340 = arith.select %le3A_335, %select_n3A_329, %shift_right_arithmetic3A_333 : vector<16xi1>, vector<16xi32>
      %add3A_341 = arith.addi %select_n3A_339, %select_n3A_340 : vector<16xi32>
      %shift_right_arithmetic3A_342 = arith.constant 1 : i32
      %shift_right_arithmetic3A_343 = vector.broadcast %shift_right_arithmetic3A_342 : i32 to vector<16xi32>
      %shift_right_arithmetic3A_344 = arith.shrsi %add3A_341, %shift_right_arithmetic3A_343 : vector<16xi32>
      %gather3A_345 = tpu.vector_load_idx %arg7[%shift_right_arithmetic3A_344] : memref<520xi32, #tpu.memory_space<vmem>>[vector<16xi32>], vector<16xi32>,
      %le3A_346 = arith.cmpi sle, %gather3A_345, %add3A_303 : vector<16xi32>
      %add3A_347 = arith.constant 1 : i32
      %add3A_348 = vector.broadcast %add3A_347 : i32 to vector<16xi32>
      %add3A_349 = arith.addi %shift_right_arithmetic3A_344, %add3A_348 : vector<16xi32>
      %select_n3A_350 = arith.select %le3A_346, %add3A_349, %select_n3A_339 : vector<16xi1>, vector<16xi32>
      %select_n3A_351 = arith.select %le3A_346, %select_n3A_340, %shift_right_arithmetic3A_344 : vector<16xi1>, vector<16xi32>
      %add3A_352 = arith.addi %select_n3A_350, %select_n3A_351 : vector<16xi32>
      %shift_right_arithmetic3A_353 = arith.constant 1 : i32
      %shift_right_arithmetic3A_354 = vector.broadcast %shift_right_arithmetic3A_353 : i32 to vector<16xi32>
      %shift_right_arithmetic3A_355 = arith.shrsi %add3A_352, %shift_right_arithmetic3A_354 : vector<16xi32>
      %gather3A_356 = tpu.vector_load_idx %arg7[%shift_right_arithmetic3A_355] : memref<520xi32, #tpu.memory_space<vmem>>[vector<16xi32>], vector<16xi32>,
      %le3A_357 = arith.cmpi sle, %gather3A_356, %add3A_303 : vector<16xi32>
      %add3A_358 = arith.constant 1 : i32
      %add3A_359 = vector.broadcast %add3A_358 : i32 to vector<16xi32>
      %add3A_360 = arith.addi %shift_right_arithmetic3A_355, %add3A_359 : vector<16xi32>
      %select_n3A_361 = arith.select %le3A_357, %add3A_360, %select_n3A_350 : vector<16xi1>, vector<16xi32>
      %select_n3A_362 = arith.select %le3A_357, %select_n3A_351, %shift_right_arithmetic3A_355 : vector<16xi1>, vector<16xi32>
      %add3A_363 = arith.addi %select_n3A_361, %select_n3A_362 : vector<16xi32>
      %shift_right_arithmetic3A_364 = arith.constant 1 : i32
      %shift_right_arithmetic3A_365 = vector.broadcast %shift_right_arithmetic3A_364 : i32 to vector<16xi32>
      %shift_right_arithmetic3A_366 = arith.shrsi %add3A_363, %shift_right_arithmetic3A_365 : vector<16xi32>
      %gather3A_367 = tpu.vector_load_idx %arg7[%shift_right_arithmetic3A_366] : memref<520xi32, #tpu.memory_space<vmem>>[vector<16xi32>], vector<16xi32>,
      %le3A_368 = arith.cmpi sle, %gather3A_367, %add3A_303 : vector<16xi32>
      %add3A_369 = arith.constant 1 : i32
      %add3A_370 = vector.broadcast %add3A_369 : i32 to vector<16xi32>
      %add3A_371 = arith.addi %shift_right_arithmetic3A_366, %add3A_370 : vector<16xi32>
      %select_n3A_372 = arith.select %le3A_368, %add3A_371, %select_n3A_361 : vector<16xi1>, vector<16xi32>
      %select_n3A_373 = arith.select %le3A_368, %select_n3A_362, %shift_right_arithmetic3A_366 : vector<16xi1>, vector<16xi32>
      %add3A_374 = arith.addi %select_n3A_372, %select_n3A_373 : vector<16xi32>
      %shift_right_arithmetic3A_375 = arith.constant 1 : i32
      %shift_right_arithmetic3A_376 = vector.broadcast %shift_right_arithmetic3A_375 : i32 to vector<16xi32>
      %shift_right_arithmetic3A_377 = arith.shrsi %add3A_374, %shift_right_arithmetic3A_376 : vector<16xi32>
      %gather3A_378 = tpu.vector_load_idx %arg7[%shift_right_arithmetic3A_377] : memref<520xi32, #tpu.memory_space<vmem>>[vector<16xi32>], vector<16xi32>,
      %le3A_379 = arith.cmpi sle, %gather3A_378, %add3A_303 : vector<16xi32>
      %add3A_380 = arith.constant 1 : i32
      %add3A_381 = vector.broadcast %add3A_380 : i32 to vector<16xi32>
      %add3A_382 = arith.addi %shift_right_arithmetic3A_377, %add3A_381 : vector<16xi32>
      %select_n3A_383 = arith.select %le3A_379, %add3A_382, %select_n3A_372 : vector<16xi1>, vector<16xi32>
      %select_n3A_384 = arith.select %le3A_379, %select_n3A_373, %shift_right_arithmetic3A_377 : vector<16xi1>, vector<16xi32>
      %add3A_385 = arith.addi %select_n3A_383, %select_n3A_384 : vector<16xi32>
      %shift_right_arithmetic3A_386 = arith.constant 1 : i32
      %shift_right_arithmetic3A_387 = vector.broadcast %shift_right_arithmetic3A_386 : i32 to vector<16xi32>
      %shift_right_arithmetic3A_388 = arith.shrsi %add3A_385, %shift_right_arithmetic3A_387 : vector<16xi32>
      %gather3A_389 = tpu.vector_load_idx %arg7[%shift_right_arithmetic3A_388] : memref<520xi32, #tpu.memory_space<vmem>>[vector<16xi32>], vector<16xi32>,
      %le3A_390 = arith.cmpi sle, %gather3A_389, %add3A_303 : vector<16xi32>
      %add3A_391 = arith.constant 1 : i32
      %add3A_392 = vector.broadcast %add3A_391 : i32 to vector<16xi32>
      %add3A_393 = arith.addi %shift_right_arithmetic3A_388, %add3A_392 : vector<16xi32>
      %select_n3A_394 = arith.select %le3A_390, %add3A_393, %select_n3A_383 : vector<16xi1>, vector<16xi32>
      %select_n3A_395 = arith.select %le3A_390, %select_n3A_384, %shift_right_arithmetic3A_388 : vector<16xi1>, vector<16xi32>
      %add3A_396 = arith.addi %select_n3A_394, %select_n3A_395 : vector<16xi32>
      %shift_right_arithmetic3A_397 = arith.constant 1 : i32
      %shift_right_arithmetic3A_398 = vector.broadcast %shift_right_arithmetic3A_397 : i32 to vector<16xi32>
      %shift_right_arithmetic3A_399 = arith.shrsi %add3A_396, %shift_right_arithmetic3A_398 : vector<16xi32>
      %gather3A_400 = tpu.vector_load_idx %arg7[%shift_right_arithmetic3A_399] : memref<520xi32, #tpu.memory_space<vmem>>[vector<16xi32>], vector<16xi32>,
      %le3A_401 = arith.cmpi sle, %gather3A_400, %add3A_303 : vector<16xi32>
      %add3A_402 = arith.constant 1 : i32
      %add3A_403 = vector.broadcast %add3A_402 : i32 to vector<16xi32>
      %add3A_404 = arith.addi %shift_right_arithmetic3A_399, %add3A_403 : vector<16xi32>
      %select_n3A_405 = arith.select %le3A_401, %add3A_404, %select_n3A_394 : vector<16xi1>, vector<16xi32>
      %select_n3A_406 = arith.select %le3A_401, %select_n3A_395, %shift_right_arithmetic3A_399 : vector<16xi1>, vector<16xi32>
      %add3A_407 = arith.addi %select_n3A_405, %select_n3A_406 : vector<16xi32>
      %shift_right_arithmetic3A_408 = arith.constant 1 : i32
      %shift_right_arithmetic3A_409 = vector.broadcast %shift_right_arithmetic3A_408 : i32 to vector<16xi32>
      %shift_right_arithmetic3A_410 = arith.shrsi %add3A_407, %shift_right_arithmetic3A_409 : vector<16xi32>
      %gather3A_411 = tpu.vector_load_idx %arg7[%shift_right_arithmetic3A_410] : memref<520xi32, #tpu.memory_space<vmem>>[vector<16xi32>], vector<16xi32>,
      %le3A_412 = arith.cmpi sle, %gather3A_411, %add3A_303 : vector<16xi32>
      %add3A_413 = arith.constant 1 : i32
      %add3A_414 = vector.broadcast %add3A_413 : i32 to vector<16xi32>
      %add3A_415 = arith.addi %shift_right_arithmetic3A_410, %add3A_414 : vector<16xi32>
      %select_n3A_416 = arith.select %le3A_412, %add3A_415, %select_n3A_405 : vector<16xi1>, vector<16xi32>
      %select_n3A_417 = arith.select %le3A_412, %select_n3A_406, %shift_right_arithmetic3A_410 : vector<16xi1>, vector<16xi32>
      %ge3A_418 = vector.broadcast %squeeze3A : i32 to vector<16xi32>
      %ge3A_419 = arith.cmpi sge, %add3A_303, %ge3A_418 : vector<16xi32>
      %lt3A_420 = vector.broadcast %squeeze3A_9 : i32 to vector<16xi32>
      %lt3A_421 = arith.cmpi slt, %add3A_303, %lt3A_420 : vector<16xi32>
      %and3A_422 = arith.andi %ge3A_419, %lt3A_421 : vector<16xi1>
      %mul3A_423 = arith.constant 512 : i32
      %mul3A_424 = arith.muli %arg1, %mul3A_423 : i32
      %sub3A_425 = arith.constant 1 : i32
      %sub3A_426 = vector.broadcast %sub3A_425 : i32 to vector<16xi32>
      %sub3A_427 = arith.subi %select_n3A_416, %sub3A_426 : vector<16xi32>
      %add3A_428 = vector.broadcast %mul3A_424 : i32 to vector<16xi32>
      %add3A_429 = arith.addi %add3A_428, %sub3A_427 : vector<16xi32>
      %jit3A_430 = arith.constant 8192 : i32
      %broadcast_in_dim3A_431 = vector.broadcast %jit3A_430 : i32 to vector<16xi32>
      %select_n3A_432 = arith.select %and3A_422, %add3A_429, %broadcast_in_dim3A_431 : vector<16xi1>, vector<16xi32>
      %swap3A_433 = arith.constant 0 : i32
      %swap3A_434 = arith.index_cast %swap3A_433 : i32 to index
      %swap3A_435 = arith.constant 32 : index
      %swap3A_436 = tpu.vector_load %arg9[%swap3A_434, %swap3A_435] {strides = array<i32>} : memref<1x128xi32, #tpu.memory_space<vmem>>, vector<16xi32>,
      tpu.vector_store %arg9[%swap3A_434, %swap3A_435], %select_n3A_432 {strides = array<i32>} : memref<1x128xi32, #tpu.memory_space<vmem>>, vector<16xi32>,
      %add3A_437 = arith.constant 48 : i32
      %add3A_438 = arith.addi %mul3A_29, %add3A_437 : i32
      %add3A_439 = vector.broadcast %add3A_438 : i32 to vector<16xi32>
      %add3A_440 = arith.addi %add3A_439, %iota3A : vector<16xi32>
      %broadcast_in_dim3A_441 = arith.constant 0 : i32
      %broadcast_in_dim3A_442 = vector.broadcast %broadcast_in_dim3A_441 : i32 to vector<16xi32>
      %broadcast_in_dim3A_443 = arith.constant 513 : i32
      %broadcast_in_dim3A_444 = vector.broadcast %broadcast_in_dim3A_443 : i32 to vector<16xi32>
      %add3A_445 = arith.addi %broadcast_in_dim3A_442, %broadcast_in_dim3A_444 : vector<16xi32>
      %shift_right_arithmetic3A_446 = arith.constant 1 : i32
      %shift_right_arithmetic3A_447 = vector.broadcast %shift_right_arithmetic3A_446 : i32 to vector<16xi32>
      %shift_right_arithmetic3A_448 = arith.shrsi %add3A_445, %shift_right_arithmetic3A_447 : vector<16xi32>
      %gather3A_449 = tpu.vector_load_idx %arg7[%shift_right_arithmetic3A_448] : memref<520xi32, #tpu.memory_space<vmem>>[vector<16xi32>], vector<16xi32>,
      %le3A_450 = arith.cmpi sle, %gather3A_449, %add3A_440 : vector<16xi32>
      %add3A_451 = arith.constant 1 : i32
      %add3A_452 = vector.broadcast %add3A_451 : i32 to vector<16xi32>
      %add3A_453 = arith.addi %shift_right_arithmetic3A_448, %add3A_452 : vector<16xi32>
      %select_n3A_454 = arith.select %le3A_450, %add3A_453, %broadcast_in_dim3A_442 : vector<16xi1>, vector<16xi32>
      %select_n3A_455 = arith.select %le3A_450, %broadcast_in_dim3A_444, %shift_right_arithmetic3A_448 : vector<16xi1>, vector<16xi32>
      %add3A_456 = arith.addi %select_n3A_454, %select_n3A_455 : vector<16xi32>
      %shift_right_arithmetic3A_457 = arith.constant 1 : i32
      %shift_right_arithmetic3A_458 = vector.broadcast %shift_right_arithmetic3A_457 : i32 to vector<16xi32>
      %shift_right_arithmetic3A_459 = arith.shrsi %add3A_456, %shift_right_arithmetic3A_458 : vector<16xi32>
      %gather3A_460 = tpu.vector_load_idx %arg7[%shift_right_arithmetic3A_459] : memref<520xi32, #tpu.memory_space<vmem>>[vector<16xi32>], vector<16xi32>,
      %le3A_461 = arith.cmpi sle, %gather3A_460, %add3A_440 : vector<16xi32>
      %add3A_462 = arith.constant 1 : i32
      %add3A_463 = vector.broadcast %add3A_462 : i32 to vector<16xi32>
      %add3A_464 = arith.addi %shift_right_arithmetic3A_459, %add3A_463 : vector<16xi32>
      %select_n3A_465 = arith.select %le3A_461, %add3A_464, %select_n3A_454 : vector<16xi1>, vector<16xi32>
      %select_n3A_466 = arith.select %le3A_461, %select_n3A_455, %shift_right_arithmetic3A_459 : vector<16xi1>, vector<16xi32>
      %add3A_467 = arith.addi %select_n3A_465, %select_n3A_466 : vector<16xi32>
      %shift_right_arithmetic3A_468 = arith.constant 1 : i32
      %shift_right_arithmetic3A_469 = vector.broadcast %shift_right_arithmetic3A_468 : i32 to vector<16xi32>
      %shift_right_arithmetic3A_470 = arith.shrsi %add3A_467, %shift_right_arithmetic3A_469 : vector<16xi32>
      %gather3A_471 = tpu.vector_load_idx %arg7[%shift_right_arithmetic3A_470] : memref<520xi32, #tpu.memory_space<vmem>>[vector<16xi32>], vector<16xi32>,
      %le3A_472 = arith.cmpi sle, %gather3A_471, %add3A_440 : vector<16xi32>
      %add3A_473 = arith.constant 1 : i32
      %add3A_474 = vector.broadcast %add3A_473 : i32 to vector<16xi32>
      %add3A_475 = arith.addi %shift_right_arithmetic3A_470, %add3A_474 : vector<16xi32>
      %select_n3A_476 = arith.select %le3A_472, %add3A_475, %select_n3A_465 : vector<16xi1>, vector<16xi32>
      %select_n3A_477 = arith.select %le3A_472, %select_n3A_466, %shift_right_arithmetic3A_470 : vector<16xi1>, vector<16xi32>
      %add3A_478 = arith.addi %select_n3A_476, %select_n3A_477 : vector<16xi32>
      %shift_right_arithmetic3A_479 = arith.constant 1 : i32
      %shift_right_arithmetic3A_480 = vector.broadcast %shift_right_arithmetic3A_479 : i32 to vector<16xi32>
      %shift_right_arithmetic3A_481 = arith.shrsi %add3A_478, %shift_right_arithmetic3A_480 : vector<16xi32>
      %gather3A_482 = tpu.vector_load_idx %arg7[%shift_right_arithmetic3A_481] : memref<520xi32, #tpu.memory_space<vmem>>[vector<16xi32>], vector<16xi32>,
      %le3A_483 = arith.cmpi sle, %gather3A_482, %add3A_440 : vector<16xi32>
      %add3A_484 = arith.constant 1 : i32
      %add3A_485 = vector.broadcast %add3A_484 : i32 to vector<16xi32>
      %add3A_486 = arith.addi %shift_right_arithmetic3A_481, %add3A_485 : vector<16xi32>
      %select_n3A_487 = arith.select %le3A_483, %add3A_486, %select_n3A_476 : vector<16xi1>, vector<16xi32>
      %select_n3A_488 = arith.select %le3A_483, %select_n3A_477, %shift_right_arithmetic3A_481 : vector<16xi1>, vector<16xi32>
      %add3A_489 = arith.addi %select_n3A_487, %select_n3A_488 : vector<16xi32>
      %shift_right_arithmetic3A_490 = arith.constant 1 : i32
      %shift_right_arithmetic3A_491 = vector.broadcast %shift_right_arithmetic3A_490 : i32 to vector<16xi32>
      %shift_right_arithmetic3A_492 = arith.shrsi %add3A_489, %shift_right_arithmetic3A_491 : vector<16xi32>
      %gather3A_493 = tpu.vector_load_idx %arg7[%shift_right_arithmetic3A_492] : memref<520xi32, #tpu.memory_space<vmem>>[vector<16xi32>], vector<16xi32>,
      %le3A_494 = arith.cmpi sle, %gather3A_493, %add3A_440 : vector<16xi32>
      %add3A_495 = arith.constant 1 : i32
      %add3A_496 = vector.broadcast %add3A_495 : i32 to vector<16xi32>
      %add3A_497 = arith.addi %shift_right_arithmetic3A_492, %add3A_496 : vector<16xi32>
      %select_n3A_498 = arith.select %le3A_494, %add3A_497, %select_n3A_487 : vector<16xi1>, vector<16xi32>
      %select_n3A_499 = arith.select %le3A_494, %select_n3A_488, %shift_right_arithmetic3A_492 : vector<16xi1>, vector<16xi32>
      %add3A_500 = arith.addi %select_n3A_498, %select_n3A_499 : vector<16xi32>
      %shift_right_arithmetic3A_501 = arith.constant 1 : i32
      %shift_right_arithmetic3A_502 = vector.broadcast %shift_right_arithmetic3A_501 : i32 to vector<16xi32>
      %shift_right_arithmetic3A_503 = arith.shrsi %add3A_500, %shift_right_arithmetic3A_502 : vector<16xi32>
      %gather3A_504 = tpu.vector_load_idx %arg7[%shift_right_arithmetic3A_503] : memref<520xi32, #tpu.memory_space<vmem>>[vector<16xi32>], vector<16xi32>,
      %le3A_505 = arith.cmpi sle, %gather3A_504, %add3A_440 : vector<16xi32>
      %add3A_506 = arith.constant 1 : i32
      %add3A_507 = vector.broadcast %add3A_506 : i32 to vector<16xi32>
      %add3A_508 = arith.addi %shift_right_arithmetic3A_503, %add3A_507 : vector<16xi32>
      %select_n3A_509 = arith.select %le3A_505, %add3A_508, %select_n3A_498 : vector<16xi1>, vector<16xi32>
      %select_n3A_510 = arith.select %le3A_505, %select_n3A_499, %shift_right_arithmetic3A_503 : vector<16xi1>, vector<16xi32>
      %add3A_511 = arith.addi %select_n3A_509, %select_n3A_510 : vector<16xi32>
      %shift_right_arithmetic3A_512 = arith.constant 1 : i32
      %shift_right_arithmetic3A_513 = vector.broadcast %shift_right_arithmetic3A_512 : i32 to vector<16xi32>
      %shift_right_arithmetic3A_514 = arith.shrsi %add3A_511, %shift_right_arithmetic3A_513 : vector<16xi32>
      %gather3A_515 = tpu.vector_load_idx %arg7[%shift_right_arithmetic3A_514] : memref<520xi32, #tpu.memory_space<vmem>>[vector<16xi32>], vector<16xi32>,
      %le3A_516 = arith.cmpi sle, %gather3A_515, %add3A_440 : vector<16xi32>
      %add3A_517 = arith.constant 1 : i32
      %add3A_518 = vector.broadcast %add3A_517 : i32 to vector<16xi32>
      %add3A_519 = arith.addi %shift_right_arithmetic3A_514, %add3A_518 : vector<16xi32>
      %select_n3A_520 = arith.select %le3A_516, %add3A_519, %select_n3A_509 : vector<16xi1>, vector<16xi32>
      %select_n3A_521 = arith.select %le3A_516, %select_n3A_510, %shift_right_arithmetic3A_514 : vector<16xi1>, vector<16xi32>
      %add3A_522 = arith.addi %select_n3A_520, %select_n3A_521 : vector<16xi32>
      %shift_right_arithmetic3A_523 = arith.constant 1 : i32
      %shift_right_arithmetic3A_524 = vector.broadcast %shift_right_arithmetic3A_523 : i32 to vector<16xi32>
      %shift_right_arithmetic3A_525 = arith.shrsi %add3A_522, %shift_right_arithmetic3A_524 : vector<16xi32>
      %gather3A_526 = tpu.vector_load_idx %arg7[%shift_right_arithmetic3A_525] : memref<520xi32, #tpu.memory_space<vmem>>[vector<16xi32>], vector<16xi32>,
      %le3A_527 = arith.cmpi sle, %gather3A_526, %add3A_440 : vector<16xi32>
      %add3A_528 = arith.constant 1 : i32
      %add3A_529 = vector.broadcast %add3A_528 : i32 to vector<16xi32>
      %add3A_530 = arith.addi %shift_right_arithmetic3A_525, %add3A_529 : vector<16xi32>
      %select_n3A_531 = arith.select %le3A_527, %add3A_530, %select_n3A_520 : vector<16xi1>, vector<16xi32>
      %select_n3A_532 = arith.select %le3A_527, %select_n3A_521, %shift_right_arithmetic3A_525 : vector<16xi1>, vector<16xi32>
      %add3A_533 = arith.addi %select_n3A_531, %select_n3A_532 : vector<16xi32>
      %shift_right_arithmetic3A_534 = arith.constant 1 : i32
      %shift_right_arithmetic3A_535 = vector.broadcast %shift_right_arithmetic3A_534 : i32 to vector<16xi32>
      %shift_right_arithmetic3A_536 = arith.shrsi %add3A_533, %shift_right_arithmetic3A_535 : vector<16xi32>
      %gather3A_537 = tpu.vector_load_idx %arg7[%shift_right_arithmetic3A_536] : memref<520xi32, #tpu.memory_space<vmem>>[vector<16xi32>], vector<16xi32>,
      %le3A_538 = arith.cmpi sle, %gather3A_537, %add3A_440 : vector<16xi32>
      %add3A_539 = arith.constant 1 : i32
      %add3A_540 = vector.broadcast %add3A_539 : i32 to vector<16xi32>
      %add3A_541 = arith.addi %shift_right_arithmetic3A_536, %add3A_540 : vector<16xi32>
      %select_n3A_542 = arith.select %le3A_538, %add3A_541, %select_n3A_531 : vector<16xi1>, vector<16xi32>
      %select_n3A_543 = arith.select %le3A_538, %select_n3A_532, %shift_right_arithmetic3A_536 : vector<16xi1>, vector<16xi32>
      %add3A_544 = arith.addi %select_n3A_542, %select_n3A_543 : vector<16xi32>
      %shift_right_arithmetic3A_545 = arith.constant 1 : i32
      %shift_right_arithmetic3A_546 = vector.broadcast %shift_right_arithmetic3A_545 : i32 to vector<16xi32>
      %shift_right_arithmetic3A_547 = arith.shrsi %add3A_544, %shift_right_arithmetic3A_546 : vector<16xi32>
      %gather3A_548 = tpu.vector_load_idx %arg7[%shift_right_arithmetic3A_547] : memref<520xi32, #tpu.memory_space<vmem>>[vector<16xi32>], vector<16xi32>,
      %le3A_549 = arith.cmpi sle, %gather3A_548, %add3A_440 : vector<16xi32>
      %add3A_550 = arith.constant 1 : i32
      %add3A_551 = vector.broadcast %add3A_550 : i32 to vector<16xi32>
      %add3A_552 = arith.addi %shift_right_arithmetic3A_547, %add3A_551 : vector<16xi32>
      %select_n3A_553 = arith.select %le3A_549, %add3A_552, %select_n3A_542 : vector<16xi1>, vector<16xi32>
      %select_n3A_554 = arith.select %le3A_549, %select_n3A_543, %shift_right_arithmetic3A_547 : vector<16xi1>, vector<16xi32>
      %ge3A_555 = vector.broadcast %squeeze3A : i32 to vector<16xi32>
      %ge3A_556 = arith.cmpi sge, %add3A_440, %ge3A_555 : vector<16xi32>
      %lt3A_557 = vector.broadcast %squeeze3A_9 : i32 to vector<16xi32>
      %lt3A_558 = arith.cmpi slt, %add3A_440, %lt3A_557 : vector<16xi32>
      %and3A_559 = arith.andi %ge3A_556, %lt3A_558 : vector<16xi1>
      %mul3A_560 = arith.constant 512 : i32
      %mul3A_561 = arith.muli %arg1, %mul3A_560 : i32
      %sub3A_562 = arith.constant 1 : i32
      %sub3A_563 = vector.broadcast %sub3A_562 : i32 to vector<16xi32>
      %sub3A_564 = arith.subi %select_n3A_553, %sub3A_563 : vector<16xi32>
      %add3A_565 = vector.broadcast %mul3A_561 : i32 to vector<16xi32>
      %add3A_566 = arith.addi %add3A_565, %sub3A_564 : vector<16xi32>
      %jit3A_567 = arith.constant 8192 : i32
      %broadcast_in_dim3A_568 = vector.broadcast %jit3A_567 : i32 to vector<16xi32>
      %select_n3A_569 = arith.select %and3A_559, %add3A_566, %broadcast_in_dim3A_568 : vector<16xi1>, vector<16xi32>
      %swap3A_570 = arith.constant 0 : i32
      %swap3A_571 = arith.index_cast %swap3A_570 : i32 to index
      %swap3A_572 = arith.constant 48 : index
      %swap3A_573 = tpu.vector_load %arg9[%swap3A_571, %swap3A_572] {strides = array<i32>} : memref<1x128xi32, #tpu.memory_space<vmem>>, vector<16xi32>,
      tpu.vector_store %arg9[%swap3A_571, %swap3A_572], %select_n3A_569 {strides = array<i32>} : memref<1x128xi32, #tpu.memory_space<vmem>>, vector<16xi32>,
      %add3A_574 = arith.constant 64 : i32
      %add3A_575 = arith.addi %mul3A_29, %add3A_574 : i32
      %add3A_576 = vector.broadcast %add3A_575 : i32 to vector<16xi32>
      %add3A_577 = arith.addi %add3A_576, %iota3A : vector<16xi32>
      %broadcast_in_dim3A_578 = arith.constant 0 : i32
      %broadcast_in_dim3A_579 = vector.broadcast %broadcast_in_dim3A_578 : i32 to vector<16xi32>
      %broadcast_in_dim3A_580 = arith.constant 513 : i32
      %broadcast_in_dim3A_581 = vector.broadcast %broadcast_in_dim3A_580 : i32 to vector<16xi32>
      %add3A_582 = arith.addi %broadcast_in_dim3A_579, %broadcast_in_dim3A_581 : vector<16xi32>
      %shift_right_arithmetic3A_583 = arith.constant 1 : i32
      %shift_right_arithmetic3A_584 = vector.broadcast %shift_right_arithmetic3A_583 : i32 to vector<16xi32>
      %shift_right_arithmetic3A_585 = arith.shrsi %add3A_582, %shift_right_arithmetic3A_584 : vector<16xi32>
      %gather3A_586 = tpu.vector_load_idx %arg7[%shift_right_arithmetic3A_585] : memref<520xi32, #tpu.memory_space<vmem>>[vector<16xi32>], vector<16xi32>,
      %le3A_587 = arith.cmpi sle, %gather3A_586, %add3A_577 : vector<16xi32>
      %add3A_588 = arith.constant 1 : i32
      %add3A_589 = vector.broadcast %add3A_588 : i32 to vector<16xi32>
      %add3A_590 = arith.addi %shift_right_arithmetic3A_585, %add3A_589 : vector<16xi32>
      %select_n3A_591 = arith.select %le3A_587, %add3A_590, %broadcast_in_dim3A_579 : vector<16xi1>, vector<16xi32>
      %select_n3A_592 = arith.select %le3A_587, %broadcast_in_dim3A_581, %shift_right_arithmetic3A_585 : vector<16xi1>, vector<16xi32>
      %add3A_593 = arith.addi %select_n3A_591, %select_n3A_592 : vector<16xi32>
      %shift_right_arithmetic3A_594 = arith.constant 1 : i32
      %shift_right_arithmetic3A_595 = vector.broadcast %shift_right_arithmetic3A_594 : i32 to vector<16xi32>
      %shift_right_arithmetic3A_596 = arith.shrsi %add3A_593, %shift_right_arithmetic3A_595 : vector<16xi32>
      %gather3A_597 = tpu.vector_load_idx %arg7[%shift_right_arithmetic3A_596] : memref<520xi32, #tpu.memory_space<vmem>>[vector<16xi32>], vector<16xi32>,
      %le3A_598 = arith.cmpi sle, %gather3A_597, %add3A_577 : vector<16xi32>
      %add3A_599 = arith.constant 1 : i32
      %add3A_600 = vector.broadcast %add3A_599 : i32 to vector<16xi32>
      %add3A_601 = arith.addi %shift_right_arithmetic3A_596, %add3A_600 : vector<16xi32>
      %select_n3A_602 = arith.select %le3A_598, %add3A_601, %select_n3A_591 : vector<16xi1>, vector<16xi32>
      %select_n3A_603 = arith.select %le3A_598, %select_n3A_592, %shift_right_arithmetic3A_596 : vector<16xi1>, vector<16xi32>
      %add3A_604 = arith.addi %select_n3A_602, %select_n3A_603 : vector<16xi32>
      %shift_right_arithmetic3A_605 = arith.constant 1 : i32
      %shift_right_arithmetic3A_606 = vector.broadcast %shift_right_arithmetic3A_605 : i32 to vector<16xi32>
      %shift_right_arithmetic3A_607 = arith.shrsi %add3A_604, %shift_right_arithmetic3A_606 : vector<16xi32>
      %gather3A_608 = tpu.vector_load_idx %arg7[%shift_right_arithmetic3A_607] : memref<520xi32, #tpu.memory_space<vmem>>[vector<16xi32>], vector<16xi32>,
      %le3A_609 = arith.cmpi sle, %gather3A_608, %add3A_577 : vector<16xi32>
      %add3A_610 = arith.constant 1 : i32
      %add3A_611 = vector.broadcast %add3A_610 : i32 to vector<16xi32>
      %add3A_612 = arith.addi %shift_right_arithmetic3A_607, %add3A_611 : vector<16xi32>
      %select_n3A_613 = arith.select %le3A_609, %add3A_612, %select_n3A_602 : vector<16xi1>, vector<16xi32>
      %select_n3A_614 = arith.select %le3A_609, %select_n3A_603, %shift_right_arithmetic3A_607 : vector<16xi1>, vector<16xi32>
      %add3A_615 = arith.addi %select_n3A_613, %select_n3A_614 : vector<16xi32>
      %shift_right_arithmetic3A_616 = arith.constant 1 : i32
      %shift_right_arithmetic3A_617 = vector.broadcast %shift_right_arithmetic3A_616 : i32 to vector<16xi32>
      %shift_right_arithmetic3A_618 = arith.shrsi %add3A_615, %shift_right_arithmetic3A_617 : vector<16xi32>
      %gather3A_619 = tpu.vector_load_idx %arg7[%shift_right_arithmetic3A_618] : memref<520xi32, #tpu.memory_space<vmem>>[vector<16xi32>], vector<16xi32>,
      %le3A_620 = arith.cmpi sle, %gather3A_619, %add3A_577 : vector<16xi32>
      %add3A_621 = arith.constant 1 : i32
      %add3A_622 = vector.broadcast %add3A_621 : i32 to vector<16xi32>
      %add3A_623 = arith.addi %shift_right_arithmetic3A_618, %add3A_622 : vector<16xi32>
      %select_n3A_624 = arith.select %le3A_620, %add3A_623, %select_n3A_613 : vector<16xi1>, vector<16xi32>
      %select_n3A_625 = arith.select %le3A_620, %select_n3A_614, %shift_right_arithmetic3A_618 : vector<16xi1>, vector<16xi32>
      %add3A_626 = arith.addi %select_n3A_624, %select_n3A_625 : vector<16xi32>
      %shift_right_arithmetic3A_627 = arith.constant 1 : i32
      %shift_right_arithmetic3A_628 = vector.broadcast %shift_right_arithmetic3A_627 : i32 to vector<16xi32>
      %shift_right_arithmetic3A_629 = arith.shrsi %add3A_626, %shift_right_arithmetic3A_628 : vector<16xi32>
      %gather3A_630 = tpu.vector_load_idx %arg7[%shift_right_arithmetic3A_629] : memref<520xi32, #tpu.memory_space<vmem>>[vector<16xi32>], vector<16xi32>,
      %le3A_631 = arith.cmpi sle, %gather3A_630, %add3A_577 : vector<16xi32>
      %add3A_632 = arith.constant 1 : i32
      %add3A_633 = vector.broadcast %add3A_632 : i32 to vector<16xi32>
      %add3A_634 = arith.addi %shift_right_arithmetic3A_629, %add3A_633 : vector<16xi32>
      %select_n3A_635 = arith.select %le3A_631, %add3A_634, %select_n3A_624 : vector<16xi1>, vector<16xi32>
      %select_n3A_636 = arith.select %le3A_631, %select_n3A_625, %shift_right_arithmetic3A_629 : vector<16xi1>, vector<16xi32>
      %add3A_637 = arith.addi %select_n3A_635, %select_n3A_636 : vector<16xi32>
      %shift_right_arithmetic3A_638 = arith.constant 1 : i32
      %shift_right_arithmetic3A_639 = vector.broadcast %shift_right_arithmetic3A_638 : i32 to vector<16xi32>
      %shift_right_arithmetic3A_640 = arith.shrsi %add3A_637, %shift_right_arithmetic3A_639 : vector<16xi32>
      %gather3A_641 = tpu.vector_load_idx %arg7[%shift_right_arithmetic3A_640] : memref<520xi32, #tpu.memory_space<vmem>>[vector<16xi32>], vector<16xi32>,
      %le3A_642 = arith.cmpi sle, %gather3A_641, %add3A_577 : vector<16xi32>
      %add3A_643 = arith.constant 1 : i32
      %add3A_644 = vector.broadcast %add3A_643 : i32 to vector<16xi32>
      %add3A_645 = arith.addi %shift_right_arithmetic3A_640, %add3A_644 : vector<16xi32>
      %select_n3A_646 = arith.select %le3A_642, %add3A_645, %select_n3A_635 : vector<16xi1>, vector<16xi32>
      %select_n3A_647 = arith.select %le3A_642, %select_n3A_636, %shift_right_arithmetic3A_640 : vector<16xi1>, vector<16xi32>
      %add3A_648 = arith.addi %select_n3A_646, %select_n3A_647 : vector<16xi32>
      %shift_right_arithmetic3A_649 = arith.constant 1 : i32
      %shift_right_arithmetic3A_650 = vector.broadcast %shift_right_arithmetic3A_649 : i32 to vector<16xi32>
      %shift_right_arithmetic3A_651 = arith.shrsi %add3A_648, %shift_right_arithmetic3A_650 : vector<16xi32>
      %gather3A_652 = tpu.vector_load_idx %arg7[%shift_right_arithmetic3A_651] : memref<520xi32, #tpu.memory_space<vmem>>[vector<16xi32>], vector<16xi32>,
      %le3A_653 = arith.cmpi sle, %gather3A_652, %add3A_577 : vector<16xi32>
      %add3A_654 = arith.constant 1 : i32
      %add3A_655 = vector.broadcast %add3A_654 : i32 to vector<16xi32>
      %add3A_656 = arith.addi %shift_right_arithmetic3A_651, %add3A_655 : vector<16xi32>
      %select_n3A_657 = arith.select %le3A_653, %add3A_656, %select_n3A_646 : vector<16xi1>, vector<16xi32>
      %select_n3A_658 = arith.select %le3A_653, %select_n3A_647, %shift_right_arithmetic3A_651 : vector<16xi1>, vector<16xi32>
      %add3A_659 = arith.addi %select_n3A_657, %select_n3A_658 : vector<16xi32>
      %shift_right_arithmetic3A_660 = arith.constant 1 : i32
      %shift_right_arithmetic3A_661 = vector.broadcast %shift_right_arithmetic3A_660 : i32 to vector<16xi32>
      %shift_right_arithmetic3A_662 = arith.shrsi %add3A_659, %shift_right_arithmetic3A_661 : vector<16xi32>
      %gather3A_663 = tpu.vector_load_idx %arg7[%shift_right_arithmetic3A_662] : memref<520xi32, #tpu.memory_space<vmem>>[vector<16xi32>], vector<16xi32>,
      %le3A_664 = arith.cmpi sle, %gather3A_663, %add3A_577 : vector<16xi32>
      %add3A_665 = arith.constant 1 : i32
      %add3A_666 = vector.broadcast %add3A_665 : i32 to vector<16xi32>
      %add3A_667 = arith.addi %shift_right_arithmetic3A_662, %add3A_666 : vector<16xi32>
      %select_n3A_668 = arith.select %le3A_664, %add3A_667, %select_n3A_657 : vector<16xi1>, vector<16xi32>
      %select_n3A_669 = arith.select %le3A_664, %select_n3A_658, %shift_right_arithmetic3A_662 : vector<16xi1>, vector<16xi32>
      %add3A_670 = arith.addi %select_n3A_668, %select_n3A_669 : vector<16xi32>
      %shift_right_arithmetic3A_671 = arith.constant 1 : i32
      %shift_right_arithmetic3A_672 = vector.broadcast %shift_right_arithmetic3A_671 : i32 to vector<16xi32>
      %shift_right_arithmetic3A_673 = arith.shrsi %add3A_670, %shift_right_arithmetic3A_672 : vector<16xi32>
      %gather3A_674 = tpu.vector_load_idx %arg7[%shift_right_arithmetic3A_673] : memref<520xi32, #tpu.memory_space<vmem>>[vector<16xi32>], vector<16xi32>,
      %le3A_675 = arith.cmpi sle, %gather3A_674, %add3A_577 : vector<16xi32>
      %add3A_676 = arith.constant 1 : i32
      %add3A_677 = vector.broadcast %add3A_676 : i32 to vector<16xi32>
      %add3A_678 = arith.addi %shift_right_arithmetic3A_673, %add3A_677 : vector<16xi32>
      %select_n3A_679 = arith.select %le3A_675, %add3A_678, %select_n3A_668 : vector<16xi1>, vector<16xi32>
      %select_n3A_680 = arith.select %le3A_675, %select_n3A_669, %shift_right_arithmetic3A_673 : vector<16xi1>, vector<16xi32>
      %add3A_681 = arith.addi %select_n3A_679, %select_n3A_680 : vector<16xi32>
      %shift_right_arithmetic3A_682 = arith.constant 1 : i32
      %shift_right_arithmetic3A_683 = vector.broadcast %shift_right_arithmetic3A_682 : i32 to vector<16xi32>
      %shift_right_arithmetic3A_684 = arith.shrsi %add3A_681, %shift_right_arithmetic3A_683 : vector<16xi32>
      %gather3A_685 = tpu.vector_load_idx %arg7[%shift_right_arithmetic3A_684] : memref<520xi32, #tpu.memory_space<vmem>>[vector<16xi32>], vector<16xi32>,
      %le3A_686 = arith.cmpi sle, %gather3A_685, %add3A_577 : vector<16xi32>
      %add3A_687 = arith.constant 1 : i32
      %add3A_688 = vector.broadcast %add3A_687 : i32 to vector<16xi32>
      %add3A_689 = arith.addi %shift_right_arithmetic3A_684, %add3A_688 : vector<16xi32>
      %select_n3A_690 = arith.select %le3A_686, %add3A_689, %select_n3A_679 : vector<16xi1>, vector<16xi32>
      %select_n3A_691 = arith.select %le3A_686, %select_n3A_680, %shift_right_arithmetic3A_684 : vector<16xi1>, vector<16xi32>
      %ge3A_692 = vector.broadcast %squeeze3A : i32 to vector<16xi32>
      %ge3A_693 = arith.cmpi sge, %add3A_577, %ge3A_692 : vector<16xi32>
      %lt3A_694 = vector.broadcast %squeeze3A_9 : i32 to vector<16xi32>
      %lt3A_695 = arith.cmpi slt, %add3A_577, %lt3A_694 : vector<16xi32>
      %and3A_696 = arith.andi %ge3A_693, %lt3A_695 : vector<16xi1>
      %mul3A_697 = arith.constant 512 : i32
      %mul3A_698 = arith.muli %arg1, %mul3A_697 : i32
      %sub3A_699 = arith.constant 1 : i32
      %sub3A_700 = vector.broadcast %sub3A_699 : i32 to vector<16xi32>
      %sub3A_701 = arith.subi %select_n3A_690, %sub3A_700 : vector<16xi32>
      %add3A_702 = vector.broadcast %mul3A_698 : i32 to vector<16xi32>
      %add3A_703 = arith.addi %add3A_702, %sub3A_701 : vector<16xi32>
      %jit3A_704 = arith.constant 8192 : i32
      %broadcast_in_dim3A_705 = vector.broadcast %jit3A_704 : i32 to vector<16xi32>
      %select_n3A_706 = arith.select %and3A_696, %add3A_703, %broadcast_in_dim3A_705 : vector<16xi1>, vector<16xi32>
      %swap3A_707 = arith.constant 0 : i32
      %swap3A_708 = arith.index_cast %swap3A_707 : i32 to index
      %swap3A_709 = arith.constant 64 : index
      %swap3A_710 = tpu.vector_load %arg9[%swap3A_708, %swap3A_709] {strides = array<i32>} : memref<1x128xi32, #tpu.memory_space<vmem>>, vector<16xi32>,
      tpu.vector_store %arg9[%swap3A_708, %swap3A_709], %select_n3A_706 {strides = array<i32>} : memref<1x128xi32, #tpu.memory_space<vmem>>, vector<16xi32>,
      %add3A_711 = arith.constant 80 : i32
      %add3A_712 = arith.addi %mul3A_29, %add3A_711 : i32
      %add3A_713 = vector.broadcast %add3A_712 : i32 to vector<16xi32>
      %add3A_714 = arith.addi %add3A_713, %iota3A : vector<16xi32>
      %broadcast_in_dim3A_715 = arith.constant 0 : i32
      %broadcast_in_dim3A_716 = vector.broadcast %broadcast_in_dim3A_715 : i32 to vector<16xi32>
      %broadcast_in_dim3A_717 = arith.constant 513 : i32
      %broadcast_in_dim3A_718 = vector.broadcast %broadcast_in_dim3A_717 : i32 to vector<16xi32>
      %add3A_719 = arith.addi %broadcast_in_dim3A_716, %broadcast_in_dim3A_718 : vector<16xi32>
      %shift_right_arithmetic3A_720 = arith.constant 1 : i32
      %shift_right_arithmetic3A_721 = vector.broadcast %shift_right_arithmetic3A_720 : i32 to vector<16xi32>
      %shift_right_arithmetic3A_722 = arith.shrsi %add3A_719, %shift_right_arithmetic3A_721 : vector<16xi32>
      %gather3A_723 = tpu.vector_load_idx %arg7[%shift_right_arithmetic3A_722] : memref<520xi32, #tpu.memory_space<vmem>>[vector<16xi32>], vector<16xi32>,
      %le3A_724 = arith.cmpi sle, %gather3A_723, %add3A_714 : vector<16xi32>
      %add3A_725 = arith.constant 1 : i32
      %add3A_726 = vector.broadcast %add3A_725 : i32 to vector<16xi32>
      %add3A_727 = arith.addi %shift_right_arithmetic3A_722, %add3A_726 : vector<16xi32>
      %select_n3A_728 = arith.select %le3A_724, %add3A_727, %broadcast_in_dim3A_716 : vector<16xi1>, vector<16xi32>
      %select_n3A_729 = arith.select %le3A_724, %broadcast_in_dim3A_718, %shift_right_arithmetic3A_722 : vector<16xi1>, vector<16xi32>
      %add3A_730 = arith.addi %select_n3A_728, %select_n3A_729 : vector<16xi32>
      %shift_right_arithmetic3A_731 = arith.constant 1 : i32
      %shift_right_arithmetic3A_732 = vector.broadcast %shift_right_arithmetic3A_731 : i32 to vector<16xi32>
      %shift_right_arithmetic3A_733 = arith.shrsi %add3A_730, %shift_right_arithmetic3A_732 : vector<16xi32>
      %gather3A_734 = tpu.vector_load_idx %arg7[%shift_right_arithmetic3A_733] : memref<520xi32, #tpu.memory_space<vmem>>[vector<16xi32>], vector<16xi32>,
      %le3A_735 = arith.cmpi sle, %gather3A_734, %add3A_714 : vector<16xi32>
      %add3A_736 = arith.constant 1 : i32
      %add3A_737 = vector.broadcast %add3A_736 : i32 to vector<16xi32>
      %add3A_738 = arith.addi %shift_right_arithmetic3A_733, %add3A_737 : vector<16xi32>
      %select_n3A_739 = arith.select %le3A_735, %add3A_738, %select_n3A_728 : vector<16xi1>, vector<16xi32>
      %select_n3A_740 = arith.select %le3A_735, %select_n3A_729, %shift_right_arithmetic3A_733 : vector<16xi1>, vector<16xi32>
      %add3A_741 = arith.addi %select_n3A_739, %select_n3A_740 : vector<16xi32>
      %shift_right_arithmetic3A_742 = arith.constant 1 : i32
      %shift_right_arithmetic3A_743 = vector.broadcast %shift_right_arithmetic3A_742 : i32 to vector<16xi32>
      %shift_right_arithmetic3A_744 = arith.shrsi %add3A_741, %shift_right_arithmetic3A_743 : vector<16xi32>
      %gather3A_745 = tpu.vector_load_idx %arg7[%shift_right_arithmetic3A_744] : memref<520xi32, #tpu.memory_space<vmem>>[vector<16xi32>], vector<16xi32>,
      %le3A_746 = arith.cmpi sle, %gather3A_745, %add3A_714 : vector<16xi32>
      %add3A_747 = arith.constant 1 : i32
      %add3A_748 = vector.broadcast %add3A_747 : i32 to vector<16xi32>
      %add3A_749 = arith.addi %shift_right_arithmetic3A_744, %add3A_748 : vector<16xi32>
      %select_n3A_750 = arith.select %le3A_746, %add3A_749, %select_n3A_739 : vector<16xi1>, vector<16xi32>
      %select_n3A_751 = arith.select %le3A_746, %select_n3A_740, %shift_right_arithmetic3A_744 : vector<16xi1>, vector<16xi32>
      %add3A_752 = arith.addi %select_n3A_750, %select_n3A_751 : vector<16xi32>
      %shift_right_arithmetic3A_753 = arith.constant 1 : i32
      %shift_right_arithmetic3A_754 = vector.broadcast %shift_right_arithmetic3A_753 : i32 to vector<16xi32>
      %shift_right_arithmetic3A_755 = arith.shrsi %add3A_752, %shift_right_arithmetic3A_754 : vector<16xi32>
      %gather3A_756 = tpu.vector_load_idx %arg7[%shift_right_arithmetic3A_755] : memref<520xi32, #tpu.memory_space<vmem>>[vector<16xi32>], vector<16xi32>,
      %le3A_757 = arith.cmpi sle, %gather3A_756, %add3A_714 : vector<16xi32>
      %add3A_758 = arith.constant 1 : i32
      %add3A_759 = vector.broadcast %add3A_758 : i32 to vector<16xi32>
      %add3A_760 = arith.addi %shift_right_arithmetic3A_755, %add3A_759 : vector<16xi32>
      %select_n3A_761 = arith.select %le3A_757, %add3A_760, %select_n3A_750 : vector<16xi1>, vector<16xi32>
      %select_n3A_762 = arith.select %le3A_757, %select_n3A_751, %shift_right_arithmetic3A_755 : vector<16xi1>, vector<16xi32>
      %add3A_763 = arith.addi %select_n3A_761, %select_n3A_762 : vector<16xi32>
      %shift_right_arithmetic3A_764 = arith.constant 1 : i32
      %shift_right_arithmetic3A_765 = vector.broadcast %shift_right_arithmetic3A_764 : i32 to vector<16xi32>
      %shift_right_arithmetic3A_766 = arith.shrsi %add3A_763, %shift_right_arithmetic3A_765 : vector<16xi32>
      %gather3A_767 = tpu.vector_load_idx %arg7[%shift_right_arithmetic3A_766] : memref<520xi32, #tpu.memory_space<vmem>>[vector<16xi32>], vector<16xi32>,
      %le3A_768 = arith.cmpi sle, %gather3A_767, %add3A_714 : vector<16xi32>
      %add3A_769 = arith.constant 1 : i32
      %add3A_770 = vector.broadcast %add3A_769 : i32 to vector<16xi32>
      %add3A_771 = arith.addi %shift_right_arithmetic3A_766, %add3A_770 : vector<16xi32>
      %select_n3A_772 = arith.select %le3A_768, %add3A_771, %select_n3A_761 : vector<16xi1>, vector<16xi32>
      %select_n3A_773 = arith.select %le3A_768, %select_n3A_762, %shift_right_arithmetic3A_766 : vector<16xi1>, vector<16xi32>
      %add3A_774 = arith.addi %select_n3A_772, %select_n3A_773 : vector<16xi32>
      %shift_right_arithmetic3A_775 = arith.constant 1 : i32
      %shift_right_arithmetic3A_776 = vector.broadcast %shift_right_arithmetic3A_775 : i32 to vector<16xi32>
      %shift_right_arithmetic3A_777 = arith.shrsi %add3A_774, %shift_right_arithmetic3A_776 : vector<16xi32>
      %gather3A_778 = tpu.vector_load_idx %arg7[%shift_right_arithmetic3A_777] : memref<520xi32, #tpu.memory_space<vmem>>[vector<16xi32>], vector<16xi32>,
      %le3A_779 = arith.cmpi sle, %gather3A_778, %add3A_714 : vector<16xi32>
      %add3A_780 = arith.constant 1 : i32
      %add3A_781 = vector.broadcast %add3A_780 : i32 to vector<16xi32>
      %add3A_782 = arith.addi %shift_right_arithmetic3A_777, %add3A_781 : vector<16xi32>
      %select_n3A_783 = arith.select %le3A_779, %add3A_782, %select_n3A_772 : vector<16xi1>, vector<16xi32>
      %select_n3A_784 = arith.select %le3A_779, %select_n3A_773, %shift_right_arithmetic3A_777 : vector<16xi1>, vector<16xi32>
      %add3A_785 = arith.addi %select_n3A_783, %select_n3A_784 : vector<16xi32>
      %shift_right_arithmetic3A_786 = arith.constant 1 : i32
      %shift_right_arithmetic3A_787 = vector.broadcast %shift_right_arithmetic3A_786 : i32 to vector<16xi32>
      %shift_right_arithmetic3A_788 = arith.shrsi %add3A_785, %shift_right_arithmetic3A_787 : vector<16xi32>
      %gather3A_789 = tpu.vector_load_idx %arg7[%shift_right_arithmetic3A_788] : memref<520xi32, #tpu.memory_space<vmem>>[vector<16xi32>], vector<16xi32>,
      %le3A_790 = arith.cmpi sle, %gather3A_789, %add3A_714 : vector<16xi32>
      %add3A_791 = arith.constant 1 : i32
      %add3A_792 = vector.broadcast %add3A_791 : i32 to vector<16xi32>
      %add3A_793 = arith.addi %shift_right_arithmetic3A_788, %add3A_792 : vector<16xi32>
      %select_n3A_794 = arith.select %le3A_790, %add3A_793, %select_n3A_783 : vector<16xi1>, vector<16xi32>
      %select_n3A_795 = arith.select %le3A_790, %select_n3A_784, %shift_right_arithmetic3A_788 : vector<16xi1>, vector<16xi32>
      %add3A_796 = arith.addi %select_n3A_794, %select_n3A_795 : vector<16xi32>
      %shift_right_arithmetic3A_797 = arith.constant 1 : i32
      %shift_right_arithmetic3A_798 = vector.broadcast %shift_right_arithmetic3A_797 : i32 to vector<16xi32>
      %shift_right_arithmetic3A_799 = arith.shrsi %add3A_796, %shift_right_arithmetic3A_798 : vector<16xi32>
      %gather3A_800 = tpu.vector_load_idx %arg7[%shift_right_arithmetic3A_799] : memref<520xi32, #tpu.memory_space<vmem>>[vector<16xi32>], vector<16xi32>,
      %le3A_801 = arith.cmpi sle, %gather3A_800, %add3A_714 : vector<16xi32>
      %add3A_802 = arith.constant 1 : i32
      %add3A_803 = vector.broadcast %add3A_802 : i32 to vector<16xi32>
      %add3A_804 = arith.addi %shift_right_arithmetic3A_799, %add3A_803 : vector<16xi32>
      %select_n3A_805 = arith.select %le3A_801, %add3A_804, %select_n3A_794 : vector<16xi1>, vector<16xi32>
      %select_n3A_806 = arith.select %le3A_801, %select_n3A_795, %shift_right_arithmetic3A_799 : vector<16xi1>, vector<16xi32>
      %add3A_807 = arith.addi %select_n3A_805, %select_n3A_806 : vector<16xi32>
      %shift_right_arithmetic3A_808 = arith.constant 1 : i32
      %shift_right_arithmetic3A_809 = vector.broadcast %shift_right_arithmetic3A_808 : i32 to vector<16xi32>
      %shift_right_arithmetic3A_810 = arith.shrsi %add3A_807, %shift_right_arithmetic3A_809 : vector<16xi32>
      %gather3A_811 = tpu.vector_load_idx %arg7[%shift_right_arithmetic3A_810] : memref<520xi32, #tpu.memory_space<vmem>>[vector<16xi32>], vector<16xi32>,
      %le3A_812 = arith.cmpi sle, %gather3A_811, %add3A_714 : vector<16xi32>
      %add3A_813 = arith.constant 1 : i32
      %add3A_814 = vector.broadcast %add3A_813 : i32 to vector<16xi32>
      %add3A_815 = arith.addi %shift_right_arithmetic3A_810, %add3A_814 : vector<16xi32>
      %select_n3A_816 = arith.select %le3A_812, %add3A_815, %select_n3A_805 : vector<16xi1>, vector<16xi32>
      %select_n3A_817 = arith.select %le3A_812, %select_n3A_806, %shift_right_arithmetic3A_810 : vector<16xi1>, vector<16xi32>
      %add3A_818 = arith.addi %select_n3A_816, %select_n3A_817 : vector<16xi32>
      %shift_right_arithmetic3A_819 = arith.constant 1 : i32
      %shift_right_arithmetic3A_820 = vector.broadcast %shift_right_arithmetic3A_819 : i32 to vector<16xi32>
      %shift_right_arithmetic3A_821 = arith.shrsi %add3A_818, %shift_right_arithmetic3A_820 : vector<16xi32>
      %gather3A_822 = tpu.vector_load_idx %arg7[%shift_right_arithmetic3A_821] : memref<520xi32, #tpu.memory_space<vmem>>[vector<16xi32>], vector<16xi32>,
      %le3A_823 = arith.cmpi sle, %gather3A_822, %add3A_714 : vector<16xi32>
      %add3A_824 = arith.constant 1 : i32
      %add3A_825 = vector.broadcast %add3A_824 : i32 to vector<16xi32>
      %add3A_826 = arith.addi %shift_right_arithmetic3A_821, %add3A_825 : vector<16xi32>
      %select_n3A_827 = arith.select %le3A_823, %add3A_826, %select_n3A_816 : vector<16xi1>, vector<16xi32>
      %select_n3A_828 = arith.select %le3A_823, %select_n3A_817, %shift_right_arithmetic3A_821 : vector<16xi1>, vector<16xi32>
      %ge3A_829 = vector.broadcast %squeeze3A : i32 to vector<16xi32>
      %ge3A_830 = arith.cmpi sge, %add3A_714, %ge3A_829 : vector<16xi32>
      %lt3A_831 = vector.broadcast %squeeze3A_9 : i32 to vector<16xi32>
      %lt3A_832 = arith.cmpi slt, %add3A_714, %lt3A_831 : vector<16xi32>
      %and3A_833 = arith.andi %ge3A_830, %lt3A_832 : vector<16xi1>
      %mul3A_834 = arith.constant 512 : i32
      %mul3A_835 = arith.muli %arg1, %mul3A_834 : i32
      %sub3A_836 = arith.constant 1 : i32
      %sub3A_837 = vector.broadcast %sub3A_836 : i32 to vector<16xi32>
      %sub3A_838 = arith.subi %select_n3A_827, %sub3A_837 : vector<16xi32>
      %add3A_839 = vector.broadcast %mul3A_835 : i32 to vector<16xi32>
      %add3A_840 = arith.addi %add3A_839, %sub3A_838 : vector<16xi32>
      %jit3A_841 = arith.constant 8192 : i32
      %broadcast_in_dim3A_842 = vector.broadcast %jit3A_841 : i32 to vector<16xi32>
      %select_n3A_843 = arith.select %and3A_833, %add3A_840, %broadcast_in_dim3A_842 : vector<16xi1>, vector<16xi32>
      %swap3A_844 = arith.constant 0 : i32
      %swap3A_845 = arith.index_cast %swap3A_844 : i32 to index
      %swap3A_846 = arith.constant 80 : index
      %swap3A_847 = tpu.vector_load %arg9[%swap3A_845, %swap3A_846] {strides = array<i32>} : memref<1x128xi32, #tpu.memory_space<vmem>>, vector<16xi32>,
      tpu.vector_store %arg9[%swap3A_845, %swap3A_846], %select_n3A_843 {strides = array<i32>} : memref<1x128xi32, #tpu.memory_space<vmem>>, vector<16xi32>,
      %add3A_848 = arith.constant 96 : i32
      %add3A_849 = arith.addi %mul3A_29, %add3A_848 : i32
      %add3A_850 = vector.broadcast %add3A_849 : i32 to vector<16xi32>
      %add3A_851 = arith.addi %add3A_850, %iota3A : vector<16xi32>
      %broadcast_in_dim3A_852 = arith.constant 0 : i32
      %broadcast_in_dim3A_853 = vector.broadcast %broadcast_in_dim3A_852 : i32 to vector<16xi32>
      %broadcast_in_dim3A_854 = arith.constant 513 : i32
      %broadcast_in_dim3A_855 = vector.broadcast %broadcast_in_dim3A_854 : i32 to vector<16xi32>
      %add3A_856 = arith.addi %broadcast_in_dim3A_853, %broadcast_in_dim3A_855 : vector<16xi32>
      %shift_right_arithmetic3A_857 = arith.constant 1 : i32
      %shift_right_arithmetic3A_858 = vector.broadcast %shift_right_arithmetic3A_857 : i32 to vector<16xi32>
      %shift_right_arithmetic3A_859 = arith.shrsi %add3A_856, %shift_right_arithmetic3A_858 : vector<16xi32>
      %gather3A_860 = tpu.vector_load_idx %arg7[%shift_right_arithmetic3A_859] : memref<520xi32, #tpu.memory_space<vmem>>[vector<16xi32>], vector<16xi32>,
      %le3A_861 = arith.cmpi sle, %gather3A_860, %add3A_851 : vector<16xi32>
      %add3A_862 = arith.constant 1 : i32
      %add3A_863 = vector.broadcast %add3A_862 : i32 to vector<16xi32>
      %add3A_864 = arith.addi %shift_right_arithmetic3A_859, %add3A_863 : vector<16xi32>
      %select_n3A_865 = arith.select %le3A_861, %add3A_864, %broadcast_in_dim3A_853 : vector<16xi1>, vector<16xi32>
      %select_n3A_866 = arith.select %le3A_861, %broadcast_in_dim3A_855, %shift_right_arithmetic3A_859 : vector<16xi1>, vector<16xi32>
      %add3A_867 = arith.addi %select_n3A_865, %select_n3A_866 : vector<16xi32>
      %shift_right_arithmetic3A_868 = arith.constant 1 : i32
      %shift_right_arithmetic3A_869 = vector.broadcast %shift_right_arithmetic3A_868 : i32 to vector<16xi32>
      %shift_right_arithmetic3A_870 = arith.shrsi %add3A_867, %shift_right_arithmetic3A_869 : vector<16xi32>
      %gather3A_871 = tpu.vector_load_idx %arg7[%shift_right_arithmetic3A_870] : memref<520xi32, #tpu.memory_space<vmem>>[vector<16xi32>], vector<16xi32>,
      %le3A_872 = arith.cmpi sle, %gather3A_871, %add3A_851 : vector<16xi32>
      %add3A_873 = arith.constant 1 : i32
      %add3A_874 = vector.broadcast %add3A_873 : i32 to vector<16xi32>
      %add3A_875 = arith.addi %shift_right_arithmetic3A_870, %add3A_874 : vector<16xi32>
      %select_n3A_876 = arith.select %le3A_872, %add3A_875, %select_n3A_865 : vector<16xi1>, vector<16xi32>
      %select_n3A_877 = arith.select %le3A_872, %select_n3A_866, %shift_right_arithmetic3A_870 : vector<16xi1>, vector<16xi32>
      %add3A_878 = arith.addi %select_n3A_876, %select_n3A_877 : vector<16xi32>
      %shift_right_arithmetic3A_879 = arith.constant 1 : i32
      %shift_right_arithmetic3A_880 = vector.broadcast %shift_right_arithmetic3A_879 : i32 to vector<16xi32>
      %shift_right_arithmetic3A_881 = arith.shrsi %add3A_878, %shift_right_arithmetic3A_880 : vector<16xi32>
      %gather3A_882 = tpu.vector_load_idx %arg7[%shift_right_arithmetic3A_881] : memref<520xi32, #tpu.memory_space<vmem>>[vector<16xi32>], vector<16xi32>,
      %le3A_883 = arith.cmpi sle, %gather3A_882, %add3A_851 : vector<16xi32>
      %add3A_884 = arith.constant 1 : i32
      %add3A_885 = vector.broadcast %add3A_884 : i32 to vector<16xi32>
      %add3A_886 = arith.addi %shift_right_arithmetic3A_881, %add3A_885 : vector<16xi32>
      %select_n3A_887 = arith.select %le3A_883, %add3A_886, %select_n3A_876 : vector<16xi1>, vector<16xi32>
      %select_n3A_888 = arith.select %le3A_883, %select_n3A_877, %shift_right_arithmetic3A_881 : vector<16xi1>, vector<16xi32>
      %add3A_889 = arith.addi %select_n3A_887, %select_n3A_888 : vector<16xi32>
      %shift_right_arithmetic3A_890 = arith.constant 1 : i32
      %shift_right_arithmetic3A_891 = vector.broadcast %shift_right_arithmetic3A_890 : i32 to vector<16xi32>
      %shift_right_arithmetic3A_892 = arith.shrsi %add3A_889, %shift_right_arithmetic3A_891 : vector<16xi32>
      %gather3A_893 = tpu.vector_load_idx %arg7[%shift_right_arithmetic3A_892] : memref<520xi32, #tpu.memory_space<vmem>>[vector<16xi32>], vector<16xi32>,
      %le3A_894 = arith.cmpi sle, %gather3A_893, %add3A_851 : vector<16xi32>
      %add3A_895 = arith.constant 1 : i32
      %add3A_896 = vector.broadcast %add3A_895 : i32 to vector<16xi32>
      %add3A_897 = arith.addi %shift_right_arithmetic3A_892, %add3A_896 : vector<16xi32>
      %select_n3A_898 = arith.select %le3A_894, %add3A_897, %select_n3A_887 : vector<16xi1>, vector<16xi32>
      %select_n3A_899 = arith.select %le3A_894, %select_n3A_888, %shift_right_arithmetic3A_892 : vector<16xi1>, vector<16xi32>
      %add3A_900 = arith.addi %select_n3A_898, %select_n3A_899 : vector<16xi32>
      %shift_right_arithmetic3A_901 = arith.constant 1 : i32
      %shift_right_arithmetic3A_902 = vector.broadcast %shift_right_arithmetic3A_901 : i32 to vector<16xi32>
      %shift_right_arithmetic3A_903 = arith.shrsi %add3A_900, %shift_right_arithmetic3A_902 : vector<16xi32>
      %gather3A_904 = tpu.vector_load_idx %arg7[%shift_right_arithmetic3A_903] : memref<520xi32, #tpu.memory_space<vmem>>[vector<16xi32>], vector<16xi32>,
      %le3A_905 = arith.cmpi sle, %gather3A_904, %add3A_851 : vector<16xi32>
      %add3A_906 = arith.constant 1 : i32
      %add3A_907 = vector.broadcast %add3A_906 : i32 to vector<16xi32>
      %add3A_908 = arith.addi %shift_right_arithmetic3A_903, %add3A_907 : vector<16xi32>
      %select_n3A_909 = arith.select %le3A_905, %add3A_908, %select_n3A_898 : vector<16xi1>, vector<16xi32>
      %select_n3A_910 = arith.select %le3A_905, %select_n3A_899, %shift_right_arithmetic3A_903 : vector<16xi1>, vector<16xi32>
      %add3A_911 = arith.addi %select_n3A_909, %select_n3A_910 : vector<16xi32>
      %shift_right_arithmetic3A_912 = arith.constant 1 : i32
      %shift_right_arithmetic3A_913 = vector.broadcast %shift_right_arithmetic3A_912 : i32 to vector<16xi32>
      %shift_right_arithmetic3A_914 = arith.shrsi %add3A_911, %shift_right_arithmetic3A_913 : vector<16xi32>
      %gather3A_915 = tpu.vector_load_idx %arg7[%shift_right_arithmetic3A_914] : memref<520xi32, #tpu.memory_space<vmem>>[vector<16xi32>], vector<16xi32>,
      %le3A_916 = arith.cmpi sle, %gather3A_915, %add3A_851 : vector<16xi32>
      %add3A_917 = arith.constant 1 : i32
      %add3A_918 = vector.broadcast %add3A_917 : i32 to vector<16xi32>
      %add3A_919 = arith.addi %shift_right_arithmetic3A_914, %add3A_918 : vector<16xi32>
      %select_n3A_920 = arith.select %le3A_916, %add3A_919, %select_n3A_909 : vector<16xi1>, vector<16xi32>
      %select_n3A_921 = arith.select %le3A_916, %select_n3A_910, %shift_right_arithmetic3A_914 : vector<16xi1>, vector<16xi32>
      %add3A_922 = arith.addi %select_n3A_920, %select_n3A_921 : vector<16xi32>
      %shift_right_arithmetic3A_923 = arith.constant 1 : i32
      %shift_right_arithmetic3A_924 = vector.broadcast %shift_right_arithmetic3A_923 : i32 to vector<16xi32>
      %shift_right_arithmetic3A_925 = arith.shrsi %add3A_922, %shift_right_arithmetic3A_924 : vector<16xi32>
      %gather3A_926 = tpu.vector_load_idx %arg7[%shift_right_arithmetic3A_925] : memref<520xi32, #tpu.memory_space<vmem>>[vector<16xi32>], vector<16xi32>,
      %le3A_927 = arith.cmpi sle, %gather3A_926, %add3A_851 : vector<16xi32>
      %add3A_928 = arith.constant 1 : i32
      %add3A_929 = vector.broadcast %add3A_928 : i32 to vector<16xi32>
      %add3A_930 = arith.addi %shift_right_arithmetic3A_925, %add3A_929 : vector<16xi32>
      %select_n3A_931 = arith.select %le3A_927, %add3A_930, %select_n3A_920 : vector<16xi1>, vector<16xi32>
      %select_n3A_932 = arith.select %le3A_927, %select_n3A_921, %shift_right_arithmetic3A_925 : vector<16xi1>, vector<16xi32>
      %add3A_933 = arith.addi %select_n3A_931, %select_n3A_932 : vector<16xi32>
      %shift_right_arithmetic3A_934 = arith.constant 1 : i32
      %shift_right_arithmetic3A_935 = vector.broadcast %shift_right_arithmetic3A_934 : i32 to vector<16xi32>
      %shift_right_arithmetic3A_936 = arith.shrsi %add3A_933, %shift_right_arithmetic3A_935 : vector<16xi32>
      %gather3A_937 = tpu.vector_load_idx %arg7[%shift_right_arithmetic3A_936] : memref<520xi32, #tpu.memory_space<vmem>>[vector<16xi32>], vector<16xi32>,
      %le3A_938 = arith.cmpi sle, %gather3A_937, %add3A_851 : vector<16xi32>
      %add3A_939 = arith.constant 1 : i32
      %add3A_940 = vector.broadcast %add3A_939 : i32 to vector<16xi32>
      %add3A_941 = arith.addi %shift_right_arithmetic3A_936, %add3A_940 : vector<16xi32>
      %select_n3A_942 = arith.select %le3A_938, %add3A_941, %select_n3A_931 : vector<16xi1>, vector<16xi32>
      %select_n3A_943 = arith.select %le3A_938, %select_n3A_932, %shift_right_arithmetic3A_936 : vector<16xi1>, vector<16xi32>
      %add3A_944 = arith.addi %select_n3A_942, %select_n3A_943 : vector<16xi32>
      %shift_right_arithmetic3A_945 = arith.constant 1 : i32
      %shift_right_arithmetic3A_946 = vector.broadcast %shift_right_arithmetic3A_945 : i32 to vector<16xi32>
      %shift_right_arithmetic3A_947 = arith.shrsi %add3A_944, %shift_right_arithmetic3A_946 : vector<16xi32>
      %gather3A_948 = tpu.vector_load_idx %arg7[%shift_right_arithmetic3A_947] : memref<520xi32, #tpu.memory_space<vmem>>[vector<16xi32>], vector<16xi32>,
      %le3A_949 = arith.cmpi sle, %gather3A_948, %add3A_851 : vector<16xi32>
      %add3A_950 = arith.constant 1 : i32
      %add3A_951 = vector.broadcast %add3A_950 : i32 to vector<16xi32>
      %add3A_952 = arith.addi %shift_right_arithmetic3A_947, %add3A_951 : vector<16xi32>
      %select_n3A_953 = arith.select %le3A_949, %add3A_952, %select_n3A_942 : vector<16xi1>, vector<16xi32>
      %select_n3A_954 = arith.select %le3A_949, %select_n3A_943, %shift_right_arithmetic3A_947 : vector<16xi1>, vector<16xi32>
      %add3A_955 = arith.addi %select_n3A_953, %select_n3A_954 : vector<16xi32>
      %shift_right_arithmetic3A_956 = arith.constant 1 : i32
      %shift_right_arithmetic3A_957 = vector.broadcast %shift_right_arithmetic3A_956 : i32 to vector<16xi32>
      %shift_right_arithmetic3A_958 = arith.shrsi %add3A_955, %shift_right_arithmetic3A_957 : vector<16xi32>
      %gather3A_959 = tpu.vector_load_idx %arg7[%shift_right_arithmetic3A_958] : memref<520xi32, #tpu.memory_space<vmem>>[vector<16xi32>], vector<16xi32>,
      %le3A_960 = arith.cmpi sle, %gather3A_959, %add3A_851 : vector<16xi32>
      %add3A_961 = arith.constant 1 : i32
      %add3A_962 = vector.broadcast %add3A_961 : i32 to vector<16xi32>
      %add3A_963 = arith.addi %shift_right_arithmetic3A_958, %add3A_962 : vector<16xi32>
      %select_n3A_964 = arith.select %le3A_960, %add3A_963, %select_n3A_953 : vector<16xi1>, vector<16xi32>
      %select_n3A_965 = arith.select %le3A_960, %select_n3A_954, %shift_right_arithmetic3A_958 : vector<16xi1>, vector<16xi32>
      %ge3A_966 = vector.broadcast %squeeze3A : i32 to vector<16xi32>
      %ge3A_967 = arith.cmpi sge, %add3A_851, %ge3A_966 : vector<16xi32>
      %lt3A_968 = vector.broadcast %squeeze3A_9 : i32 to vector<16xi32>
      %lt3A_969 = arith.cmpi slt, %add3A_851, %lt3A_968 : vector<16xi32>
      %and3A_970 = arith.andi %ge3A_967, %lt3A_969 : vector<16xi1>
      %mul3A_971 = arith.constant 512 : i32
      %mul3A_972 = arith.muli %arg1, %mul3A_971 : i32
      %sub3A_973 = arith.constant 1 : i32
      %sub3A_974 = vector.broadcast %sub3A_973 : i32 to vector<16xi32>
      %sub3A_975 = arith.subi %select_n3A_964, %sub3A_974 : vector<16xi32>
      %add3A_976 = vector.broadcast %mul3A_972 : i32 to vector<16xi32>
      %add3A_977 = arith.addi %add3A_976, %sub3A_975 : vector<16xi32>
      %jit3A_978 = arith.constant 8192 : i32
      %broadcast_in_dim3A_979 = vector.broadcast %jit3A_978 : i32 to vector<16xi32>
      %select_n3A_980 = arith.select %and3A_970, %add3A_977, %broadcast_in_dim3A_979 : vector<16xi1>, vector<16xi32>
      %swap3A_981 = arith.constant 0 : i32
      %swap3A_982 = arith.index_cast %swap3A_981 : i32 to index
      %swap3A_983 = arith.constant 96 : index
      %swap3A_984 = tpu.vector_load %arg9[%swap3A_982, %swap3A_983] {strides = array<i32>} : memref<1x128xi32, #tpu.memory_space<vmem>>, vector<16xi32>,
      tpu.vector_store %arg9[%swap3A_982, %swap3A_983], %select_n3A_980 {strides = array<i32>} : memref<1x128xi32, #tpu.memory_space<vmem>>, vector<16xi32>,
      %add3A_985 = arith.constant 112 : i32
      %add3A_986 = arith.addi %mul3A_29, %add3A_985 : i32
      %add3A_987 = vector.broadcast %add3A_986 : i32 to vector<16xi32>
      %add3A_988 = arith.addi %add3A_987, %iota3A : vector<16xi32>
      %broadcast_in_dim3A_989 = arith.constant 0 : i32
      %broadcast_in_dim3A_990 = vector.broadcast %broadcast_in_dim3A_989 : i32 to vector<16xi32>
      %broadcast_in_dim3A_991 = arith.constant 513 : i32
      %broadcast_in_dim3A_992 = vector.broadcast %broadcast_in_dim3A_991 : i32 to vector<16xi32>
      %add3A_993 = arith.addi %broadcast_in_dim3A_990, %broadcast_in_dim3A_992 : vector<16xi32>
      %shift_right_arithmetic3A_994 = arith.constant 1 : i32
      %shift_right_arithmetic3A_995 = vector.broadcast %shift_right_arithmetic3A_994 : i32 to vector<16xi32>
      %shift_right_arithmetic3A_996 = arith.shrsi %add3A_993, %shift_right_arithmetic3A_995 : vector<16xi32>
      %gather3A_997 = tpu.vector_load_idx %arg7[%shift_right_arithmetic3A_996] : memref<520xi32, #tpu.memory_space<vmem>>[vector<16xi32>], vector<16xi32>,
      %le3A_998 = arith.cmpi sle, %gather3A_997, %add3A_988 : vector<16xi32>
      %add3A_999 = arith.constant 1 : i32
      %add3A_1000 = vector.broadcast %add3A_999 : i32 to vector<16xi32>
      %add3A_1001 = arith.addi %shift_right_arithmetic3A_996, %add3A_1000 : vector<16xi32>
      %select_n3A_1002 = arith.select %le3A_998, %add3A_1001, %broadcast_in_dim3A_990 : vector<16xi1>, vector<16xi32>
      %select_n3A_1003 = arith.select %le3A_998, %broadcast_in_dim3A_992, %shift_right_arithmetic3A_996 : vector<16xi1>, vector<16xi32>
      %add3A_1004 = arith.addi %select_n3A_1002, %select_n3A_1003 : vector<16xi32>
      %shift_right_arithmetic3A_1005 = arith.constant 1 : i32
      %shift_right_arithmetic3A_1006 = vector.broadcast %shift_right_arithmetic3A_1005 : i32 to vector<16xi32>
      %shift_right_arithmetic3A_1007 = arith.shrsi %add3A_1004, %shift_right_arithmetic3A_1006 : vector<16xi32>
      %gather3A_1008 = tpu.vector_load_idx %arg7[%shift_right_arithmetic3A_1007] : memref<520xi32, #tpu.memory_space<vmem>>[vector<16xi32>], vector<16xi32>,
      %le3A_1009 = arith.cmpi sle, %gather3A_1008, %add3A_988 : vector<16xi32>
      %add3A_1010 = arith.constant 1 : i32
      %add3A_1011 = vector.broadcast %add3A_1010 : i32 to vector<16xi32>
      %add3A_1012 = arith.addi %shift_right_arithmetic3A_1007, %add3A_1011 : vector<16xi32>
      %select_n3A_1013 = arith.select %le3A_1009, %add3A_1012, %select_n3A_1002 : vector<16xi1>, vector<16xi32>
      %select_n3A_1014 = arith.select %le3A_1009, %select_n3A_1003, %shift_right_arithmetic3A_1007 : vector<16xi1>, vector<16xi32>
      %add3A_1015 = arith.addi %select_n3A_1013, %select_n3A_1014 : vector<16xi32>
      %shift_right_arithmetic3A_1016 = arith.constant 1 : i32
      %shift_right_arithmetic3A_1017 = vector.broadcast %shift_right_arithmetic3A_1016 : i32 to vector<16xi32>
      %shift_right_arithmetic3A_1018 = arith.shrsi %add3A_1015, %shift_right_arithmetic3A_1017 : vector<16xi32>
      %gather3A_1019 = tpu.vector_load_idx %arg7[%shift_right_arithmetic3A_1018] : memref<520xi32, #tpu.memory_space<vmem>>[vector<16xi32>], vector<16xi32>,
      %le3A_1020 = arith.cmpi sle, %gather3A_1019, %add3A_988 : vector<16xi32>
      %add3A_1021 = arith.constant 1 : i32
      %add3A_1022 = vector.broadcast %add3A_1021 : i32 to vector<16xi32>
      %add3A_1023 = arith.addi %shift_right_arithmetic3A_1018, %add3A_1022 : vector<16xi32>
      %select_n3A_1024 = arith.select %le3A_1020, %add3A_1023, %select_n3A_1013 : vector<16xi1>, vector<16xi32>
      %select_n3A_1025 = arith.select %le3A_1020, %select_n3A_1014, %shift_right_arithmetic3A_1018 : vector<16xi1>, vector<16xi32>
      %add3A_1026 = arith.addi %select_n3A_1024, %select_n3A_1025 : vector<16xi32>
      %shift_right_arithmetic3A_1027 = arith.constant 1 : i32
      %shift_right_arithmetic3A_1028 = vector.broadcast %shift_right_arithmetic3A_1027 : i32 to vector<16xi32>
      %shift_right_arithmetic3A_1029 = arith.shrsi %add3A_1026, %shift_right_arithmetic3A_1028 : vector<16xi32>
      %gather3A_1030 = tpu.vector_load_idx %arg7[%shift_right_arithmetic3A_1029] : memref<520xi32, #tpu.memory_space<vmem>>[vector<16xi32>], vector<16xi32>,
      %le3A_1031 = arith.cmpi sle, %gather3A_1030, %add3A_988 : vector<16xi32>
      %add3A_1032 = arith.constant 1 : i32
      %add3A_1033 = vector.broadcast %add3A_1032 : i32 to vector<16xi32>
      %add3A_1034 = arith.addi %shift_right_arithmetic3A_1029, %add3A_1033 : vector<16xi32>
      %select_n3A_1035 = arith.select %le3A_1031, %add3A_1034, %select_n3A_1024 : vector<16xi1>, vector<16xi32>
      %select_n3A_1036 = arith.select %le3A_1031, %select_n3A_1025, %shift_right_arithmetic3A_1029 : vector<16xi1>, vector<16xi32>
      %add3A_1037 = arith.addi %select_n3A_1035, %select_n3A_1036 : vector<16xi32>
      %shift_right_arithmetic3A_1038 = arith.constant 1 : i32
      %shift_right_arithmetic3A_1039 = vector.broadcast %shift_right_arithmetic3A_1038 : i32 to vector<16xi32>
      %shift_right_arithmetic3A_1040 = arith.shrsi %add3A_1037, %shift_right_arithmetic3A_1039 : vector<16xi32>
      %gather3A_1041 = tpu.vector_load_idx %arg7[%shift_right_arithmetic3A_1040] : memref<520xi32, #tpu.memory_space<vmem>>[vector<16xi32>], vector<16xi32>,
      %le3A_1042 = arith.cmpi sle, %gather3A_1041, %add3A_988 : vector<16xi32>
      %add3A_1043 = arith.constant 1 : i32
      %add3A_1044 = vector.broadcast %add3A_1043 : i32 to vector<16xi32>
      %add3A_1045 = arith.addi %shift_right_arithmetic3A_1040, %add3A_1044 : vector<16xi32>
      %select_n3A_1046 = arith.select %le3A_1042, %add3A_1045, %select_n3A_1035 : vector<16xi1>, vector<16xi32>
      %select_n3A_1047 = arith.select %le3A_1042, %select_n3A_1036, %shift_right_arithmetic3A_1040 : vector<16xi1>, vector<16xi32>
      %add3A_1048 = arith.addi %select_n3A_1046, %select_n3A_1047 : vector<16xi32>
      %shift_right_arithmetic3A_1049 = arith.constant 1 : i32
      %shift_right_arithmetic3A_1050 = vector.broadcast %shift_right_arithmetic3A_1049 : i32 to vector<16xi32>
      %shift_right_arithmetic3A_1051 = arith.shrsi %add3A_1048, %shift_right_arithmetic3A_1050 : vector<16xi32>
      %gather3A_1052 = tpu.vector_load_idx %arg7[%shift_right_arithmetic3A_1051] : memref<520xi32, #tpu.memory_space<vmem>>[vector<16xi32>], vector<16xi32>,
      %le3A_1053 = arith.cmpi sle, %gather3A_1052, %add3A_988 : vector<16xi32>
      %add3A_1054 = arith.constant 1 : i32
      %add3A_1055 = vector.broadcast %add3A_1054 : i32 to vector<16xi32>
      %add3A_1056 = arith.addi %shift_right_arithmetic3A_1051, %add3A_1055 : vector<16xi32>
      %select_n3A_1057 = arith.select %le3A_1053, %add3A_1056, %select_n3A_1046 : vector<16xi1>, vector<16xi32>
      %select_n3A_1058 = arith.select %le3A_1053, %select_n3A_1047, %shift_right_arithmetic3A_1051 : vector<16xi1>, vector<16xi32>
      %add3A_1059 = arith.addi %select_n3A_1057, %select_n3A_1058 : vector<16xi32>
      %shift_right_arithmetic3A_1060 = arith.constant 1 : i32
      %shift_right_arithmetic3A_1061 = vector.broadcast %shift_right_arithmetic3A_1060 : i32 to vector<16xi32>
      %shift_right_arithmetic3A_1062 = arith.shrsi %add3A_1059, %shift_right_arithmetic3A_1061 : vector<16xi32>
      %gather3A_1063 = tpu.vector_load_idx %arg7[%shift_right_arithmetic3A_1062] : memref<520xi32, #tpu.memory_space<vmem>>[vector<16xi32>], vector<16xi32>,
      %le3A_1064 = arith.cmpi sle, %gather3A_1063, %add3A_988 : vector<16xi32>
      %add3A_1065 = arith.constant 1 : i32
      %add3A_1066 = vector.broadcast %add3A_1065 : i32 to vector<16xi32>
      %add3A_1067 = arith.addi %shift_right_arithmetic3A_1062, %add3A_1066 : vector<16xi32>
      %select_n3A_1068 = arith.select %le3A_1064, %add3A_1067, %select_n3A_1057 : vector<16xi1>, vector<16xi32>
      %select_n3A_1069 = arith.select %le3A_1064, %select_n3A_1058, %shift_right_arithmetic3A_1062 : vector<16xi1>, vector<16xi32>
      %add3A_1070 = arith.addi %select_n3A_1068, %select_n3A_1069 : vector<16xi32>
      %shift_right_arithmetic3A_1071 = arith.constant 1 : i32
      %shift_right_arithmetic3A_1072 = vector.broadcast %shift_right_arithmetic3A_1071 : i32 to vector<16xi32>
      %shift_right_arithmetic3A_1073 = arith.shrsi %add3A_1070, %shift_right_arithmetic3A_1072 : vector<16xi32>
      %gather3A_1074 = tpu.vector_load_idx %arg7[%shift_right_arithmetic3A_1073] : memref<520xi32, #tpu.memory_space<vmem>>[vector<16xi32>], vector<16xi32>,
      %le3A_1075 = arith.cmpi sle, %gather3A_1074, %add3A_988 : vector<16xi32>
      %add3A_1076 = arith.constant 1 : i32
      %add3A_1077 = vector.broadcast %add3A_1076 : i32 to vector<16xi32>
      %add3A_1078 = arith.addi %shift_right_arithmetic3A_1073, %add3A_1077 : vector<16xi32>
      %select_n3A_1079 = arith.select %le3A_1075, %add3A_1078, %select_n3A_1068 : vector<16xi1>, vector<16xi32>
      %select_n3A_1080 = arith.select %le3A_1075, %select_n3A_1069, %shift_right_arithmetic3A_1073 : vector<16xi1>, vector<16xi32>
      %add3A_1081 = arith.addi %select_n3A_1079, %select_n3A_1080 : vector<16xi32>
      %shift_right_arithmetic3A_1082 = arith.constant 1 : i32
      %shift_right_arithmetic3A_1083 = vector.broadcast %shift_right_arithmetic3A_1082 : i32 to vector<16xi32>
      %shift_right_arithmetic3A_1084 = arith.shrsi %add3A_1081, %shift_right_arithmetic3A_1083 : vector<16xi32>
      %gather3A_1085 = tpu.vector_load_idx %arg7[%shift_right_arithmetic3A_1084] : memref<520xi32, #tpu.memory_space<vmem>>[vector<16xi32>], vector<16xi32>,
      %le3A_1086 = arith.cmpi sle, %gather3A_1085, %add3A_988 : vector<16xi32>
      %add3A_1087 = arith.constant 1 : i32
      %add3A_1088 = vector.broadcast %add3A_1087 : i32 to vector<16xi32>
      %add3A_1089 = arith.addi %shift_right_arithmetic3A_1084, %add3A_1088 : vector<16xi32>
      %select_n3A_1090 = arith.select %le3A_1086, %add3A_1089, %select_n3A_1079 : vector<16xi1>, vector<16xi32>
      %select_n3A_1091 = arith.select %le3A_1086, %select_n3A_1080, %shift_right_arithmetic3A_1084 : vector<16xi1>, vector<16xi32>
      %add3A_1092 = arith.addi %select_n3A_1090, %select_n3A_1091 : vector<16xi32>
      %shift_right_arithmetic3A_1093 = arith.constant 1 : i32
      %shift_right_arithmetic3A_1094 = vector.broadcast %shift_right_arithmetic3A_1093 : i32 to vector<16xi32>
      %shift_right_arithmetic3A_1095 = arith.shrsi %add3A_1092, %shift_right_arithmetic3A_1094 : vector<16xi32>
      %gather3A_1096 = tpu.vector_load_idx %arg7[%shift_right_arithmetic3A_1095] : memref<520xi32, #tpu.memory_space<vmem>>[vector<16xi32>], vector<16xi32>,
      %le3A_1097 = arith.cmpi sle, %gather3A_1096, %add3A_988 : vector<16xi32>
      %add3A_1098 = arith.constant 1 : i32
      %add3A_1099 = vector.broadcast %add3A_1098 : i32 to vector<16xi32>
      %add3A_1100 = arith.addi %shift_right_arithmetic3A_1095, %add3A_1099 : vector<16xi32>
      %select_n3A_1101 = arith.select %le3A_1097, %add3A_1100, %select_n3A_1090 : vector<16xi1>, vector<16xi32>
      %select_n3A_1102 = arith.select %le3A_1097, %select_n3A_1091, %shift_right_arithmetic3A_1095 : vector<16xi1>, vector<16xi32>
      %ge3A_1103 = vector.broadcast %squeeze3A : i32 to vector<16xi32>
      %ge3A_1104 = arith.cmpi sge, %add3A_988, %ge3A_1103 : vector<16xi32>
      %lt3A_1105 = vector.broadcast %squeeze3A_9 : i32 to vector<16xi32>
      %lt3A_1106 = arith.cmpi slt, %add3A_988, %lt3A_1105 : vector<16xi32>
      %and3A_1107 = arith.andi %ge3A_1104, %lt3A_1106 : vector<16xi1>
      %mul3A_1108 = arith.constant 512 : i32
      %mul3A_1109 = arith.muli %arg1, %mul3A_1108 : i32
      %sub3A_1110 = arith.constant 1 : i32
      %sub3A_1111 = vector.broadcast %sub3A_1110 : i32 to vector<16xi32>
      %sub3A_1112 = arith.subi %select_n3A_1101, %sub3A_1111 : vector<16xi32>
      %add3A_1113 = vector.broadcast %mul3A_1109 : i32 to vector<16xi32>
      %add3A_1114 = arith.addi %add3A_1113, %sub3A_1112 : vector<16xi32>
      %jit3A_1115 = arith.constant 8192 : i32
      %broadcast_in_dim3A_1116 = vector.broadcast %jit3A_1115 : i32 to vector<16xi32>
      %select_n3A_1117 = arith.select %and3A_1107, %add3A_1114, %broadcast_in_dim3A_1116 : vector<16xi1>, vector<16xi32>
      %swap3A_1118 = arith.constant 0 : i32
      %swap3A_1119 = arith.index_cast %swap3A_1118 : i32 to index
      %swap3A_1120 = arith.constant 112 : index
      %swap3A_1121 = tpu.vector_load %arg9[%swap3A_1119, %swap3A_1120] {strides = array<i32>} : memref<1x128xi32, #tpu.memory_space<vmem>>, vector<16xi32>,
      tpu.vector_store %arg9[%swap3A_1119, %swap3A_1120], %select_n3A_1117 {strides = array<i32>} : memref<1x128xi32, #tpu.memory_space<vmem>>, vector<16xi32>,
      %dma_wait3A = arith.constant 0 : i32
      %dma_wait3A_1122 = arith.constant 0 : i32
      %dma_wait3A_1123 = tpu.memref_slice %arg8[%dma_wait3A, %dma_wait3A_1122] : memref<1x128xi32, #tpu.memory_space<vmem>> -> memref<1x128xi32, #tpu.memory_space<vmem>>
      %dma_wait3A_1124 = tpu.memref_squeeze %dma_wait3A_1123 : memref<1x128xi32, #tpu.memory_space<vmem>> -> memref<128xi32, #tpu.memory_space<vmem>>
      %dma_wait3A_1125 = arith.constant 0 : i32
      %dma_wait3A_1126 = arith.constant 0 : i32
      %dma_wait3A_1127 = tpu.memref_slice %arg4[%dma_wait3A_1125, %dma_wait3A_1126] : memref<1000000x128xf32, #tpu.memory_space<hbm>> -> memref<1000000x128xf32, #tpu.memory_space<hbm>>
      tpu.wait_indirect_dma semaphore(%arg12 : memref<!tpu.dma_semaphore, #tpu.memory_space<semaphore_mem>>) src(%dma_wait3A_1127 : memref<1000000x128xf32, #tpu.memory_space<hbm>>) dst(%arg10 : memref<128x128xf32, #tpu.memory_space<vmem>>)
      %run_scoped3A_1128 = arith.constant 0 : i32
      "tpu.region"() ({
        %run_scoped3A_1129 = tpu.sem_alloc : memref<!tpu.dma_semaphore, #tpu.memory_space<semaphore_mem>>
        %dma_start3A_1130 = arith.constant 0 : i32
        %dma_start3A_1131 = tpu.memref_slice %arg9[%run_scoped3A_1128, %dma_start3A_1130] : memref<1x128xi32, #tpu.memory_space<vmem>> -> memref<1x128xi32, #tpu.memory_space<vmem>>
        %dma_start3A_1132 = tpu.memref_squeeze %dma_start3A_1131 : memref<1x128xi32, #tpu.memory_space<vmem>> -> memref<128xi32, #tpu.memory_space<vmem>>
        %dma_start3A_1133 = arith.constant 0 : i32
        %dma_start3A_1134 = arith.constant 0 : i32
        %dma_start3A_1135 = tpu.memref_slice %arg11[%dma_start3A_1133, %dma_start3A_1134] : memref<8200x128xf32, #tpu.memory_space<vmem_shared>> -> memref<8200x128xf32, #tpu.memory_space<vmem_shared>>
        tpu.enqueue_indirect_dma source(%arg10 : memref<128x128xf32, #tpu.memory_space<vmem>>) target(%dma_start3A_1135 : memref<8200x128xf32, #tpu.memory_space<vmem_shared>>) offsets(%dma_start3A_1132 : memref<128xi32, #tpu.memory_space<vmem>>) semaphore(%run_scoped3A_1129 : memref<!tpu.dma_semaphore, #tpu.memory_space<semaphore_mem>>) {add = true}
        %dma_wait3A_1136 = arith.constant 0 : i32
        %dma_wait3A_1137 = tpu.memref_slice %arg9[%run_scoped3A_1128, %dma_wait3A_1136] : memref<1x128xi32, #tpu.memory_space<vmem>> -> memref<1x128xi32, #tpu.memory_space<vmem>>
        %dma_wait3A_1138 = tpu.memref_squeeze %dma_wait3A_1137 : memref<1x128xi32, #tpu.memory_space<vmem>> -> memref<128xi32, #tpu.memory_space<vmem>>
        %dma_wait3A_1139 = arith.constant 0 : i32
        %dma_wait3A_1140 = arith.constant 0 : i32
        %dma_wait3A_1141 = tpu.memref_slice %arg11[%dma_wait3A_1139, %dma_wait3A_1140] : memref<8200x128xf32, #tpu.memory_space<vmem_shared>> -> memref<8200x128xf32, #tpu.memory_space<vmem_shared>>
        tpu.wait_indirect_dma semaphore(%run_scoped3A_1129 : memref<!tpu.dma_semaphore, #tpu.memory_space<semaphore_mem>>) src(%arg10 : memref<128x128xf32, #tpu.memory_space<vmem>>) dst(%dma_wait3A_1141 : memref<8200x128xf32, #tpu.memory_space<vmem_shared>>)
        tpu.yield
      }) : () -> ()
    }
    %while3A_22 = arith.constant 1 : i32
    scf.for %while3A_27 = %while3A_20 to %while3A_16 step %while3A_22  : i32 {
      %mul3A_28 = arith.constant 128 : i32
      %mul3A_29 = arith.muli %while3A_27, %mul3A_28 : i32
      %run_scoped3A = arith.constant 0 : i32
      "tpu.region"() ({
        %run_scoped3A_1129 = tpu.sem_alloc : memref<!tpu.dma_semaphore, #tpu.memory_space<semaphore_mem>>
        %dma_start3A_1130 = arith.constant 0 : i32
        %dma_start3A_1131 = tpu.memref_slice %arg8[%run_scoped3A, %dma_start3A_1130] : memref<1x128xi32, #tpu.memory_space<vmem>> -> memref<1x128xi32, #tpu.memory_space<vmem>>
        %dma_start3A_1132 = tpu.memref_squeeze %dma_start3A_1131 : memref<1x128xi32, #tpu.memory_space<vmem>> -> memref<128xi32, #tpu.memory_space<vmem>>
        %dma_start3A_1133 = tpu.memref_slice %arg2[%mul3A_29] : memref<819200xi32, #tpu.memory_space<hbm>> -> memref<128xi32, #tpu.memory_space<hbm>>
        %dma_start3A_1134 = arith.constant 0 : i32
        %dma_start3A_1135 = tpu.memref_slice %arg8[%run_scoped3A, %dma_start3A_1134] : memref<1x128xi32, #tpu.memory_space<vmem>> -> memref<1x128xi32, #tpu.memory_space<vmem>>
        %dma_start3A_1136 = tpu.memref_squeeze %dma_start3A_1135 : memref<1x128xi32, #tpu.memory_space<vmem>> -> memref<128xi32, #tpu.memory_space<vmem>>
        %dma_start3A_1137 = tpu.memref_slice %arg2[%mul3A_29] : memref<819200xi32, #tpu.memory_space<hbm>> -> memref<128xi32, #tpu.memory_space<hbm>>
        tpu.enqueue_dma source(%dma_start3A_1137 : memref<128xi32, #tpu.memory_space<hbm>>) target(%dma_start3A_1136 : memref<128xi32, #tpu.memory_space<vmem>>) target_semaphore(%run_scoped3A_1129 : memref<!tpu.dma_semaphore, #tpu.memory_space<semaphore_mem>>)
        %dma_wait3A_1138 = arith.constant 0 : i32
        %dma_wait3A_1139 = tpu.memref_slice %arg8[%run_scoped3A, %dma_wait3A_1138] : memref<1x128xi32, #tpu.memory_space<vmem>> -> memref<1x128xi32, #tpu.memory_space<vmem>>
        %dma_wait3A_1140 = tpu.memref_squeeze %dma_wait3A_1139 : memref<1x128xi32, #tpu.memory_space<vmem>> -> memref<128xi32, #tpu.memory_space<vmem>>
        %dma_wait3A_1141 = tpu.memref_slice %arg2[%mul3A_29] : memref<819200xi32, #tpu.memory_space<hbm>> -> memref<128xi32, #tpu.memory_space<hbm>>
        %dma_wait3A_1142 = arith.constant 0 : i32
        %dma_wait3A_1143 = tpu.memref_slice %arg8[%run_scoped3A, %dma_wait3A_1142] : memref<1x128xi32, #tpu.memory_space<vmem>> -> memref<1x128xi32, #tpu.memory_space<vmem>>
        %dma_wait3A_1144 = tpu.memref_squeeze %dma_wait3A_1143 : memref<1x128xi32, #tpu.memory_space<vmem>> -> memref<128xi32, #tpu.memory_space<vmem>>
        %dma_wait3A_1145 = tpu.memref_slice %arg2[%mul3A_29] : memref<819200xi32, #tpu.memory_space<hbm>> -> memref<128xi32, #tpu.memory_space<hbm>>
        tpu.wait_dma2 semaphore(%run_scoped3A_1129 : memref<!tpu.dma_semaphore, #tpu.memory_space<semaphore_mem>>) src(%dma_wait3A_1145 : memref<128xi32, #tpu.memory_space<hbm>>) dst(%dma_wait3A_1144 : memref<128xi32, #tpu.memory_space<vmem>>)
        tpu.yield
      }) : () -> ()
      %dma_start3A = arith.constant 0 : i32
      %dma_start3A_30 = arith.constant 0 : i32
      %dma_start3A_31 = tpu.memref_slice %arg8[%dma_start3A, %dma_start3A_30] : memref<1x128xi32, #tpu.memory_space<vmem>> -> memref<1x128xi32, #tpu.memory_space<vmem>>
      %dma_start3A_32 = tpu.memref_squeeze %dma_start3A_31 : memref<1x128xi32, #tpu.memory_space<vmem>> -> memref<128xi32, #tpu.memory_space<vmem>>
      %dma_start3A_33 = arith.constant 0 : i32
      %dma_start3A_34 = arith.constant 0 : i32
      %dma_start3A_35 = tpu.memref_slice %arg4[%dma_start3A_33, %dma_start3A_34] : memref<1000000x128xf32, #tpu.memory_space<hbm>> -> memref<1000000x128xf32, #tpu.memory_space<hbm>>
      tpu.enqueue_indirect_dma source(%dma_start3A_35 : memref<1000000x128xf32, #tpu.memory_space<hbm>>) target(%arg10 : memref<128x128xf32, #tpu.memory_space<vmem>>) offsets(%dma_start3A_32 : memref<128xi32, #tpu.memory_space<vmem>>) semaphore(%arg12 : memref<!tpu.dma_semaphore, #tpu.memory_space<semaphore_mem>>)
      %add3A_36 = arith.constant 0 : i32
      %add3A_37 = arith.addi %mul3A_29, %add3A_36 : i32
      %add3A_38 = vector.broadcast %add3A_37 : i32 to vector<16xi32>
      %add3A_39 = arith.addi %add3A_38, %iota3A : vector<16xi32>
      %broadcast_in_dim3A = arith.constant 0 : i32
      %broadcast_in_dim3A_40 = vector.broadcast %broadcast_in_dim3A : i32 to vector<16xi32>
      %broadcast_in_dim3A_41 = arith.constant 513 : i32
      %broadcast_in_dim3A_42 = vector.broadcast %broadcast_in_dim3A_41 : i32 to vector<16xi32>
      %add3A_43 = arith.addi %broadcast_in_dim3A_40, %broadcast_in_dim3A_42 : vector<16xi32>
      %shift_right_arithmetic3A_44 = arith.constant 1 : i32
      %shift_right_arithmetic3A_45 = vector.broadcast %shift_right_arithmetic3A_44 : i32 to vector<16xi32>
      %shift_right_arithmetic3A_46 = arith.shrsi %add3A_43, %shift_right_arithmetic3A_45 : vector<16xi32>
      %gather3A = tpu.vector_load_idx %arg7[%shift_right_arithmetic3A_46] : memref<520xi32, #tpu.memory_space<vmem>>[vector<16xi32>], vector<16xi32>,
      %le3A = arith.cmpi sle, %gather3A, %add3A_39 : vector<16xi32>
      %add3A_47 = arith.constant 1 : i32
      %add3A_48 = vector.broadcast %add3A_47 : i32 to vector<16xi32>
      %add3A_49 = arith.addi %shift_right_arithmetic3A_46, %add3A_48 : vector<16xi32>
      %select_n3A = arith.select %le3A, %add3A_49, %broadcast_in_dim3A_40 : vector<16xi1>, vector<16xi32>
      %select_n3A_50 = arith.select %le3A, %broadcast_in_dim3A_42, %shift_right_arithmetic3A_46 : vector<16xi1>, vector<16xi32>
      %add3A_51 = arith.addi %select_n3A, %select_n3A_50 : vector<16xi32>
      %shift_right_arithmetic3A_52 = arith.constant 1 : i32
      %shift_right_arithmetic3A_53 = vector.broadcast %shift_right_arithmetic3A_52 : i32 to vector<16xi32>
      %shift_right_arithmetic3A_54 = arith.shrsi %add3A_51, %shift_right_arithmetic3A_53 : vector<16xi32>
      %gather3A_55 = tpu.vector_load_idx %arg7[%shift_right_arithmetic3A_54] : memref<520xi32, #tpu.memory_space<vmem>>[vector<16xi32>], vector<16xi32>,
      %le3A_56 = arith.cmpi sle, %gather3A_55, %add3A_39 : vector<16xi32>
      %add3A_57 = arith.constant 1 : i32
      %add3A_58 = vector.broadcast %add3A_57 : i32 to vector<16xi32>
      %add3A_59 = arith.addi %shift_right_arithmetic3A_54, %add3A_58 : vector<16xi32>
      %select_n3A_60 = arith.select %le3A_56, %add3A_59, %select_n3A : vector<16xi1>, vector<16xi32>
      %select_n3A_61 = arith.select %le3A_56, %select_n3A_50, %shift_right_arithmetic3A_54 : vector<16xi1>, vector<16xi32>
      %add3A_62 = arith.addi %select_n3A_60, %select_n3A_61 : vector<16xi32>
      %shift_right_arithmetic3A_63 = arith.constant 1 : i32
      %shift_right_arithmetic3A_64 = vector.broadcast %shift_right_arithmetic3A_63 : i32 to vector<16xi32>
      %shift_right_arithmetic3A_65 = arith.shrsi %add3A_62, %shift_right_arithmetic3A_64 : vector<16xi32>
      %gather3A_66 = tpu.vector_load_idx %arg7[%shift_right_arithmetic3A_65] : memref<520xi32, #tpu.memory_space<vmem>>[vector<16xi32>], vector<16xi32>,
      %le3A_67 = arith.cmpi sle, %gather3A_66, %add3A_39 : vector<16xi32>
      %add3A_68 = arith.constant 1 : i32
      %add3A_69 = vector.broadcast %add3A_68 : i32 to vector<16xi32>
      %add3A_70 = arith.addi %shift_right_arithmetic3A_65, %add3A_69 : vector<16xi32>
      %select_n3A_71 = arith.select %le3A_67, %add3A_70, %select_n3A_60 : vector<16xi1>, vector<16xi32>
      %select_n3A_72 = arith.select %le3A_67, %select_n3A_61, %shift_right_arithmetic3A_65 : vector<16xi1>, vector<16xi32>
      %add3A_73 = arith.addi %select_n3A_71, %select_n3A_72 : vector<16xi32>
      %shift_right_arithmetic3A_74 = arith.constant 1 : i32
      %shift_right_arithmetic3A_75 = vector.broadcast %shift_right_arithmetic3A_74 : i32 to vector<16xi32>
      %shift_right_arithmetic3A_76 = arith.shrsi %add3A_73, %shift_right_arithmetic3A_75 : vector<16xi32>
      %gather3A_77 = tpu.vector_load_idx %arg7[%shift_right_arithmetic3A_76] : memref<520xi32, #tpu.memory_space<vmem>>[vector<16xi32>], vector<16xi32>,
      %le3A_78 = arith.cmpi sle, %gather3A_77, %add3A_39 : vector<16xi32>
      %add3A_79 = arith.constant 1 : i32
      %add3A_80 = vector.broadcast %add3A_79 : i32 to vector<16xi32>
      %add3A_81 = arith.addi %shift_right_arithmetic3A_76, %add3A_80 : vector<16xi32>
      %select_n3A_82 = arith.select %le3A_78, %add3A_81, %select_n3A_71 : vector<16xi1>, vector<16xi32>
      %select_n3A_83 = arith.select %le3A_78, %select_n3A_72, %shift_right_arithmetic3A_76 : vector<16xi1>, vector<16xi32>
      %add3A_84 = arith.addi %select_n3A_82, %select_n3A_83 : vector<16xi32>
      %shift_right_arithmetic3A_85 = arith.constant 1 : i32
      %shift_right_arithmetic3A_86 = vector.broadcast %shift_right_arithmetic3A_85 : i32 to vector<16xi32>
      %shift_right_arithmetic3A_87 = arith.shrsi %add3A_84, %shift_right_arithmetic3A_86 : vector<16xi32>
      %gather3A_88 = tpu.vector_load_idx %arg7[%shift_right_arithmetic3A_87] : memref<520xi32, #tpu.memory_space<vmem>>[vector<16xi32>], vector<16xi32>,
      %le3A_89 = arith.cmpi sle, %gather3A_88, %add3A_39 : vector<16xi32>
      %add3A_90 = arith.constant 1 : i32
      %add3A_91 = vector.broadcast %add3A_90 : i32 to vector<16xi32>
      %add3A_92 = arith.addi %shift_right_arithmetic3A_87, %add3A_91 : vector<16xi32>
      %select_n3A_93 = arith.select %le3A_89, %add3A_92, %select_n3A_82 : vector<16xi1>, vector<16xi32>
      %select_n3A_94 = arith.select %le3A_89, %select_n3A_83, %shift_right_arithmetic3A_87 : vector<16xi1>, vector<16xi32>
      %add3A_95 = arith.addi %select_n3A_93, %select_n3A_94 : vector<16xi32>
      %shift_right_arithmetic3A_96 = arith.constant 1 : i32
      %shift_right_arithmetic3A_97 = vector.broadcast %shift_right_arithmetic3A_96 : i32 to vector<16xi32>
      %shift_right_arithmetic3A_98 = arith.shrsi %add3A_95, %shift_right_arithmetic3A_97 : vector<16xi32>
      %gather3A_99 = tpu.vector_load_idx %arg7[%shift_right_arithmetic3A_98] : memref<520xi32, #tpu.memory_space<vmem>>[vector<16xi32>], vector<16xi32>,
      %le3A_100 = arith.cmpi sle, %gather3A_99, %add3A_39 : vector<16xi32>
      %add3A_101 = arith.constant 1 : i32
      %add3A_102 = vector.broadcast %add3A_101 : i32 to vector<16xi32>
      %add3A_103 = arith.addi %shift_right_arithmetic3A_98, %add3A_102 : vector<16xi32>
      %select_n3A_104 = arith.select %le3A_100, %add3A_103, %select_n3A_93 : vector<16xi1>, vector<16xi32>
      %select_n3A_105 = arith.select %le3A_100, %select_n3A_94, %shift_right_arithmetic3A_98 : vector<16xi1>, vector<16xi32>
      %add3A_106 = arith.addi %select_n3A_104, %select_n3A_105 : vector<16xi32>
      %shift_right_arithmetic3A_107 = arith.constant 1 : i32
      %shift_right_arithmetic3A_108 = vector.broadcast %shift_right_arithmetic3A_107 : i32 to vector<16xi32>
      %shift_right_arithmetic3A_109 = arith.shrsi %add3A_106, %shift_right_arithmetic3A_108 : vector<16xi32>
      %gather3A_110 = tpu.vector_load_idx %arg7[%shift_right_arithmetic3A_109] : memref<520xi32, #tpu.memory_space<vmem>>[vector<16xi32>], vector<16xi32>,
      %le3A_111 = arith.cmpi sle, %gather3A_110, %add3A_39 : vector<16xi32>
      %add3A_112 = arith.constant 1 : i32
      %add3A_113 = vector.broadcast %add3A_112 : i32 to vector<16xi32>
      %add3A_114 = arith.addi %shift_right_arithmetic3A_109, %add3A_113 : vector<16xi32>
      %select_n3A_115 = arith.select %le3A_111, %add3A_114, %select_n3A_104 : vector<16xi1>, vector<16xi32>
      %select_n3A_116 = arith.select %le3A_111, %select_n3A_105, %shift_right_arithmetic3A_109 : vector<16xi1>, vector<16xi32>
      %add3A_117 = arith.addi %select_n3A_115, %select_n3A_116 : vector<16xi32>
      %shift_right_arithmetic3A_118 = arith.constant 1 : i32
      %shift_right_arithmetic3A_119 = vector.broadcast %shift_right_arithmetic3A_118 : i32 to vector<16xi32>
      %shift_right_arithmetic3A_120 = arith.shrsi %add3A_117, %shift_right_arithmetic3A_119 : vector<16xi32>
      %gather3A_121 = tpu.vector_load_idx %arg7[%shift_right_arithmetic3A_120] : memref<520xi32, #tpu.memory_space<vmem>>[vector<16xi32>], vector<16xi32>,
      %le3A_122 = arith.cmpi sle, %gather3A_121, %add3A_39 : vector<16xi32>
      %add3A_123 = arith.constant 1 : i32
      %add3A_124 = vector.broadcast %add3A_123 : i32 to vector<16xi32>
      %add3A_125 = arith.addi %shift_right_arithmetic3A_120, %add3A_124 : vector<16xi32>
      %select_n3A_126 = arith.select %le3A_122, %add3A_125, %select_n3A_115 : vector<16xi1>, vector<16xi32>
      %select_n3A_127 = arith.select %le3A_122, %select_n3A_116, %shift_right_arithmetic3A_120 : vector<16xi1>, vector<16xi32>
      %add3A_128 = arith.addi %select_n3A_126, %select_n3A_127 : vector<16xi32>
      %shift_right_arithmetic3A_129 = arith.constant 1 : i32
      %shift_right_arithmetic3A_130 = vector.broadcast %shift_right_arithmetic3A_129 : i32 to vector<16xi32>
      %shift_right_arithmetic3A_131 = arith.shrsi %add3A_128, %shift_right_arithmetic3A_130 : vector<16xi32>
      %gather3A_132 = tpu.vector_load_idx %arg7[%shift_right_arithmetic3A_131] : memref<520xi32, #tpu.memory_space<vmem>>[vector<16xi32>], vector<16xi32>,
      %le3A_133 = arith.cmpi sle, %gather3A_132, %add3A_39 : vector<16xi32>
      %add3A_134 = arith.constant 1 : i32
      %add3A_135 = vector.broadcast %add3A_134 : i32 to vector<16xi32>
      %add3A_136 = arith.addi %shift_right_arithmetic3A_131, %add3A_135 : vector<16xi32>
      %select_n3A_137 = arith.select %le3A_133, %add3A_136, %select_n3A_126 : vector<16xi1>, vector<16xi32>
      %select_n3A_138 = arith.select %le3A_133, %select_n3A_127, %shift_right_arithmetic3A_131 : vector<16xi1>, vector<16xi32>
      %add3A_139 = arith.addi %select_n3A_137, %select_n3A_138 : vector<16xi32>
      %shift_right_arithmetic3A_140 = arith.constant 1 : i32
      %shift_right_arithmetic3A_141 = vector.broadcast %shift_right_arithmetic3A_140 : i32 to vector<16xi32>
      %shift_right_arithmetic3A_142 = arith.shrsi %add3A_139, %shift_right_arithmetic3A_141 : vector<16xi32>
      %gather3A_143 = tpu.vector_load_idx %arg7[%shift_right_arithmetic3A_142] : memref<520xi32, #tpu.memory_space<vmem>>[vector<16xi32>], vector<16xi32>,
      %le3A_144 = arith.cmpi sle, %gather3A_143, %add3A_39 : vector<16xi32>
      %add3A_145 = arith.constant 1 : i32
      %add3A_146 = vector.broadcast %add3A_145 : i32 to vector<16xi32>
      %add3A_147 = arith.addi %shift_right_arithmetic3A_142, %add3A_146 : vector<16xi32>
      %select_n3A_148 = arith.select %le3A_144, %add3A_147, %select_n3A_137 : vector<16xi1>, vector<16xi32>
      %select_n3A_149 = arith.select %le3A_144, %select_n3A_138, %shift_right_arithmetic3A_142 : vector<16xi1>, vector<16xi32>
      %ge3A = vector.broadcast %squeeze3A : i32 to vector<16xi32>
      %ge3A_150 = arith.cmpi sge, %add3A_39, %ge3A : vector<16xi32>
      %lt3A = vector.broadcast %squeeze3A_9 : i32 to vector<16xi32>
      %lt3A_151 = arith.cmpi slt, %add3A_39, %lt3A : vector<16xi32>
      %and3A = arith.andi %ge3A_150, %lt3A_151 : vector<16xi1>
      %mul3A_152 = arith.constant 512 : i32
      %mul3A_153 = arith.muli %arg1, %mul3A_152 : i32
      %sub3A = arith.constant 1 : i32
      %sub3A_154 = vector.broadcast %sub3A : i32 to vector<16xi32>
      %sub3A_155 = arith.subi %select_n3A_148, %sub3A_154 : vector<16xi32>
      %add3A_156 = vector.broadcast %mul3A_153 : i32 to vector<16xi32>
      %add3A_157 = arith.addi %add3A_156, %sub3A_155 : vector<16xi32>
      %jit3A = arith.constant 8192 : i32
      %broadcast_in_dim3A_158 = vector.broadcast %jit3A : i32 to vector<16xi32>
      %select_n3A_159 = arith.select %and3A, %add3A_157, %broadcast_in_dim3A_158 : vector<16xi1>, vector<16xi32>
      %swap3A = arith.constant 0 : i32
      %swap3A_160 = arith.index_cast %swap3A : i32 to index
      %swap3A_161 = arith.constant 0 : index
      %swap3A_162 = tpu.vector_load %arg9[%swap3A_160, %swap3A_161] {strides = array<i32>} : memref<1x128xi32, #tpu.memory_space<vmem>>, vector<16xi32>,
      tpu.vector_store %arg9[%swap3A_160, %swap3A_161], %select_n3A_159 {strides = array<i32>} : memref<1x128xi32, #tpu.memory_space<vmem>>, vector<16xi32>,
      %add3A_163 = arith.constant 16 : i32
      %add3A_164 = arith.addi %mul3A_29, %add3A_163 : i32
      %add3A_165 = vector.broadcast %add3A_164 : i32 to vector<16xi32>
      %add3A_166 = arith.addi %add3A_165, %iota3A : vector<16xi32>
      %broadcast_in_dim3A_167 = arith.constant 0 : i32
      %broadcast_in_dim3A_168 = vector.broadcast %broadcast_in_dim3A_167 : i32 to vector<16xi32>
      %broadcast_in_dim3A_169 = arith.constant 513 : i32
      %broadcast_in_dim3A_170 = vector.broadcast %broadcast_in_dim3A_169 : i32 to vector<16xi32>
      %add3A_171 = arith.addi %broadcast_in_dim3A_168, %broadcast_in_dim3A_170 : vector<16xi32>
      %shift_right_arithmetic3A_172 = arith.constant 1 : i32
      %shift_right_arithmetic3A_173 = vector.broadcast %shift_right_arithmetic3A_172 : i32 to vector<16xi32>
      %shift_right_arithmetic3A_174 = arith.shrsi %add3A_171, %shift_right_arithmetic3A_173 : vector<16xi32>
      %gather3A_175 = tpu.vector_load_idx %arg7[%shift_right_arithmetic3A_174] : memref<520xi32, #tpu.memory_space<vmem>>[vector<16xi32>], vector<16xi32>,
      %le3A_176 = arith.cmpi sle, %gather3A_175, %add3A_166 : vector<16xi32>
      %add3A_177 = arith.constant 1 : i32
      %add3A_178 = vector.broadcast %add3A_177 : i32 to vector<16xi32>
      %add3A_179 = arith.addi %shift_right_arithmetic3A_174, %add3A_178 : vector<16xi32>
      %select_n3A_180 = arith.select %le3A_176, %add3A_179, %broadcast_in_dim3A_168 : vector<16xi1>, vector<16xi32>
      %select_n3A_181 = arith.select %le3A_176, %broadcast_in_dim3A_170, %shift_right_arithmetic3A_174 : vector<16xi1>, vector<16xi32>
      %add3A_182 = arith.addi %select_n3A_180, %select_n3A_181 : vector<16xi32>
      %shift_right_arithmetic3A_183 = arith.constant 1 : i32
      %shift_right_arithmetic3A_184 = vector.broadcast %shift_right_arithmetic3A_183 : i32 to vector<16xi32>
      %shift_right_arithmetic3A_185 = arith.shrsi %add3A_182, %shift_right_arithmetic3A_184 : vector<16xi32>
      %gather3A_186 = tpu.vector_load_idx %arg7[%shift_right_arithmetic3A_185] : memref<520xi32, #tpu.memory_space<vmem>>[vector<16xi32>], vector<16xi32>,
      %le3A_187 = arith.cmpi sle, %gather3A_186, %add3A_166 : vector<16xi32>
      %add3A_188 = arith.constant 1 : i32
      %add3A_189 = vector.broadcast %add3A_188 : i32 to vector<16xi32>
      %add3A_190 = arith.addi %shift_right_arithmetic3A_185, %add3A_189 : vector<16xi32>
      %select_n3A_191 = arith.select %le3A_187, %add3A_190, %select_n3A_180 : vector<16xi1>, vector<16xi32>
      %select_n3A_192 = arith.select %le3A_187, %select_n3A_181, %shift_right_arithmetic3A_185 : vector<16xi1>, vector<16xi32>
      %add3A_193 = arith.addi %select_n3A_191, %select_n3A_192 : vector<16xi32>
      %shift_right_arithmetic3A_194 = arith.constant 1 : i32
      %shift_right_arithmetic3A_195 = vector.broadcast %shift_right_arithmetic3A_194 : i32 to vector<16xi32>
      %shift_right_arithmetic3A_196 = arith.shrsi %add3A_193, %shift_right_arithmetic3A_195 : vector<16xi32>
      %gather3A_197 = tpu.vector_load_idx %arg7[%shift_right_arithmetic3A_196] : memref<520xi32, #tpu.memory_space<vmem>>[vector<16xi32>], vector<16xi32>,
      %le3A_198 = arith.cmpi sle, %gather3A_197, %add3A_166 : vector<16xi32>
      %add3A_199 = arith.constant 1 : i32
      %add3A_200 = vector.broadcast %add3A_199 : i32 to vector<16xi32>
      %add3A_201 = arith.addi %shift_right_arithmetic3A_196, %add3A_200 : vector<16xi32>
      %select_n3A_202 = arith.select %le3A_198, %add3A_201, %select_n3A_191 : vector<16xi1>, vector<16xi32>
      %select_n3A_203 = arith.select %le3A_198, %select_n3A_192, %shift_right_arithmetic3A_196 : vector<16xi1>, vector<16xi32>
      %add3A_204 = arith.addi %select_n3A_202, %select_n3A_203 : vector<16xi32>
      %shift_right_arithmetic3A_205 = arith.constant 1 : i32
      %shift_right_arithmetic3A_206 = vector.broadcast %shift_right_arithmetic3A_205 : i32 to vector<16xi32>
      %shift_right_arithmetic3A_207 = arith.shrsi %add3A_204, %shift_right_arithmetic3A_206 : vector<16xi32>
      %gather3A_208 = tpu.vector_load_idx %arg7[%shift_right_arithmetic3A_207] : memref<520xi32, #tpu.memory_space<vmem>>[vector<16xi32>], vector<16xi32>,
      %le3A_209 = arith.cmpi sle, %gather3A_208, %add3A_166 : vector<16xi32>
      %add3A_210 = arith.constant 1 : i32
      %add3A_211 = vector.broadcast %add3A_210 : i32 to vector<16xi32>
      %add3A_212 = arith.addi %shift_right_arithmetic3A_207, %add3A_211 : vector<16xi32>
      %select_n3A_213 = arith.select %le3A_209, %add3A_212, %select_n3A_202 : vector<16xi1>, vector<16xi32>
      %select_n3A_214 = arith.select %le3A_209, %select_n3A_203, %shift_right_arithmetic3A_207 : vector<16xi1>, vector<16xi32>
      %add3A_215 = arith.addi %select_n3A_213, %select_n3A_214 : vector<16xi32>
      %shift_right_arithmetic3A_216 = arith.constant 1 : i32
      %shift_right_arithmetic3A_217 = vector.broadcast %shift_right_arithmetic3A_216 : i32 to vector<16xi32>
      %shift_right_arithmetic3A_218 = arith.shrsi %add3A_215, %shift_right_arithmetic3A_217 : vector<16xi32>
      %gather3A_219 = tpu.vector_load_idx %arg7[%shift_right_arithmetic3A_218] : memref<520xi32, #tpu.memory_space<vmem>>[vector<16xi32>], vector<16xi32>,
      %le3A_220 = arith.cmpi sle, %gather3A_219, %add3A_166 : vector<16xi32>
      %add3A_221 = arith.constant 1 : i32
      %add3A_222 = vector.broadcast %add3A_221 : i32 to vector<16xi32>
      %add3A_223 = arith.addi %shift_right_arithmetic3A_218, %add3A_222 : vector<16xi32>
      %select_n3A_224 = arith.select %le3A_220, %add3A_223, %select_n3A_213 : vector<16xi1>, vector<16xi32>
      %select_n3A_225 = arith.select %le3A_220, %select_n3A_214, %shift_right_arithmetic3A_218 : vector<16xi1>, vector<16xi32>
      %add3A_226 = arith.addi %select_n3A_224, %select_n3A_225 : vector<16xi32>
      %shift_right_arithmetic3A_227 = arith.constant 1 : i32
      %shift_right_arithmetic3A_228 = vector.broadcast %shift_right_arithmetic3A_227 : i32 to vector<16xi32>
      %shift_right_arithmetic3A_229 = arith.shrsi %add3A_226, %shift_right_arithmetic3A_228 : vector<16xi32>
      %gather3A_230 = tpu.vector_load_idx %arg7[%shift_right_arithmetic3A_229] : memref<520xi32, #tpu.memory_space<vmem>>[vector<16xi32>], vector<16xi32>,
      %le3A_231 = arith.cmpi sle, %gather3A_230, %add3A_166 : vector<16xi32>
      %add3A_232 = arith.constant 1 : i32
      %add3A_233 = vector.broadcast %add3A_232 : i32 to vector<16xi32>
      %add3A_234 = arith.addi %shift_right_arithmetic3A_229, %add3A_233 : vector<16xi32>
      %select_n3A_235 = arith.select %le3A_231, %add3A_234, %select_n3A_224 : vector<16xi1>, vector<16xi32>
      %select_n3A_236 = arith.select %le3A_231, %select_n3A_225, %shift_right_arithmetic3A_229 : vector<16xi1>, vector<16xi32>
      %add3A_237 = arith.addi %select_n3A_235, %select_n3A_236 : vector<16xi32>
      %shift_right_arithmetic3A_238 = arith.constant 1 : i32
      %shift_right_arithmetic3A_239 = vector.broadcast %shift_right_arithmetic3A_238 : i32 to vector<16xi32>
      %shift_right_arithmetic3A_240 = arith.shrsi %add3A_237, %shift_right_arithmetic3A_239 : vector<16xi32>
      %gather3A_241 = tpu.vector_load_idx %arg7[%shift_right_arithmetic3A_240] : memref<520xi32, #tpu.memory_space<vmem>>[vector<16xi32>], vector<16xi32>,
      %le3A_242 = arith.cmpi sle, %gather3A_241, %add3A_166 : vector<16xi32>
      %add3A_243 = arith.constant 1 : i32
      %add3A_244 = vector.broadcast %add3A_243 : i32 to vector<16xi32>
      %add3A_245 = arith.addi %shift_right_arithmetic3A_240, %add3A_244 : vector<16xi32>
      %select_n3A_246 = arith.select %le3A_242, %add3A_245, %select_n3A_235 : vector<16xi1>, vector<16xi32>
      %select_n3A_247 = arith.select %le3A_242, %select_n3A_236, %shift_right_arithmetic3A_240 : vector<16xi1>, vector<16xi32>
      %add3A_248 = arith.addi %select_n3A_246, %select_n3A_247 : vector<16xi32>
      %shift_right_arithmetic3A_249 = arith.constant 1 : i32
      %shift_right_arithmetic3A_250 = vector.broadcast %shift_right_arithmetic3A_249 : i32 to vector<16xi32>
      %shift_right_arithmetic3A_251 = arith.shrsi %add3A_248, %shift_right_arithmetic3A_250 : vector<16xi32>
      %gather3A_252 = tpu.vector_load_idx %arg7[%shift_right_arithmetic3A_251] : memref<520xi32, #tpu.memory_space<vmem>>[vector<16xi32>], vector<16xi32>,
      %le3A_253 = arith.cmpi sle, %gather3A_252, %add3A_166 : vector<16xi32>
      %add3A_254 = arith.constant 1 : i32
      %add3A_255 = vector.broadcast %add3A_254 : i32 to vector<16xi32>
      %add3A_256 = arith.addi %shift_right_arithmetic3A_251, %add3A_255 : vector<16xi32>
      %select_n3A_257 = arith.select %le3A_253, %add3A_256, %select_n3A_246 : vector<16xi1>, vector<16xi32>
      %select_n3A_258 = arith.select %le3A_253, %select_n3A_247, %shift_right_arithmetic3A_251 : vector<16xi1>, vector<16xi32>
      %add3A_259 = arith.addi %select_n3A_257, %select_n3A_258 : vector<16xi32>
      %shift_right_arithmetic3A_260 = arith.constant 1 : i32
      %shift_right_arithmetic3A_261 = vector.broadcast %shift_right_arithmetic3A_260 : i32 to vector<16xi32>
      %shift_right_arithmetic3A_262 = arith.shrsi %add3A_259, %shift_right_arithmetic3A_261 : vector<16xi32>
      %gather3A_263 = tpu.vector_load_idx %arg7[%shift_right_arithmetic3A_262] : memref<520xi32, #tpu.memory_space<vmem>>[vector<16xi32>], vector<16xi32>,
      %le3A_264 = arith.cmpi sle, %gather3A_263, %add3A_166 : vector<16xi32>
      %add3A_265 = arith.constant 1 : i32
      %add3A_266 = vector.broadcast %add3A_265 : i32 to vector<16xi32>
      %add3A_267 = arith.addi %shift_right_arithmetic3A_262, %add3A_266 : vector<16xi32>
      %select_n3A_268 = arith.select %le3A_264, %add3A_267, %select_n3A_257 : vector<16xi1>, vector<16xi32>
      %select_n3A_269 = arith.select %le3A_264, %select_n3A_258, %shift_right_arithmetic3A_262 : vector<16xi1>, vector<16xi32>
      %add3A_270 = arith.addi %select_n3A_268, %select_n3A_269 : vector<16xi32>
      %shift_right_arithmetic3A_271 = arith.constant 1 : i32
      %shift_right_arithmetic3A_272 = vector.broadcast %shift_right_arithmetic3A_271 : i32 to vector<16xi32>
      %shift_right_arithmetic3A_273 = arith.shrsi %add3A_270, %shift_right_arithmetic3A_272 : vector<16xi32>
      %gather3A_274 = tpu.vector_load_idx %arg7[%shift_right_arithmetic3A_273] : memref<520xi32, #tpu.memory_space<vmem>>[vector<16xi32>], vector<16xi32>,
      %le3A_275 = arith.cmpi sle, %gather3A_274, %add3A_166 : vector<16xi32>
      %add3A_276 = arith.constant 1 : i32
      %add3A_277 = vector.broadcast %add3A_276 : i32 to vector<16xi32>
      %add3A_278 = arith.addi %shift_right_arithmetic3A_273, %add3A_277 : vector<16xi32>
      %select_n3A_279 = arith.select %le3A_275, %add3A_278, %select_n3A_268 : vector<16xi1>, vector<16xi32>
      %select_n3A_280 = arith.select %le3A_275, %select_n3A_269, %shift_right_arithmetic3A_273 : vector<16xi1>, vector<16xi32>
      %ge3A_281 = vector.broadcast %squeeze3A : i32 to vector<16xi32>
      %ge3A_282 = arith.cmpi sge, %add3A_166, %ge3A_281 : vector<16xi32>
      %lt3A_283 = vector.broadcast %squeeze3A_9 : i32 to vector<16xi32>
      %lt3A_284 = arith.cmpi slt, %add3A_166, %lt3A_283 : vector<16xi32>
      %and3A_285 = arith.andi %ge3A_282, %lt3A_284 : vector<16xi1>
      %mul3A_286 = arith.constant 512 : i32
      %mul3A_287 = arith.muli %arg1, %mul3A_286 : i32
      %sub3A_288 = arith.constant 1 : i32
      %sub3A_289 = vector.broadcast %sub3A_288 : i32 to vector<16xi32>
      %sub3A_290 = arith.subi %select_n3A_279, %sub3A_289 : vector<16xi32>
      %add3A_291 = vector.broadcast %mul3A_287 : i32 to vector<16xi32>
      %add3A_292 = arith.addi %add3A_291, %sub3A_290 : vector<16xi32>
      %jit3A_293 = arith.constant 8192 : i32
      %broadcast_in_dim3A_294 = vector.broadcast %jit3A_293 : i32 to vector<16xi32>
      %select_n3A_295 = arith.select %and3A_285, %add3A_292, %broadcast_in_dim3A_294 : vector<16xi1>, vector<16xi32>
      %swap3A_296 = arith.constant 0 : i32
      %swap3A_297 = arith.index_cast %swap3A_296 : i32 to index
      %swap3A_298 = arith.constant 16 : index
      %swap3A_299 = tpu.vector_load %arg9[%swap3A_297, %swap3A_298] {strides = array<i32>} : memref<1x128xi32, #tpu.memory_space<vmem>>, vector<16xi32>,
      tpu.vector_store %arg9[%swap3A_297, %swap3A_298], %select_n3A_295 {strides = array<i32>} : memref<1x128xi32, #tpu.memory_space<vmem>>, vector<16xi32>,
      %add3A_300 = arith.constant 32 : i32
      %add3A_301 = arith.addi %mul3A_29, %add3A_300 : i32
      %add3A_302 = vector.broadcast %add3A_301 : i32 to vector<16xi32>
      %add3A_303 = arith.addi %add3A_302, %iota3A : vector<16xi32>
      %broadcast_in_dim3A_304 = arith.constant 0 : i32
      %broadcast_in_dim3A_305 = vector.broadcast %broadcast_in_dim3A_304 : i32 to vector<16xi32>
      %broadcast_in_dim3A_306 = arith.constant 513 : i32
      %broadcast_in_dim3A_307 = vector.broadcast %broadcast_in_dim3A_306 : i32 to vector<16xi32>
      %add3A_308 = arith.addi %broadcast_in_dim3A_305, %broadcast_in_dim3A_307 : vector<16xi32>
      %shift_right_arithmetic3A_309 = arith.constant 1 : i32
      %shift_right_arithmetic3A_310 = vector.broadcast %shift_right_arithmetic3A_309 : i32 to vector<16xi32>
      %shift_right_arithmetic3A_311 = arith.shrsi %add3A_308, %shift_right_arithmetic3A_310 : vector<16xi32>
      %gather3A_312 = tpu.vector_load_idx %arg7[%shift_right_arithmetic3A_311] : memref<520xi32, #tpu.memory_space<vmem>>[vector<16xi32>], vector<16xi32>,
      %le3A_313 = arith.cmpi sle, %gather3A_312, %add3A_303 : vector<16xi32>
      %add3A_314 = arith.constant 1 : i32
      %add3A_315 = vector.broadcast %add3A_314 : i32 to vector<16xi32>
      %add3A_316 = arith.addi %shift_right_arithmetic3A_311, %add3A_315 : vector<16xi32>
      %select_n3A_317 = arith.select %le3A_313, %add3A_316, %broadcast_in_dim3A_305 : vector<16xi1>, vector<16xi32>
      %select_n3A_318 = arith.select %le3A_313, %broadcast_in_dim3A_307, %shift_right_arithmetic3A_311 : vector<16xi1>, vector<16xi32>
      %add3A_319 = arith.addi %select_n3A_317, %select_n3A_318 : vector<16xi32>
      %shift_right_arithmetic3A_320 = arith.constant 1 : i32
      %shift_right_arithmetic3A_321 = vector.broadcast %shift_right_arithmetic3A_320 : i32 to vector<16xi32>
      %shift_right_arithmetic3A_322 = arith.shrsi %add3A_319, %shift_right_arithmetic3A_321 : vector<16xi32>
      %gather3A_323 = tpu.vector_load_idx %arg7[%shift_right_arithmetic3A_322] : memref<520xi32, #tpu.memory_space<vmem>>[vector<16xi32>], vector<16xi32>,
      %le3A_324 = arith.cmpi sle, %gather3A_323, %add3A_303 : vector<16xi32>
      %add3A_325 = arith.constant 1 : i32
      %add3A_326 = vector.broadcast %add3A_325 : i32 to vector<16xi32>
      %add3A_327 = arith.addi %shift_right_arithmetic3A_322, %add3A_326 : vector<16xi32>
      %select_n3A_328 = arith.select %le3A_324, %add3A_327, %select_n3A_317 : vector<16xi1>, vector<16xi32>
      %select_n3A_329 = arith.select %le3A_324, %select_n3A_318, %shift_right_arithmetic3A_322 : vector<16xi1>, vector<16xi32>
      %add3A_330 = arith.addi %select_n3A_328, %select_n3A_329 : vector<16xi32>
      %shift_right_arithmetic3A_331 = arith.constant 1 : i32
      %shift_right_arithmetic3A_332 = vector.broadcast %shift_right_arithmetic3A_331 : i32 to vector<16xi32>
      %shift_right_arithmetic3A_333 = arith.shrsi %add3A_330, %shift_right_arithmetic3A_332 : vector<16xi32>
      %gather3A_334 = tpu.vector_load_idx %arg7[%shift_right_arithmetic3A_333] : memref<520xi32, #tpu.memory_space<vmem>>[vector<16xi32>], vector<16xi32>,
      %le3A_335 = arith.cmpi sle, %gather3A_334, %add3A_303 : vector<16xi32>
      %add3A_336 = arith.constant 1 : i32
      %add3A_337 = vector.broadcast %add3A_336 : i32 to vector<16xi32>
      %add3A_338 = arith.addi %shift_right_arithmetic3A_333, %add3A_337 : vector<16xi32>
      %select_n3A_339 = arith.select %le3A_335, %add3A_338, %select_n3A_328 : vector<16xi1>, vector<16xi32>
      %select_n3A_340 = arith.select %le3A_335, %select_n3A_329, %shift_right_arithmetic3A_333 : vector<16xi1>, vector<16xi32>
      %add3A_341 = arith.addi %select_n3A_339, %select_n3A_340 : vector<16xi32>
      %shift_right_arithmetic3A_342 = arith.constant 1 : i32
      %shift_right_arithmetic3A_343 = vector.broadcast %shift_right_arithmetic3A_342 : i32 to vector<16xi32>
      %shift_right_arithmetic3A_344 = arith.shrsi %add3A_341, %shift_right_arithmetic3A_343 : vector<16xi32>
      %gather3A_345 = tpu.vector_load_idx %arg7[%shift_right_arithmetic3A_344] : memref<520xi32, #tpu.memory_space<vmem>>[vector<16xi32>], vector<16xi32>,
      %le3A_346 = arith.cmpi sle, %gather3A_345, %add3A_303 : vector<16xi32>
      %add3A_347 = arith.constant 1 : i32
      %add3A_348 = vector.broadcast %add3A_347 : i32 to vector<16xi32>
      %add3A_349 = arith.addi %shift_right_arithmetic3A_344, %add3A_348 : vector<16xi32>
      %select_n3A_350 = arith.select %le3A_346, %add3A_349, %select_n3A_339 : vector<16xi1>, vector<16xi32>
      %select_n3A_351 = arith.select %le3A_346, %select_n3A_340, %shift_right_arithmetic3A_344 : vector<16xi1>, vector<16xi32>
      %add3A_352 = arith.addi %select_n3A_350, %select_n3A_351 : vector<16xi32>
      %shift_right_arithmetic3A_353 = arith.constant 1 : i32
      %shift_right_arithmetic3A_354 = vector.broadcast %shift_right_arithmetic3A_353 : i32 to vector<16xi32>
      %shift_right_arithmetic3A_355 = arith.shrsi %add3A_352, %shift_right_arithmetic3A_354 : vector<16xi32>
      %gather3A_356 = tpu.vector_load_idx %arg7[%shift_right_arithmetic3A_355] : memref<520xi32, #tpu.memory_space<vmem>>[vector<16xi32>], vector<16xi32>,
      %le3A_357 = arith.cmpi sle, %gather3A_356, %add3A_303 : vector<16xi32>
      %add3A_358 = arith.constant 1 : i32
      %add3A_359 = vector.broadcast %add3A_358 : i32 to vector<16xi32>
      %add3A_360 = arith.addi %shift_right_arithmetic3A_355, %add3A_359 : vector<16xi32>
      %select_n3A_361 = arith.select %le3A_357, %add3A_360, %select_n3A_350 : vector<16xi1>, vector<16xi32>
      %select_n3A_362 = arith.select %le3A_357, %select_n3A_351, %shift_right_arithmetic3A_355 : vector<16xi1>, vector<16xi32>
      %add3A_363 = arith.addi %select_n3A_361, %select_n3A_362 : vector<16xi32>
      %shift_right_arithmetic3A_364 = arith.constant 1 : i32
      %shift_right_arithmetic3A_365 = vector.broadcast %shift_right_arithmetic3A_364 : i32 to vector<16xi32>
      %shift_right_arithmetic3A_366 = arith.shrsi %add3A_363, %shift_right_arithmetic3A_365 : vector<16xi32>
      %gather3A_367 = tpu.vector_load_idx %arg7[%shift_right_arithmetic3A_366] : memref<520xi32, #tpu.memory_space<vmem>>[vector<16xi32>], vector<16xi32>,
      %le3A_368 = arith.cmpi sle, %gather3A_367, %add3A_303 : vector<16xi32>
      %add3A_369 = arith.constant 1 : i32
      %add3A_370 = vector.broadcast %add3A_369 : i32 to vector<16xi32>
      %add3A_371 = arith.addi %shift_right_arithmetic3A_366, %add3A_370 : vector<16xi32>
      %select_n3A_372 = arith.select %le3A_368, %add3A_371, %select_n3A_361 : vector<16xi1>, vector<16xi32>
      %select_n3A_373 = arith.select %le3A_368, %select_n3A_362, %shift_right_arithmetic3A_366 : vector<16xi1>, vector<16xi32>
      %add3A_374 = arith.addi %select_n3A_372, %select_n3A_373 : vector<16xi32>
      %shift_right_arithmetic3A_375 = arith.constant 1 : i32
      %shift_right_arithmetic3A_376 = vector.broadcast %shift_right_arithmetic3A_375 : i32 to vector<16xi32>
      %shift_right_arithmetic3A_377 = arith.shrsi %add3A_374, %shift_right_arithmetic3A_376 : vector<16xi32>
      %gather3A_378 = tpu.vector_load_idx %arg7[%shift_right_arithmetic3A_377] : memref<520xi32, #tpu.memory_space<vmem>>[vector<16xi32>], vector<16xi32>,
      %le3A_379 = arith.cmpi sle, %gather3A_378, %add3A_303 : vector<16xi32>
      %add3A_380 = arith.constant 1 : i32
      %add3A_381 = vector.broadcast %add3A_380 : i32 to vector<16xi32>
      %add3A_382 = arith.addi %shift_right_arithmetic3A_377, %add3A_381 : vector<16xi32>
      %select_n3A_383 = arith.select %le3A_379, %add3A_382, %select_n3A_372 : vector<16xi1>, vector<16xi32>
      %select_n3A_384 = arith.select %le3A_379, %select_n3A_373, %shift_right_arithmetic3A_377 : vector<16xi1>, vector<16xi32>
      %add3A_385 = arith.addi %select_n3A_383, %select_n3A_384 : vector<16xi32>
      %shift_right_arithmetic3A_386 = arith.constant 1 : i32
      %shift_right_arithmetic3A_387 = vector.broadcast %shift_right_arithmetic3A_386 : i32 to vector<16xi32>
      %shift_right_arithmetic3A_388 = arith.shrsi %add3A_385, %shift_right_arithmetic3A_387 : vector<16xi32>
      %gather3A_389 = tpu.vector_load_idx %arg7[%shift_right_arithmetic3A_388] : memref<520xi32, #tpu.memory_space<vmem>>[vector<16xi32>], vector<16xi32>,
      %le3A_390 = arith.cmpi sle, %gather3A_389, %add3A_303 : vector<16xi32>
      %add3A_391 = arith.constant 1 : i32
      %add3A_392 = vector.broadcast %add3A_391 : i32 to vector<16xi32>
      %add3A_393 = arith.addi %shift_right_arithmetic3A_388, %add3A_392 : vector<16xi32>
      %select_n3A_394 = arith.select %le3A_390, %add3A_393, %select_n3A_383 : vector<16xi1>, vector<16xi32>
      %select_n3A_395 = arith.select %le3A_390, %select_n3A_384, %shift_right_arithmetic3A_388 : vector<16xi1>, vector<16xi32>
      %add3A_396 = arith.addi %select_n3A_394, %select_n3A_395 : vector<16xi32>
      %shift_right_arithmetic3A_397 = arith.constant 1 : i32
      %shift_right_arithmetic3A_398 = vector.broadcast %shift_right_arithmetic3A_397 : i32 to vector<16xi32>
      %shift_right_arithmetic3A_399 = arith.shrsi %add3A_396, %shift_right_arithmetic3A_398 : vector<16xi32>
      %gather3A_400 = tpu.vector_load_idx %arg7[%shift_right_arithmetic3A_399] : memref<520xi32, #tpu.memory_space<vmem>>[vector<16xi32>], vector<16xi32>,
      %le3A_401 = arith.cmpi sle, %gather3A_400, %add3A_303 : vector<16xi32>
      %add3A_402 = arith.constant 1 : i32
      %add3A_403 = vector.broadcast %add3A_402 : i32 to vector<16xi32>
      %add3A_404 = arith.addi %shift_right_arithmetic3A_399, %add3A_403 : vector<16xi32>
      %select_n3A_405 = arith.select %le3A_401, %add3A_404, %select_n3A_394 : vector<16xi1>, vector<16xi32>
      %select_n3A_406 = arith.select %le3A_401, %select_n3A_395, %shift_right_arithmetic3A_399 : vector<16xi1>, vector<16xi32>
      %add3A_407 = arith.addi %select_n3A_405, %select_n3A_406 : vector<16xi32>
      %shift_right_arithmetic3A_408 = arith.constant 1 : i32
      %shift_right_arithmetic3A_409 = vector.broadcast %shift_right_arithmetic3A_408 : i32 to vector<16xi32>
      %shift_right_arithmetic3A_410 = arith.shrsi %add3A_407, %shift_right_arithmetic3A_409 : vector<16xi32>
      %gather3A_411 = tpu.vector_load_idx %arg7[%shift_right_arithmetic3A_410] : memref<520xi32, #tpu.memory_space<vmem>>[vector<16xi32>], vector<16xi32>,
      %le3A_412 = arith.cmpi sle, %gather3A_411, %add3A_303 : vector<16xi32>
      %add3A_413 = arith.constant 1 : i32
      %add3A_414 = vector.broadcast %add3A_413 : i32 to vector<16xi32>
      %add3A_415 = arith.addi %shift_right_arithmetic3A_410, %add3A_414 : vector<16xi32>
      %select_n3A_416 = arith.select %le3A_412, %add3A_415, %select_n3A_405 : vector<16xi1>, vector<16xi32>
      %select_n3A_417 = arith.select %le3A_412, %select_n3A_406, %shift_right_arithmetic3A_410 : vector<16xi1>, vector<16xi32>
      %ge3A_418 = vector.broadcast %squeeze3A : i32 to vector<16xi32>
      %ge3A_419 = arith.cmpi sge, %add3A_303, %ge3A_418 : vector<16xi32>
      %lt3A_420 = vector.broadcast %squeeze3A_9 : i32 to vector<16xi32>
      %lt3A_421 = arith.cmpi slt, %add3A_303, %lt3A_420 : vector<16xi32>
      %and3A_422 = arith.andi %ge3A_419, %lt3A_421 : vector<16xi1>
      %mul3A_423 = arith.constant 512 : i32
      %mul3A_424 = arith.muli %arg1, %mul3A_423 : i32
      %sub3A_425 = arith.constant 1 : i32
      %sub3A_426 = vector.broadcast %sub3A_425 : i32 to vector<16xi32>
      %sub3A_427 = arith.subi %select_n3A_416, %sub3A_426 : vector<16xi32>
      %add3A_428 = vector.broadcast %mul3A_424 : i32 to vector<16xi32>
      %add3A_429 = arith.addi %add3A_428, %sub3A_427 : vector<16xi32>
      %jit3A_430 = arith.constant 8192 : i32
      %broadcast_in_dim3A_431 = vector.broadcast %jit3A_430 : i32 to vector<16xi32>
      %select_n3A_432 = arith.select %and3A_422, %add3A_429, %broadcast_in_dim3A_431 : vector<16xi1>, vector<16xi32>
      %swap3A_433 = arith.constant 0 : i32
      %swap3A_434 = arith.index_cast %swap3A_433 : i32 to index
      %swap3A_435 = arith.constant 32 : index
      %swap3A_436 = tpu.vector_load %arg9[%swap3A_434, %swap3A_435] {strides = array<i32>} : memref<1x128xi32, #tpu.memory_space<vmem>>, vector<16xi32>,
      tpu.vector_store %arg9[%swap3A_434, %swap3A_435], %select_n3A_432 {strides = array<i32>} : memref<1x128xi32, #tpu.memory_space<vmem>>, vector<16xi32>,
      %add3A_437 = arith.constant 48 : i32
      %add3A_438 = arith.addi %mul3A_29, %add3A_437 : i32
      %add3A_439 = vector.broadcast %add3A_438 : i32 to vector<16xi32>
      %add3A_440 = arith.addi %add3A_439, %iota3A : vector<16xi32>
      %broadcast_in_dim3A_441 = arith.constant 0 : i32
      %broadcast_in_dim3A_442 = vector.broadcast %broadcast_in_dim3A_441 : i32 to vector<16xi32>
      %broadcast_in_dim3A_443 = arith.constant 513 : i32
      %broadcast_in_dim3A_444 = vector.broadcast %broadcast_in_dim3A_443 : i32 to vector<16xi32>
      %add3A_445 = arith.addi %broadcast_in_dim3A_442, %broadcast_in_dim3A_444 : vector<16xi32>
      %shift_right_arithmetic3A_446 = arith.constant 1 : i32
      %shift_right_arithmetic3A_447 = vector.broadcast %shift_right_arithmetic3A_446 : i32 to vector<16xi32>
      %shift_right_arithmetic3A_448 = arith.shrsi %add3A_445, %shift_right_arithmetic3A_447 : vector<16xi32>
      %gather3A_449 = tpu.vector_load_idx %arg7[%shift_right_arithmetic3A_448] : memref<520xi32, #tpu.memory_space<vmem>>[vector<16xi32>], vector<16xi32>,
      %le3A_450 = arith.cmpi sle, %gather3A_449, %add3A_440 : vector<16xi32>
      %add3A_451 = arith.constant 1 : i32
      %add3A_452 = vector.broadcast %add3A_451 : i32 to vector<16xi32>
      %add3A_453 = arith.addi %shift_right_arithmetic3A_448, %add3A_452 : vector<16xi32>
      %select_n3A_454 = arith.select %le3A_450, %add3A_453, %broadcast_in_dim3A_442 : vector<16xi1>, vector<16xi32>
      %select_n3A_455 = arith.select %le3A_450, %broadcast_in_dim3A_444, %shift_right_arithmetic3A_448 : vector<16xi1>, vector<16xi32>
      %add3A_456 = arith.addi %select_n3A_454, %select_n3A_455 : vector<16xi32>
      %shift_right_arithmetic3A_457 = arith.constant 1 : i32
      %shift_right_arithmetic3A_458 = vector.broadcast %shift_right_arithmetic3A_457 : i32 to vector<16xi32>
      %shift_right_arithmetic3A_459 = arith.shrsi %add3A_456, %shift_right_arithmetic3A_458 : vector<16xi32>
      %gather3A_460 = tpu.vector_load_idx %arg7[%shift_right_arithmetic3A_459] : memref<520xi32, #tpu.memory_space<vmem>>[vector<16xi32>], vector<16xi32>,
      %le3A_461 = arith.cmpi sle, %gather3A_460, %add3A_440 : vector<16xi32>
      %add3A_462 = arith.constant 1 : i32
      %add3A_463 = vector.broadcast %add3A_462 : i32 to vector<16xi32>
      %add3A_464 = arith.addi %shift_right_arithmetic3A_459, %add3A_463 : vector<16xi32>
      %select_n3A_465 = arith.select %le3A_461, %add3A_464, %select_n3A_454 : vector<16xi1>, vector<16xi32>
      %select_n3A_466 = arith.select %le3A_461, %select_n3A_455, %shift_right_arithmetic3A_459 : vector<16xi1>, vector<16xi32>
      %add3A_467 = arith.addi %select_n3A_465, %select_n3A_466 : vector<16xi32>
      %shift_right_arithmetic3A_468 = arith.constant 1 : i32
      %shift_right_arithmetic3A_469 = vector.broadcast %shift_right_arithmetic3A_468 : i32 to vector<16xi32>
      %shift_right_arithmetic3A_470 = arith.shrsi %add3A_467, %shift_right_arithmetic3A_469 : vector<16xi32>
      %gather3A_471 = tpu.vector_load_idx %arg7[%shift_right_arithmetic3A_470] : memref<520xi32, #tpu.memory_space<vmem>>[vector<16xi32>], vector<16xi32>,
      %le3A_472 = arith.cmpi sle, %gather3A_471, %add3A_440 : vector<16xi32>
      %add3A_473 = arith.constant 1 : i32
      %add3A_474 = vector.broadcast %add3A_473 : i32 to vector<16xi32>
      %add3A_475 = arith.addi %shift_right_arithmetic3A_470, %add3A_474 : vector<16xi32>
      %select_n3A_476 = arith.select %le3A_472, %add3A_475, %select_n3A_465 : vector<16xi1>, vector<16xi32>
      %select_n3A_477 = arith.select %le3A_472, %select_n3A_466, %shift_right_arithmetic3A_470 : vector<16xi1>, vector<16xi32>
      %add3A_478 = arith.addi %select_n3A_476, %select_n3A_477 : vector<16xi32>
      %shift_right_arithmetic3A_479 = arith.constant 1 : i32
      %shift_right_arithmetic3A_480 = vector.broadcast %shift_right_arithmetic3A_479 : i32 to vector<16xi32>
      %shift_right_arithmetic3A_481 = arith.shrsi %add3A_478, %shift_right_arithmetic3A_480 : vector<16xi32>
      %gather3A_482 = tpu.vector_load_idx %arg7[%shift_right_arithmetic3A_481] : memref<520xi32, #tpu.memory_space<vmem>>[vector<16xi32>], vector<16xi32>,
      %le3A_483 = arith.cmpi sle, %gather3A_482, %add3A_440 : vector<16xi32>
      %add3A_484 = arith.constant 1 : i32
      %add3A_485 = vector.broadcast %add3A_484 : i32 to vector<16xi32>
      %add3A_486 = arith.addi %shift_right_arithmetic3A_481, %add3A_485 : vector<16xi32>
      %select_n3A_487 = arith.select %le3A_483, %add3A_486, %select_n3A_476 : vector<16xi1>, vector<16xi32>
      %select_n3A_488 = arith.select %le3A_483, %select_n3A_477, %shift_right_arithmetic3A_481 : vector<16xi1>, vector<16xi32>
      %add3A_489 = arith.addi %select_n3A_487, %select_n3A_488 : vector<16xi32>
      %shift_right_arithmetic3A_490 = arith.constant 1 : i32
      %shift_right_arithmetic3A_491 = vector.broadcast %shift_right_arithmetic3A_490 : i32 to vector<16xi32>
      %shift_right_arithmetic3A_492 = arith.shrsi %add3A_489, %shift_right_arithmetic3A_491 : vector<16xi32>
      %gather3A_493 = tpu.vector_load_idx %arg7[%shift_right_arithmetic3A_492] : memref<520xi32, #tpu.memory_space<vmem>>[vector<16xi32>], vector<16xi32>,
      %le3A_494 = arith.cmpi sle, %gather3A_493, %add3A_440 : vector<16xi32>
      %add3A_495 = arith.constant 1 : i32
      %add3A_496 = vector.broadcast %add3A_495 : i32 to vector<16xi32>
      %add3A_497 = arith.addi %shift_right_arithmetic3A_492, %add3A_496 : vector<16xi32>
      %select_n3A_498 = arith.select %le3A_494, %add3A_497, %select_n3A_487 : vector<16xi1>, vector<16xi32>
      %select_n3A_499 = arith.select %le3A_494, %select_n3A_488, %shift_right_arithmetic3A_492 : vector<16xi1>, vector<16xi32>
      %add3A_500 = arith.addi %select_n3A_498, %select_n3A_499 : vector<16xi32>
      %shift_right_arithmetic3A_501 = arith.constant 1 : i32
      %shift_right_arithmetic3A_502 = vector.broadcast %shift_right_arithmetic3A_501 : i32 to vector<16xi32>
      %shift_right_arithmetic3A_503 = arith.shrsi %add3A_500, %shift_right_arithmetic3A_502 : vector<16xi32>
      %gather3A_504 = tpu.vector_load_idx %arg7[%shift_right_arithmetic3A_503] : memref<520xi32, #tpu.memory_space<vmem>>[vector<16xi32>], vector<16xi32>,
      %le3A_505 = arith.cmpi sle, %gather3A_504, %add3A_440 : vector<16xi32>
      %add3A_506 = arith.constant 1 : i32
      %add3A_507 = vector.broadcast %add3A_506 : i32 to vector<16xi32>
      %add3A_508 = arith.addi %shift_right_arithmetic3A_503, %add3A_507 : vector<16xi32>
      %select_n3A_509 = arith.select %le3A_505, %add3A_508, %select_n3A_498 : vector<16xi1>, vector<16xi32>
      %select_n3A_510 = arith.select %le3A_505, %select_n3A_499, %shift_right_arithmetic3A_503 : vector<16xi1>, vector<16xi32>
      %add3A_511 = arith.addi %select_n3A_509, %select_n3A_510 : vector<16xi32>
      %shift_right_arithmetic3A_512 = arith.constant 1 : i32
      %shift_right_arithmetic3A_513 = vector.broadcast %shift_right_arithmetic3A_512 : i32 to vector<16xi32>
      %shift_right_arithmetic3A_514 = arith.shrsi %add3A_511, %shift_right_arithmetic3A_513 : vector<16xi32>
      %gather3A_515 = tpu.vector_load_idx %arg7[%shift_right_arithmetic3A_514] : memref<520xi32, #tpu.memory_space<vmem>>[vector<16xi32>], vector<16xi32>,
      %le3A_516 = arith.cmpi sle, %gather3A_515, %add3A_440 : vector<16xi32>
      %add3A_517 = arith.constant 1 : i32
      %add3A_518 = vector.broadcast %add3A_517 : i32 to vector<16xi32>
      %add3A_519 = arith.addi %shift_right_arithmetic3A_514, %add3A_518 : vector<16xi32>
      %select_n3A_520 = arith.select %le3A_516, %add3A_519, %select_n3A_509 : vector<16xi1>, vector<16xi32>
      %select_n3A_521 = arith.select %le3A_516, %select_n3A_510, %shift_right_arithmetic3A_514 : vector<16xi1>, vector<16xi32>
      %add3A_522 = arith.addi %select_n3A_520, %select_n3A_521 : vector<16xi32>
      %shift_right_arithmetic3A_523 = arith.constant 1 : i32
      %shift_right_arithmetic3A_524 = vector.broadcast %shift_right_arithmetic3A_523 : i32 to vector<16xi32>
      %shift_right_arithmetic3A_525 = arith.shrsi %add3A_522, %shift_right_arithmetic3A_524 : vector<16xi32>
      %gather3A_526 = tpu.vector_load_idx %arg7[%shift_right_arithmetic3A_525] : memref<520xi32, #tpu.memory_space<vmem>>[vector<16xi32>], vector<16xi32>,
      %le3A_527 = arith.cmpi sle, %gather3A_526, %add3A_440 : vector<16xi32>
      %add3A_528 = arith.constant 1 : i32
      %add3A_529 = vector.broadcast %add3A_528 : i32 to vector<16xi32>
      %add3A_530 = arith.addi %shift_right_arithmetic3A_525, %add3A_529 : vector<16xi32>
      %select_n3A_531 = arith.select %le3A_527, %add3A_530, %select_n3A_520 : vector<16xi1>, vector<16xi32>
      %select_n3A_532 = arith.select %le3A_527, %select_n3A_521, %shift_right_arithmetic3A_525 : vector<16xi1>, vector<16xi32>
      %add3A_533 = arith.addi %select_n3A_531, %select_n3A_532 : vector<16xi32>
      %shift_right_arithmetic3A_534 = arith.constant 1 : i32
      %shift_right_arithmetic3A_535 = vector.broadcast %shift_right_arithmetic3A_534 : i32 to vector<16xi32>
      %shift_right_arithmetic3A_536 = arith.shrsi %add3A_533, %shift_right_arithmetic3A_535 : vector<16xi32>
      %gather3A_537 = tpu.vector_load_idx %arg7[%shift_right_arithmetic3A_536] : memref<520xi32, #tpu.memory_space<vmem>>[vector<16xi32>], vector<16xi32>,
      %le3A_538 = arith.cmpi sle, %gather3A_537, %add3A_440 : vector<16xi32>
      %add3A_539 = arith.constant 1 : i32
      %add3A_540 = vector.broadcast %add3A_539 : i32 to vector<16xi32>
      %add3A_541 = arith.addi %shift_right_arithmetic3A_536, %add3A_540 : vector<16xi32>
      %select_n3A_542 = arith.select %le3A_538, %add3A_541, %select_n3A_531 : vector<16xi1>, vector<16xi32>
      %select_n3A_543 = arith.select %le3A_538, %select_n3A_532, %shift_right_arithmetic3A_536 : vector<16xi1>, vector<16xi32>
      %add3A_544 = arith.addi %select_n3A_542, %select_n3A_543 : vector<16xi32>
      %shift_right_arithmetic3A_545 = arith.constant 1 : i32
      %shift_right_arithmetic3A_546 = vector.broadcast %shift_right_arithmetic3A_545 : i32 to vector<16xi32>
      %shift_right_arithmetic3A_547 = arith.shrsi %add3A_544, %shift_right_arithmetic3A_546 : vector<16xi32>
      %gather3A_548 = tpu.vector_load_idx %arg7[%shift_right_arithmetic3A_547] : memref<520xi32, #tpu.memory_space<vmem>>[vector<16xi32>], vector<16xi32>,
      %le3A_549 = arith.cmpi sle, %gather3A_548, %add3A_440 : vector<16xi32>
      %add3A_550 = arith.constant 1 : i32
      %add3A_551 = vector.broadcast %add3A_550 : i32 to vector<16xi32>
      %add3A_552 = arith.addi %shift_right_arithmetic3A_547, %add3A_551 : vector<16xi32>
      %select_n3A_553 = arith.select %le3A_549, %add3A_552, %select_n3A_542 : vector<16xi1>, vector<16xi32>
      %select_n3A_554 = arith.select %le3A_549, %select_n3A_543, %shift_right_arithmetic3A_547 : vector<16xi1>, vector<16xi32>
      %ge3A_555 = vector.broadcast %squeeze3A : i32 to vector<16xi32>
      %ge3A_556 = arith.cmpi sge, %add3A_440, %ge3A_555 : vector<16xi32>
      %lt3A_557 = vector.broadcast %squeeze3A_9 : i32 to vector<16xi32>
      %lt3A_558 = arith.cmpi slt, %add3A_440, %lt3A_557 : vector<16xi32>
      %and3A_559 = arith.andi %ge3A_556, %lt3A_558 : vector<16xi1>
      %mul3A_560 = arith.constant 512 : i32
      %mul3A_561 = arith.muli %arg1, %mul3A_560 : i32
      %sub3A_562 = arith.constant 1 : i32
      %sub3A_563 = vector.broadcast %sub3A_562 : i32 to vector<16xi32>
      %sub3A_564 = arith.subi %select_n3A_553, %sub3A_563 : vector<16xi32>
      %add3A_565 = vector.broadcast %mul3A_561 : i32 to vector<16xi32>
      %add3A_566 = arith.addi %add3A_565, %sub3A_564 : vector<16xi32>
      %jit3A_567 = arith.constant 8192 : i32
      %broadcast_in_dim3A_568 = vector.broadcast %jit3A_567 : i32 to vector<16xi32>
      %select_n3A_569 = arith.select %and3A_559, %add3A_566, %broadcast_in_dim3A_568 : vector<16xi1>, vector<16xi32>
      %swap3A_570 = arith.constant 0 : i32
      %swap3A_571 = arith.index_cast %swap3A_570 : i32 to index
      %swap3A_572 = arith.constant 48 : index
      %swap3A_573 = tpu.vector_load %arg9[%swap3A_571, %swap3A_572] {strides = array<i32>} : memref<1x128xi32, #tpu.memory_space<vmem>>, vector<16xi32>,
      tpu.vector_store %arg9[%swap3A_571, %swap3A_572], %select_n3A_569 {strides = array<i32>} : memref<1x128xi32, #tpu.memory_space<vmem>>, vector<16xi32>,
      %add3A_574 = arith.constant 64 : i32
      %add3A_575 = arith.addi %mul3A_29, %add3A_574 : i32
      %add3A_576 = vector.broadcast %add3A_575 : i32 to vector<16xi32>
      %add3A_577 = arith.addi %add3A_576, %iota3A : vector<16xi32>
      %broadcast_in_dim3A_578 = arith.constant 0 : i32
      %broadcast_in_dim3A_579 = vector.broadcast %broadcast_in_dim3A_578 : i32 to vector<16xi32>
      %broadcast_in_dim3A_580 = arith.constant 513 : i32
      %broadcast_in_dim3A_581 = vector.broadcast %broadcast_in_dim3A_580 : i32 to vector<16xi32>
      %add3A_582 = arith.addi %broadcast_in_dim3A_579, %broadcast_in_dim3A_581 : vector<16xi32>
      %shift_right_arithmetic3A_583 = arith.constant 1 : i32
      %shift_right_arithmetic3A_584 = vector.broadcast %shift_right_arithmetic3A_583 : i32 to vector<16xi32>
      %shift_right_arithmetic3A_585 = arith.shrsi %add3A_582, %shift_right_arithmetic3A_584 : vector<16xi32>
      %gather3A_586 = tpu.vector_load_idx %arg7[%shift_right_arithmetic3A_585] : memref<520xi32, #tpu.memory_space<vmem>>[vector<16xi32>], vector<16xi32>,
      %le3A_587 = arith.cmpi sle, %gather3A_586, %add3A_577 : vector<16xi32>
      %add3A_588 = arith.constant 1 : i32
      %add3A_589 = vector.broadcast %add3A_588 : i32 to vector<16xi32>
      %add3A_590 = arith.addi %shift_right_arithmetic3A_585, %add3A_589 : vector<16xi32>
      %select_n3A_591 = arith.select %le3A_587, %add3A_590, %broadcast_in_dim3A_579 : vector<16xi1>, vector<16xi32>
      %select_n3A_592 = arith.select %le3A_587, %broadcast_in_dim3A_581, %shift_right_arithmetic3A_585 : vector<16xi1>, vector<16xi32>
      %add3A_593 = arith.addi %select_n3A_591, %select_n3A_592 : vector<16xi32>
      %shift_right_arithmetic3A_594 = arith.constant 1 : i32
      %shift_right_arithmetic3A_595 = vector.broadcast %shift_right_arithmetic3A_594 : i32 to vector<16xi32>
      %shift_right_arithmetic3A_596 = arith.shrsi %add3A_593, %shift_right_arithmetic3A_595 : vector<16xi32>
      %gather3A_597 = tpu.vector_load_idx %arg7[%shift_right_arithmetic3A_596] : memref<520xi32, #tpu.memory_space<vmem>>[vector<16xi32>], vector<16xi32>,
      %le3A_598 = arith.cmpi sle, %gather3A_597, %add3A_577 : vector<16xi32>
      %add3A_599 = arith.constant 1 : i32
      %add3A_600 = vector.broadcast %add3A_599 : i32 to vector<16xi32>
      %add3A_601 = arith.addi %shift_right_arithmetic3A_596, %add3A_600 : vector<16xi32>
      %select_n3A_602 = arith.select %le3A_598, %add3A_601, %select_n3A_591 : vector<16xi1>, vector<16xi32>
      %select_n3A_603 = arith.select %le3A_598, %select_n3A_592, %shift_right_arithmetic3A_596 : vector<16xi1>, vector<16xi32>
      %add3A_604 = arith.addi %select_n3A_602, %select_n3A_603 : vector<16xi32>
      %shift_right_arithmetic3A_605 = arith.constant 1 : i32
      %shift_right_arithmetic3A_606 = vector.broadcast %shift_right_arithmetic3A_605 : i32 to vector<16xi32>
      %shift_right_arithmetic3A_607 = arith.shrsi %add3A_604, %shift_right_arithmetic3A_606 : vector<16xi32>
      %gather3A_608 = tpu.vector_load_idx %arg7[%shift_right_arithmetic3A_607] : memref<520xi32, #tpu.memory_space<vmem>>[vector<16xi32>], vector<16xi32>,
      %le3A_609 = arith.cmpi sle, %gather3A_608, %add3A_577 : vector<16xi32>
      %add3A_610 = arith.constant 1 : i32
      %add3A_611 = vector.broadcast %add3A_610 : i32 to vector<16xi32>
      %add3A_612 = arith.addi %shift_right_arithmetic3A_607, %add3A_611 : vector<16xi32>
      %select_n3A_613 = arith.select %le3A_609, %add3A_612, %select_n3A_602 : vector<16xi1>, vector<16xi32>
      %select_n3A_614 = arith.select %le3A_609, %select_n3A_603, %shift_right_arithmetic3A_607 : vector<16xi1>, vector<16xi32>
      %add3A_615 = arith.addi %select_n3A_613, %select_n3A_614 : vector<16xi32>
      %shift_right_arithmetic3A_616 = arith.constant 1 : i32
      %shift_right_arithmetic3A_617 = vector.broadcast %shift_right_arithmetic3A_616 : i32 to vector<16xi32>
      %shift_right_arithmetic3A_618 = arith.shrsi %add3A_615, %shift_right_arithmetic3A_617 : vector<16xi32>
      %gather3A_619 = tpu.vector_load_idx %arg7[%shift_right_arithmetic3A_618] : memref<520xi32, #tpu.memory_space<vmem>>[vector<16xi32>], vector<16xi32>,
      %le3A_620 = arith.cmpi sle, %gather3A_619, %add3A_577 : vector<16xi32>
      %add3A_621 = arith.constant 1 : i32
      %add3A_622 = vector.broadcast %add3A_621 : i32 to vector<16xi32>
      %add3A_623 = arith.addi %shift_right_arithmetic3A_618, %add3A_622 : vector<16xi32>
      %select_n3A_624 = arith.select %le3A_620, %add3A_623, %select_n3A_613 : vector<16xi1>, vector<16xi32>
      %select_n3A_625 = arith.select %le3A_620, %select_n3A_614, %shift_right_arithmetic3A_618 : vector<16xi1>, vector<16xi32>
      %add3A_626 = arith.addi %select_n3A_624, %select_n3A_625 : vector<16xi32>
      %shift_right_arithmetic3A_627 = arith.constant 1 : i32
      %shift_right_arithmetic3A_628 = vector.broadcast %shift_right_arithmetic3A_627 : i32 to vector<16xi32>
      %shift_right_arithmetic3A_629 = arith.shrsi %add3A_626, %shift_right_arithmetic3A_628 : vector<16xi32>
      %gather3A_630 = tpu.vector_load_idx %arg7[%shift_right_arithmetic3A_629] : memref<520xi32, #tpu.memory_space<vmem>>[vector<16xi32>], vector<16xi32>,
      %le3A_631 = arith.cmpi sle, %gather3A_630, %add3A_577 : vector<16xi32>
      %add3A_632 = arith.constant 1 : i32
      %add3A_633 = vector.broadcast %add3A_632 : i32 to vector<16xi32>
      %add3A_634 = arith.addi %shift_right_arithmetic3A_629, %add3A_633 : vector<16xi32>
      %select_n3A_635 = arith.select %le3A_631, %add3A_634, %select_n3A_624 : vector<16xi1>, vector<16xi32>
      %select_n3A_636 = arith.select %le3A_631, %select_n3A_625, %shift_right_arithmetic3A_629 : vector<16xi1>, vector<16xi32>
      %add3A_637 = arith.addi %select_n3A_635, %select_n3A_636 : vector<16xi32>
      %shift_right_arithmetic3A_638 = arith.constant 1 : i32
      %shift_right_arithmetic3A_639 = vector.broadcast %shift_right_arithmetic3A_638 : i32 to vector<16xi32>
      %shift_right_arithmetic3A_640 = arith.shrsi %add3A_637, %shift_right_arithmetic3A_639 : vector<16xi32>
      %gather3A_641 = tpu.vector_load_idx %arg7[%shift_right_arithmetic3A_640] : memref<520xi32, #tpu.memory_space<vmem>>[vector<16xi32>], vector<16xi32>,
      %le3A_642 = arith.cmpi sle, %gather3A_641, %add3A_577 : vector<16xi32>
      %add3A_643 = arith.constant 1 : i32
      %add3A_644 = vector.broadcast %add3A_643 : i32 to vector<16xi32>
      %add3A_645 = arith.addi %shift_right_arithmetic3A_640, %add3A_644 : vector<16xi32>
      %select_n3A_646 = arith.select %le3A_642, %add3A_645, %select_n3A_635 : vector<16xi1>, vector<16xi32>
      %select_n3A_647 = arith.select %le3A_642, %select_n3A_636, %shift_right_arithmetic3A_640 : vector<16xi1>, vector<16xi32>
      %add3A_648 = arith.addi %select_n3A_646, %select_n3A_647 : vector<16xi32>
      %shift_right_arithmetic3A_649 = arith.constant 1 : i32
      %shift_right_arithmetic3A_650 = vector.broadcast %shift_right_arithmetic3A_649 : i32 to vector<16xi32>
      %shift_right_arithmetic3A_651 = arith.shrsi %add3A_648, %shift_right_arithmetic3A_650 : vector<16xi32>
      %gather3A_652 = tpu.vector_load_idx %arg7[%shift_right_arithmetic3A_651] : memref<520xi32, #tpu.memory_space<vmem>>[vector<16xi32>], vector<16xi32>,
      %le3A_653 = arith.cmpi sle, %gather3A_652, %add3A_577 : vector<16xi32>
      %add3A_654 = arith.constant 1 : i32
      %add3A_655 = vector.broadcast %add3A_654 : i32 to vector<16xi32>
      %add3A_656 = arith.addi %shift_right_arithmetic3A_651, %add3A_655 : vector<16xi32>
      %select_n3A_657 = arith.select %le3A_653, %add3A_656, %select_n3A_646 : vector<16xi1>, vector<16xi32>
      %select_n3A_658 = arith.select %le3A_653, %select_n3A_647, %shift_right_arithmetic3A_651 : vector<16xi1>, vector<16xi32>
      %add3A_659 = arith.addi %select_n3A_657, %select_n3A_658 : vector<16xi32>
      %shift_right_arithmetic3A_660 = arith.constant 1 : i32
      %shift_right_arithmetic3A_661 = vector.broadcast %shift_right_arithmetic3A_660 : i32 to vector<16xi32>
      %shift_right_arithmetic3A_662 = arith.shrsi %add3A_659, %shift_right_arithmetic3A_661 : vector<16xi32>
      %gather3A_663 = tpu.vector_load_idx %arg7[%shift_right_arithmetic3A_662] : memref<520xi32, #tpu.memory_space<vmem>>[vector<16xi32>], vector<16xi32>,
      %le3A_664 = arith.cmpi sle, %gather3A_663, %add3A_577 : vector<16xi32>
      %add3A_665 = arith.constant 1 : i32
      %add3A_666 = vector.broadcast %add3A_665 : i32 to vector<16xi32>
      %add3A_667 = arith.addi %shift_right_arithmetic3A_662, %add3A_666 : vector<16xi32>
      %select_n3A_668 = arith.select %le3A_664, %add3A_667, %select_n3A_657 : vector<16xi1>, vector<16xi32>
      %select_n3A_669 = arith.select %le3A_664, %select_n3A_658, %shift_right_arithmetic3A_662 : vector<16xi1>, vector<16xi32>
      %add3A_670 = arith.addi %select_n3A_668, %select_n3A_669 : vector<16xi32>
      %shift_right_arithmetic3A_671 = arith.constant 1 : i32
      %shift_right_arithmetic3A_672 = vector.broadcast %shift_right_arithmetic3A_671 : i32 to vector<16xi32>
      %shift_right_arithmetic3A_673 = arith.shrsi %add3A_670, %shift_right_arithmetic3A_672 : vector<16xi32>
      %gather3A_674 = tpu.vector_load_idx %arg7[%shift_right_arithmetic3A_673] : memref<520xi32, #tpu.memory_space<vmem>>[vector<16xi32>], vector<16xi32>,
      %le3A_675 = arith.cmpi sle, %gather3A_674, %add3A_577 : vector<16xi32>
      %add3A_676 = arith.constant 1 : i32
      %add3A_677 = vector.broadcast %add3A_676 : i32 to vector<16xi32>
      %add3A_678 = arith.addi %shift_right_arithmetic3A_673, %add3A_677 : vector<16xi32>
      %select_n3A_679 = arith.select %le3A_675, %add3A_678, %select_n3A_668 : vector<16xi1>, vector<16xi32>
      %select_n3A_680 = arith.select %le3A_675, %select_n3A_669, %shift_right_arithmetic3A_673 : vector<16xi1>, vector<16xi32>
      %add3A_681 = arith.addi %select_n3A_679, %select_n3A_680 : vector<16xi32>
      %shift_right_arithmetic3A_682 = arith.constant 1 : i32
      %shift_right_arithmetic3A_683 = vector.broadcast %shift_right_arithmetic3A_682 : i32 to vector<16xi32>
      %shift_right_arithmetic3A_684 = arith.shrsi %add3A_681, %shift_right_arithmetic3A_683 : vector<16xi32>
      %gather3A_685 = tpu.vector_load_idx %arg7[%shift_right_arithmetic3A_684] : memref<520xi32, #tpu.memory_space<vmem>>[vector<16xi32>], vector<16xi32>,
      %le3A_686 = arith.cmpi sle, %gather3A_685, %add3A_577 : vector<16xi32>
      %add3A_687 = arith.constant 1 : i32
      %add3A_688 = vector.broadcast %add3A_687 : i32 to vector<16xi32>
      %add3A_689 = arith.addi %shift_right_arithmetic3A_684, %add3A_688 : vector<16xi32>
      %select_n3A_690 = arith.select %le3A_686, %add3A_689, %select_n3A_679 : vector<16xi1>, vector<16xi32>
      %select_n3A_691 = arith.select %le3A_686, %select_n3A_680, %shift_right_arithmetic3A_684 : vector<16xi1>, vector<16xi32>
      %ge3A_692 = vector.broadcast %squeeze3A : i32 to vector<16xi32>
      %ge3A_693 = arith.cmpi sge, %add3A_577, %ge3A_692 : vector<16xi32>
      %lt3A_694 = vector.broadcast %squeeze3A_9 : i32 to vector<16xi32>
      %lt3A_695 = arith.cmpi slt, %add3A_577, %lt3A_694 : vector<16xi32>
      %and3A_696 = arith.andi %ge3A_693, %lt3A_695 : vector<16xi1>
      %mul3A_697 = arith.constant 512 : i32
      %mul3A_698 = arith.muli %arg1, %mul3A_697 : i32
      %sub3A_699 = arith.constant 1 : i32
      %sub3A_700 = vector.broadcast %sub3A_699 : i32 to vector<16xi32>
      %sub3A_701 = arith.subi %select_n3A_690, %sub3A_700 : vector<16xi32>
      %add3A_702 = vector.broadcast %mul3A_698 : i32 to vector<16xi32>
      %add3A_703 = arith.addi %add3A_702, %sub3A_701 : vector<16xi32>
      %jit3A_704 = arith.constant 8192 : i32
      %broadcast_in_dim3A_705 = vector.broadcast %jit3A_704 : i32 to vector<16xi32>
      %select_n3A_706 = arith.select %and3A_696, %add3A_703, %broadcast_in_dim3A_705 : vector<16xi1>, vector<16xi32>
      %swap3A_707 = arith.constant 0 : i32
      %swap3A_708 = arith.index_cast %swap3A_707 : i32 to index
      %swap3A_709 = arith.constant 64 : index
      %swap3A_710 = tpu.vector_load %arg9[%swap3A_708, %swap3A_709] {strides = array<i32>} : memref<1x128xi32, #tpu.memory_space<vmem>>, vector<16xi32>,
      tpu.vector_store %arg9[%swap3A_708, %swap3A_709], %select_n3A_706 {strides = array<i32>} : memref<1x128xi32, #tpu.memory_space<vmem>>, vector<16xi32>,
      %add3A_711 = arith.constant 80 : i32
      %add3A_712 = arith.addi %mul3A_29, %add3A_711 : i32
      %add3A_713 = vector.broadcast %add3A_712 : i32 to vector<16xi32>
      %add3A_714 = arith.addi %add3A_713, %iota3A : vector<16xi32>
      %broadcast_in_dim3A_715 = arith.constant 0 : i32
      %broadcast_in_dim3A_716 = vector.broadcast %broadcast_in_dim3A_715 : i32 to vector<16xi32>
      %broadcast_in_dim3A_717 = arith.constant 513 : i32
      %broadcast_in_dim3A_718 = vector.broadcast %broadcast_in_dim3A_717 : i32 to vector<16xi32>
      %add3A_719 = arith.addi %broadcast_in_dim3A_716, %broadcast_in_dim3A_718 : vector<16xi32>
      %shift_right_arithmetic3A_720 = arith.constant 1 : i32
      %shift_right_arithmetic3A_721 = vector.broadcast %shift_right_arithmetic3A_720 : i32 to vector<16xi32>
      %shift_right_arithmetic3A_722 = arith.shrsi %add3A_719, %shift_right_arithmetic3A_721 : vector<16xi32>
      %gather3A_723 = tpu.vector_load_idx %arg7[%shift_right_arithmetic3A_722] : memref<520xi32, #tpu.memory_space<vmem>>[vector<16xi32>], vector<16xi32>,
      %le3A_724 = arith.cmpi sle, %gather3A_723, %add3A_714 : vector<16xi32>
      %add3A_725 = arith.constant 1 : i32
      %add3A_726 = vector.broadcast %add3A_725 : i32 to vector<16xi32>
      %add3A_727 = arith.addi %shift_right_arithmetic3A_722, %add3A_726 : vector<16xi32>
      %select_n3A_728 = arith.select %le3A_724, %add3A_727, %broadcast_in_dim3A_716 : vector<16xi1>, vector<16xi32>
      %select_n3A_729 = arith.select %le3A_724, %broadcast_in_dim3A_718, %shift_right_arithmetic3A_722 : vector<16xi1>, vector<16xi32>
      %add3A_730 = arith.addi %select_n3A_728, %select_n3A_729 : vector<16xi32>
      %shift_right_arithmetic3A_731 = arith.constant 1 : i32
      %shift_right_arithmetic3A_732 = vector.broadcast %shift_right_arithmetic3A_731 : i32 to vector<16xi32>
      %shift_right_arithmetic3A_733 = arith.shrsi %add3A_730, %shift_right_arithmetic3A_732 : vector<16xi32>
      %gather3A_734 = tpu.vector_load_idx %arg7[%shift_right_arithmetic3A_733] : memref<520xi32, #tpu.memory_space<vmem>>[vector<16xi32>], vector<16xi32>,
      %le3A_735 = arith.cmpi sle, %gather3A_734, %add3A_714 : vector<16xi32>
      %add3A_736 = arith.constant 1 : i32
      %add3A_737 = vector.broadcast %add3A_736 : i32 to vector<16xi32>
      %add3A_738 = arith.addi %shift_right_arithmetic3A_733, %add3A_737 : vector<16xi32>
      %select_n3A_739 = arith.select %le3A_735, %add3A_738, %select_n3A_728 : vector<16xi1>, vector<16xi32>
      %select_n3A_740 = arith.select %le3A_735, %select_n3A_729, %shift_right_arithmetic3A_733 : vector<16xi1>, vector<16xi32>
      %add3A_741 = arith.addi %select_n3A_739, %select_n3A_740 : vector<16xi32>
      %shift_right_arithmetic3A_742 = arith.constant 1 : i32
      %shift_right_arithmetic3A_743 = vector.broadcast %shift_right_arithmetic3A_742 : i32 to vector<16xi32>
      %shift_right_arithmetic3A_744 = arith.shrsi %add3A_741, %shift_right_arithmetic3A_743 : vector<16xi32>
      %gather3A_745 = tpu.vector_load_idx %arg7[%shift_right_arithmetic3A_744] : memref<520xi32, #tpu.memory_space<vmem>>[vector<16xi32>], vector<16xi32>,
      %le3A_746 = arith.cmpi sle, %gather3A_745, %add3A_714 : vector<16xi32>
      %add3A_747 = arith.constant 1 : i32
      %add3A_748 = vector.broadcast %add3A_747 : i32 to vector<16xi32>
      %add3A_749 = arith.addi %shift_right_arithmetic3A_744, %add3A_748 : vector<16xi32>
      %select_n3A_750 = arith.select %le3A_746, %add3A_749, %select_n3A_739 : vector<16xi1>, vector<16xi32>
      %select_n3A_751 = arith.select %le3A_746, %select_n3A_740, %shift_right_arithmetic3A_744 : vector<16xi1>, vector<16xi32>
      %add3A_752 = arith.addi %select_n3A_750, %select_n3A_751 : vector<16xi32>
      %shift_right_arithmetic3A_753 = arith.constant 1 : i32
      %shift_right_arithmetic3A_754 = vector.broadcast %shift_right_arithmetic3A_753 : i32 to vector<16xi32>
      %shift_right_arithmetic3A_755 = arith.shrsi %add3A_752, %shift_right_arithmetic3A_754 : vector<16xi32>
      %gather3A_756 = tpu.vector_load_idx %arg7[%shift_right_arithmetic3A_755] : memref<520xi32, #tpu.memory_space<vmem>>[vector<16xi32>], vector<16xi32>,
      %le3A_757 = arith.cmpi sle, %gather3A_756, %add3A_714 : vector<16xi32>
      %add3A_758 = arith.constant 1 : i32
      %add3A_759 = vector.broadcast %add3A_758 : i32 to vector<16xi32>
      %add3A_760 = arith.addi %shift_right_arithmetic3A_755, %add3A_759 : vector<16xi32>
      %select_n3A_761 = arith.select %le3A_757, %add3A_760, %select_n3A_750 : vector<16xi1>, vector<16xi32>
      %select_n3A_762 = arith.select %le3A_757, %select_n3A_751, %shift_right_arithmetic3A_755 : vector<16xi1>, vector<16xi32>
      %add3A_763 = arith.addi %select_n3A_761, %select_n3A_762 : vector<16xi32>
      %shift_right_arithmetic3A_764 = arith.constant 1 : i32
      %shift_right_arithmetic3A_765 = vector.broadcast %shift_right_arithmetic3A_764 : i32 to vector<16xi32>
      %shift_right_arithmetic3A_766 = arith.shrsi %add3A_763, %shift_right_arithmetic3A_765 : vector<16xi32>
      %gather3A_767 = tpu.vector_load_idx %arg7[%shift_right_arithmetic3A_766] : memref<520xi32, #tpu.memory_space<vmem>>[vector<16xi32>], vector<16xi32>,
      %le3A_768 = arith.cmpi sle, %gather3A_767, %add3A_714 : vector<16xi32>
      %add3A_769 = arith.constant 1 : i32
      %add3A_770 = vector.broadcast %add3A_769 : i32 to vector<16xi32>
      %add3A_771 = arith.addi %shift_right_arithmetic3A_766, %add3A_770 : vector<16xi32>
      %select_n3A_772 = arith.select %le3A_768, %add3A_771, %select_n3A_761 : vector<16xi1>, vector<16xi32>
      %select_n3A_773 = arith.select %le3A_768, %select_n3A_762, %shift_right_arithmetic3A_766 : vector<16xi1>, vector<16xi32>
      %add3A_774 = arith.addi %select_n3A_772, %select_n3A_773 : vector<16xi32>
      %shift_right_arithmetic3A_775 = arith.constant 1 : i32
      %shift_right_arithmetic3A_776 = vector.broadcast %shift_right_arithmetic3A_775 : i32 to vector<16xi32>
      %shift_right_arithmetic3A_777 = arith.shrsi %add3A_774, %shift_right_arithmetic3A_776 : vector<16xi32>
      %gather3A_778 = tpu.vector_load_idx %arg7[%shift_right_arithmetic3A_777] : memref<520xi32, #tpu.memory_space<vmem>>[vector<16xi32>], vector<16xi32>,
      %le3A_779 = arith.cmpi sle, %gather3A_778, %add3A_714 : vector<16xi32>
      %add3A_780 = arith.constant 1 : i32
      %add3A_781 = vector.broadcast %add3A_780 : i32 to vector<16xi32>
      %add3A_782 = arith.addi %shift_right_arithmetic3A_777, %add3A_781 : vector<16xi32>
      %select_n3A_783 = arith.select %le3A_779, %add3A_782, %select_n3A_772 : vector<16xi1>, vector<16xi32>
      %select_n3A_784 = arith.select %le3A_779, %select_n3A_773, %shift_right_arithmetic3A_777 : vector<16xi1>, vector<16xi32>
      %add3A_785 = arith.addi %select_n3A_783, %select_n3A_784 : vector<16xi32>
      %shift_right_arithmetic3A_786 = arith.constant 1 : i32
      %shift_right_arithmetic3A_787 = vector.broadcast %shift_right_arithmetic3A_786 : i32 to vector<16xi32>
      %shift_right_arithmetic3A_788 = arith.shrsi %add3A_785, %shift_right_arithmetic3A_787 : vector<16xi32>
      %gather3A_789 = tpu.vector_load_idx %arg7[%shift_right_arithmetic3A_788] : memref<520xi32, #tpu.memory_space<vmem>>[vector<16xi32>], vector<16xi32>,
      %le3A_790 = arith.cmpi sle, %gather3A_789, %add3A_714 : vector<16xi32>
      %add3A_791 = arith.constant 1 : i32
      %add3A_792 = vector.broadcast %add3A_791 : i32 to vector<16xi32>
      %add3A_793 = arith.addi %shift_right_arithmetic3A_788, %add3A_792 : vector<16xi32>
      %select_n3A_794 = arith.select %le3A_790, %add3A_793, %select_n3A_783 : vector<16xi1>, vector<16xi32>
      %select_n3A_795 = arith.select %le3A_790, %select_n3A_784, %shift_right_arithmetic3A_788 : vector<16xi1>, vector<16xi32>
      %add3A_796 = arith.addi %select_n3A_794, %select_n3A_795 : vector<16xi32>
      %shift_right_arithmetic3A_797 = arith.constant 1 : i32
      %shift_right_arithmetic3A_798 = vector.broadcast %shift_right_arithmetic3A_797 : i32 to vector<16xi32>
      %shift_right_arithmetic3A_799 = arith.shrsi %add3A_796, %shift_right_arithmetic3A_798 : vector<16xi32>
      %gather3A_800 = tpu.vector_load_idx %arg7[%shift_right_arithmetic3A_799] : memref<520xi32, #tpu.memory_space<vmem>>[vector<16xi32>], vector<16xi32>,
      %le3A_801 = arith.cmpi sle, %gather3A_800, %add3A_714 : vector<16xi32>
      %add3A_802 = arith.constant 1 : i32
      %add3A_803 = vector.broadcast %add3A_802 : i32 to vector<16xi32>
      %add3A_804 = arith.addi %shift_right_arithmetic3A_799, %add3A_803 : vector<16xi32>
      %select_n3A_805 = arith.select %le3A_801, %add3A_804, %select_n3A_794 : vector<16xi1>, vector<16xi32>
      %select_n3A_806 = arith.select %le3A_801, %select_n3A_795, %shift_right_arithmetic3A_799 : vector<16xi1>, vector<16xi32>
      %add3A_807 = arith.addi %select_n3A_805, %select_n3A_806 : vector<16xi32>
      %shift_right_arithmetic3A_808 = arith.constant 1 : i32
      %shift_right_arithmetic3A_809 = vector.broadcast %shift_right_arithmetic3A_808 : i32 to vector<16xi32>
      %shift_right_arithmetic3A_810 = arith.shrsi %add3A_807, %shift_right_arithmetic3A_809 : vector<16xi32>
      %gather3A_811 = tpu.vector_load_idx %arg7[%shift_right_arithmetic3A_810] : memref<520xi32, #tpu.memory_space<vmem>>[vector<16xi32>], vector<16xi32>,
      %le3A_812 = arith.cmpi sle, %gather3A_811, %add3A_714 : vector<16xi32>
      %add3A_813 = arith.constant 1 : i32
      %add3A_814 = vector.broadcast %add3A_813 : i32 to vector<16xi32>
      %add3A_815 = arith.addi %shift_right_arithmetic3A_810, %add3A_814 : vector<16xi32>
      %select_n3A_816 = arith.select %le3A_812, %add3A_815, %select_n3A_805 : vector<16xi1>, vector<16xi32>
      %select_n3A_817 = arith.select %le3A_812, %select_n3A_806, %shift_right_arithmetic3A_810 : vector<16xi1>, vector<16xi32>
      %add3A_818 = arith.addi %select_n3A_816, %select_n3A_817 : vector<16xi32>
      %shift_right_arithmetic3A_819 = arith.constant 1 : i32
      %shift_right_arithmetic3A_820 = vector.broadcast %shift_right_arithmetic3A_819 : i32 to vector<16xi32>
      %shift_right_arithmetic3A_821 = arith.shrsi %add3A_818, %shift_right_arithmetic3A_820 : vector<16xi32>
      %gather3A_822 = tpu.vector_load_idx %arg7[%shift_right_arithmetic3A_821] : memref<520xi32, #tpu.memory_space<vmem>>[vector<16xi32>], vector<16xi32>,
      %le3A_823 = arith.cmpi sle, %gather3A_822, %add3A_714 : vector<16xi32>
      %add3A_824 = arith.constant 1 : i32
      %add3A_825 = vector.broadcast %add3A_824 : i32 to vector<16xi32>
      %add3A_826 = arith.addi %shift_right_arithmetic3A_821, %add3A_825 : vector<16xi32>
      %select_n3A_827 = arith.select %le3A_823, %add3A_826, %select_n3A_816 : vector<16xi1>, vector<16xi32>
      %select_n3A_828 = arith.select %le3A_823, %select_n3A_817, %shift_right_arithmetic3A_821 : vector<16xi1>, vector<16xi32>
      %ge3A_829 = vector.broadcast %squeeze3A : i32 to vector<16xi32>
      %ge3A_830 = arith.cmpi sge, %add3A_714, %ge3A_829 : vector<16xi32>
      %lt3A_831 = vector.broadcast %squeeze3A_9 : i32 to vector<16xi32>
      %lt3A_832 = arith.cmpi slt, %add3A_714, %lt3A_831 : vector<16xi32>
      %and3A_833 = arith.andi %ge3A_830, %lt3A_832 : vector<16xi1>
      %mul3A_834 = arith.constant 512 : i32
      %mul3A_835 = arith.muli %arg1, %mul3A_834 : i32
      %sub3A_836 = arith.constant 1 : i32
      %sub3A_837 = vector.broadcast %sub3A_836 : i32 to vector<16xi32>
      %sub3A_838 = arith.subi %select_n3A_827, %sub3A_837 : vector<16xi32>
      %add3A_839 = vector.broadcast %mul3A_835 : i32 to vector<16xi32>
      %add3A_840 = arith.addi %add3A_839, %sub3A_838 : vector<16xi32>
      %jit3A_841 = arith.constant 8192 : i32
      %broadcast_in_dim3A_842 = vector.broadcast %jit3A_841 : i32 to vector<16xi32>
      %select_n3A_843 = arith.select %and3A_833, %add3A_840, %broadcast_in_dim3A_842 : vector<16xi1>, vector<16xi32>
      %swap3A_844 = arith.constant 0 : i32
      %swap3A_845 = arith.index_cast %swap3A_844 : i32 to index
      %swap3A_846 = arith.constant 80 : index
      %swap3A_847 = tpu.vector_load %arg9[%swap3A_845, %swap3A_846] {strides = array<i32>} : memref<1x128xi32, #tpu.memory_space<vmem>>, vector<16xi32>,
      tpu.vector_store %arg9[%swap3A_845, %swap3A_846], %select_n3A_843 {strides = array<i32>} : memref<1x128xi32, #tpu.memory_space<vmem>>, vector<16xi32>,
      %add3A_848 = arith.constant 96 : i32
      %add3A_849 = arith.addi %mul3A_29, %add3A_848 : i32
      %add3A_850 = vector.broadcast %add3A_849 : i32 to vector<16xi32>
      %add3A_851 = arith.addi %add3A_850, %iota3A : vector<16xi32>
      %broadcast_in_dim3A_852 = arith.constant 0 : i32
      %broadcast_in_dim3A_853 = vector.broadcast %broadcast_in_dim3A_852 : i32 to vector<16xi32>
      %broadcast_in_dim3A_854 = arith.constant 513 : i32
      %broadcast_in_dim3A_855 = vector.broadcast %broadcast_in_dim3A_854 : i32 to vector<16xi32>
      %add3A_856 = arith.addi %broadcast_in_dim3A_853, %broadcast_in_dim3A_855 : vector<16xi32>
      %shift_right_arithmetic3A_857 = arith.constant 1 : i32
      %shift_right_arithmetic3A_858 = vector.broadcast %shift_right_arithmetic3A_857 : i32 to vector<16xi32>
      %shift_right_arithmetic3A_859 = arith.shrsi %add3A_856, %shift_right_arithmetic3A_858 : vector<16xi32>
      %gather3A_860 = tpu.vector_load_idx %arg7[%shift_right_arithmetic3A_859] : memref<520xi32, #tpu.memory_space<vmem>>[vector<16xi32>], vector<16xi32>,
      %le3A_861 = arith.cmpi sle, %gather3A_860, %add3A_851 : vector<16xi32>
      %add3A_862 = arith.constant 1 : i32
      %add3A_863 = vector.broadcast %add3A_862 : i32 to vector<16xi32>
      %add3A_864 = arith.addi %shift_right_arithmetic3A_859, %add3A_863 : vector<16xi32>
      %select_n3A_865 = arith.select %le3A_861, %add3A_864, %broadcast_in_dim3A_853 : vector<16xi1>, vector<16xi32>
      %select_n3A_866 = arith.select %le3A_861, %broadcast_in_dim3A_855, %shift_right_arithmetic3A_859 : vector<16xi1>, vector<16xi32>
      %add3A_867 = arith.addi %select_n3A_865, %select_n3A_866 : vector<16xi32>
      %shift_right_arithmetic3A_868 = arith.constant 1 : i32
      %shift_right_arithmetic3A_869 = vector.broadcast %shift_right_arithmetic3A_868 : i32 to vector<16xi32>
      %shift_right_arithmetic3A_870 = arith.shrsi %add3A_867, %shift_right_arithmetic3A_869 : vector<16xi32>
      %gather3A_871 = tpu.vector_load_idx %arg7[%shift_right_arithmetic3A_870] : memref<520xi32, #tpu.memory_space<vmem>>[vector<16xi32>], vector<16xi32>,
      %le3A_872 = arith.cmpi sle, %gather3A_871, %add3A_851 : vector<16xi32>
      %add3A_873 = arith.constant 1 : i32
      %add3A_874 = vector.broadcast %add3A_873 : i32 to vector<16xi32>
      %add3A_875 = arith.addi %shift_right_arithmetic3A_870, %add3A_874 : vector<16xi32>
      %select_n3A_876 = arith.select %le3A_872, %add3A_875, %select_n3A_865 : vector<16xi1>, vector<16xi32>
      %select_n3A_877 = arith.select %le3A_872, %select_n3A_866, %shift_right_arithmetic3A_870 : vector<16xi1>, vector<16xi32>
      %add3A_878 = arith.addi %select_n3A_876, %select_n3A_877 : vector<16xi32>
      %shift_right_arithmetic3A_879 = arith.constant 1 : i32
      %shift_right_arithmetic3A_880 = vector.broadcast %shift_right_arithmetic3A_879 : i32 to vector<16xi32>
      %shift_right_arithmetic3A_881 = arith.shrsi %add3A_878, %shift_right_arithmetic3A_880 : vector<16xi32>
      %gather3A_882 = tpu.vector_load_idx %arg7[%shift_right_arithmetic3A_881] : memref<520xi32, #tpu.memory_space<vmem>>[vector<16xi32>], vector<16xi32>,
      %le3A_883 = arith.cmpi sle, %gather3A_882, %add3A_851 : vector<16xi32>
      %add3A_884 = arith.constant 1 : i32
      %add3A_885 = vector.broadcast %add3A_884 : i32 to vector<16xi32>
      %add3A_886 = arith.addi %shift_right_arithmetic3A_881, %add3A_885 : vector<16xi32>
      %select_n3A_887 = arith.select %le3A_883, %add3A_886, %select_n3A_876 : vector<16xi1>, vector<16xi32>
      %select_n3A_888 = arith.select %le3A_883, %select_n3A_877, %shift_right_arithmetic3A_881 : vector<16xi1>, vector<16xi32>
      %add3A_889 = arith.addi %select_n3A_887, %select_n3A_888 : vector<16xi32>
      %shift_right_arithmetic3A_890 = arith.constant 1 : i32
      %shift_right_arithmetic3A_891 = vector.broadcast %shift_right_arithmetic3A_890 : i32 to vector<16xi32>
      %shift_right_arithmetic3A_892 = arith.shrsi %add3A_889, %shift_right_arithmetic3A_891 : vector<16xi32>
      %gather3A_893 = tpu.vector_load_idx %arg7[%shift_right_arithmetic3A_892] : memref<520xi32, #tpu.memory_space<vmem>>[vector<16xi32>], vector<16xi32>,
      %le3A_894 = arith.cmpi sle, %gather3A_893, %add3A_851 : vector<16xi32>
      %add3A_895 = arith.constant 1 : i32
      %add3A_896 = vector.broadcast %add3A_895 : i32 to vector<16xi32>
      %add3A_897 = arith.addi %shift_right_arithmetic3A_892, %add3A_896 : vector<16xi32>
      %select_n3A_898 = arith.select %le3A_894, %add3A_897, %select_n3A_887 : vector<16xi1>, vector<16xi32>
      %select_n3A_899 = arith.select %le3A_894, %select_n3A_888, %shift_right_arithmetic3A_892 : vector<16xi1>, vector<16xi32>
      %add3A_900 = arith.addi %select_n3A_898, %select_n3A_899 : vector<16xi32>
      %shift_right_arithmetic3A_901 = arith.constant 1 : i32
      %shift_right_arithmetic3A_902 = vector.broadcast %shift_right_arithmetic3A_901 : i32 to vector<16xi32>
      %shift_right_arithmetic3A_903 = arith.shrsi %add3A_900, %shift_right_arithmetic3A_902 : vector<16xi32>
      %gather3A_904 = tpu.vector_load_idx %arg7[%shift_right_arithmetic3A_903] : memref<520xi32, #tpu.memory_space<vmem>>[vector<16xi32>], vector<16xi32>,
      %le3A_905 = arith.cmpi sle, %gather3A_904, %add3A_851 : vector<16xi32>
      %add3A_906 = arith.constant 1 : i32
      %add3A_907 = vector.broadcast %add3A_906 : i32 to vector<16xi32>
      %add3A_908 = arith.addi %shift_right_arithmetic3A_903, %add3A_907 : vector<16xi32>
      %select_n3A_909 = arith.select %le3A_905, %add3A_908, %select_n3A_898 : vector<16xi1>, vector<16xi32>
      %select_n3A_910 = arith.select %le3A_905, %select_n3A_899, %shift_right_arithmetic3A_903 : vector<16xi1>, vector<16xi32>
      %add3A_911 = arith.addi %select_n3A_909, %select_n3A_910 : vector<16xi32>
      %shift_right_arithmetic3A_912 = arith.constant 1 : i32
      %shift_right_arithmetic3A_913 = vector.broadcast %shift_right_arithmetic3A_912 : i32 to vector<16xi32>
      %shift_right_arithmetic3A_914 = arith.shrsi %add3A_911, %shift_right_arithmetic3A_913 : vector<16xi32>
      %gather3A_915 = tpu.vector_load_idx %arg7[%shift_right_arithmetic3A_914] : memref<520xi32, #tpu.memory_space<vmem>>[vector<16xi32>], vector<16xi32>,
      %le3A_916 = arith.cmpi sle, %gather3A_915, %add3A_851 : vector<16xi32>
      %add3A_917 = arith.constant 1 : i32
      %add3A_918 = vector.broadcast %add3A_917 : i32 to vector<16xi32>
      %add3A_919 = arith.addi %shift_right_arithmetic3A_914, %add3A_918 : vector<16xi32>
      %select_n3A_920 = arith.select %le3A_916, %add3A_919, %select_n3A_909 : vector<16xi1>, vector<16xi32>
      %select_n3A_921 = arith.select %le3A_916, %select_n3A_910, %shift_right_arithmetic3A_914 : vector<16xi1>, vector<16xi32>
      %add3A_922 = arith.addi %select_n3A_920, %select_n3A_921 : vector<16xi32>
      %shift_right_arithmetic3A_923 = arith.constant 1 : i32
      %shift_right_arithmetic3A_924 = vector.broadcast %shift_right_arithmetic3A_923 : i32 to vector<16xi32>
      %shift_right_arithmetic3A_925 = arith.shrsi %add3A_922, %shift_right_arithmetic3A_924 : vector<16xi32>
      %gather3A_926 = tpu.vector_load_idx %arg7[%shift_right_arithmetic3A_925] : memref<520xi32, #tpu.memory_space<vmem>>[vector<16xi32>], vector<16xi32>,
      %le3A_927 = arith.cmpi sle, %gather3A_926, %add3A_851 : vector<16xi32>
      %add3A_928 = arith.constant 1 : i32
      %add3A_929 = vector.broadcast %add3A_928 : i32 to vector<16xi32>
      %add3A_930 = arith.addi %shift_right_arithmetic3A_925, %add3A_929 : vector<16xi32>
      %select_n3A_931 = arith.select %le3A_927, %add3A_930, %select_n3A_920 : vector<16xi1>, vector<16xi32>
      %select_n3A_932 = arith.select %le3A_927, %select_n3A_921, %shift_right_arithmetic3A_925 : vector<16xi1>, vector<16xi32>
      %add3A_933 = arith.addi %select_n3A_931, %select_n3A_932 : vector<16xi32>
      %shift_right_arithmetic3A_934 = arith.constant 1 : i32
      %shift_right_arithmetic3A_935 = vector.broadcast %shift_right_arithmetic3A_934 : i32 to vector<16xi32>
      %shift_right_arithmetic3A_936 = arith.shrsi %add3A_933, %shift_right_arithmetic3A_935 : vector<16xi32>
      %gather3A_937 = tpu.vector_load_idx %arg7[%shift_right_arithmetic3A_936] : memref<520xi32, #tpu.memory_space<vmem>>[vector<16xi32>], vector<16xi32>,
      %le3A_938 = arith.cmpi sle, %gather3A_937, %add3A_851 : vector<16xi32>
      %add3A_939 = arith.constant 1 : i32
      %add3A_940 = vector.broadcast %add3A_939 : i32 to vector<16xi32>
      %add3A_941 = arith.addi %shift_right_arithmetic3A_936, %add3A_940 : vector<16xi32>
      %select_n3A_942 = arith.select %le3A_938, %add3A_941, %select_n3A_931 : vector<16xi1>, vector<16xi32>
      %select_n3A_943 = arith.select %le3A_938, %select_n3A_932, %shift_right_arithmetic3A_936 : vector<16xi1>, vector<16xi32>
      %add3A_944 = arith.addi %select_n3A_942, %select_n3A_943 : vector<16xi32>
      %shift_right_arithmetic3A_945 = arith.constant 1 : i32
      %shift_right_arithmetic3A_946 = vector.broadcast %shift_right_arithmetic3A_945 : i32 to vector<16xi32>
      %shift_right_arithmetic3A_947 = arith.shrsi %add3A_944, %shift_right_arithmetic3A_946 : vector<16xi32>
      %gather3A_948 = tpu.vector_load_idx %arg7[%shift_right_arithmetic3A_947] : memref<520xi32, #tpu.memory_space<vmem>>[vector<16xi32>], vector<16xi32>,
      %le3A_949 = arith.cmpi sle, %gather3A_948, %add3A_851 : vector<16xi32>
      %add3A_950 = arith.constant 1 : i32
      %add3A_951 = vector.broadcast %add3A_950 : i32 to vector<16xi32>
      %add3A_952 = arith.addi %shift_right_arithmetic3A_947, %add3A_951 : vector<16xi32>
      %select_n3A_953 = arith.select %le3A_949, %add3A_952, %select_n3A_942 : vector<16xi1>, vector<16xi32>
      %select_n3A_954 = arith.select %le3A_949, %select_n3A_943, %shift_right_arithmetic3A_947 : vector<16xi1>, vector<16xi32>
      %add3A_955 = arith.addi %select_n3A_953, %select_n3A_954 : vector<16xi32>
      %shift_right_arithmetic3A_956 = arith.constant 1 : i32
      %shift_right_arithmetic3A_957 = vector.broadcast %shift_right_arithmetic3A_956 : i32 to vector<16xi32>
      %shift_right_arithmetic3A_958 = arith.shrsi %add3A_955, %shift_right_arithmetic3A_957 : vector<16xi32>
      %gather3A_959 = tpu.vector_load_idx %arg7[%shift_right_arithmetic3A_958] : memref<520xi32, #tpu.memory_space<vmem>>[vector<16xi32>], vector<16xi32>,
      %le3A_960 = arith.cmpi sle, %gather3A_959, %add3A_851 : vector<16xi32>
      %add3A_961 = arith.constant 1 : i32
      %add3A_962 = vector.broadcast %add3A_961 : i32 to vector<16xi32>
      %add3A_963 = arith.addi %shift_right_arithmetic3A_958, %add3A_962 : vector<16xi32>
      %select_n3A_964 = arith.select %le3A_960, %add3A_963, %select_n3A_953 : vector<16xi1>, vector<16xi32>
      %select_n3A_965 = arith.select %le3A_960, %select_n3A_954, %shift_right_arithmetic3A_958 : vector<16xi1>, vector<16xi32>
      %ge3A_966 = vector.broadcast %squeeze3A : i32 to vector<16xi32>
      %ge3A_967 = arith.cmpi sge, %add3A_851, %ge3A_966 : vector<16xi32>
      %lt3A_968 = vector.broadcast %squeeze3A_9 : i32 to vector<16xi32>
      %lt3A_969 = arith.cmpi slt, %add3A_851, %lt3A_968 : vector<16xi32>
      %and3A_970 = arith.andi %ge3A_967, %lt3A_969 : vector<16xi1>
      %mul3A_971 = arith.constant 512 : i32
      %mul3A_972 = arith.muli %arg1, %mul3A_971 : i32
      %sub3A_973 = arith.constant 1 : i32
      %sub3A_974 = vector.broadcast %sub3A_973 : i32 to vector<16xi32>
      %sub3A_975 = arith.subi %select_n3A_964, %sub3A_974 : vector<16xi32>
      %add3A_976 = vector.broadcast %mul3A_972 : i32 to vector<16xi32>
      %add3A_977 = arith.addi %add3A_976, %sub3A_975 : vector<16xi32>
      %jit3A_978 = arith.constant 8192 : i32
      %broadcast_in_dim3A_979 = vector.broadcast %jit3A_978 : i32 to vector<16xi32>
      %select_n3A_980 = arith.select %and3A_970, %add3A_977, %broadcast_in_dim3A_979 : vector<16xi1>, vector<16xi32>
      %swap3A_981 = arith.constant 0 : i32
      %swap3A_982 = arith.index_cast %swap3A_981 : i32 to index
      %swap3A_983 = arith.constant 96 : index
      %swap3A_984 = tpu.vector_load %arg9[%swap3A_982, %swap3A_983] {strides = array<i32>} : memref<1x128xi32, #tpu.memory_space<vmem>>, vector<16xi32>,
      tpu.vector_store %arg9[%swap3A_982, %swap3A_983], %select_n3A_980 {strides = array<i32>} : memref<1x128xi32, #tpu.memory_space<vmem>>, vector<16xi32>,
      %add3A_985 = arith.constant 112 : i32
      %add3A_986 = arith.addi %mul3A_29, %add3A_985 : i32
      %add3A_987 = vector.broadcast %add3A_986 : i32 to vector<16xi32>
      %add3A_988 = arith.addi %add3A_987, %iota3A : vector<16xi32>
      %broadcast_in_dim3A_989 = arith.constant 0 : i32
      %broadcast_in_dim3A_990 = vector.broadcast %broadcast_in_dim3A_989 : i32 to vector<16xi32>
      %broadcast_in_dim3A_991 = arith.constant 513 : i32
      %broadcast_in_dim3A_992 = vector.broadcast %broadcast_in_dim3A_991 : i32 to vector<16xi32>
      %add3A_993 = arith.addi %broadcast_in_dim3A_990, %broadcast_in_dim3A_992 : vector<16xi32>
      %shift_right_arithmetic3A_994 = arith.constant 1 : i32
      %shift_right_arithmetic3A_995 = vector.broadcast %shift_right_arithmetic3A_994 : i32 to vector<16xi32>
      %shift_right_arithmetic3A_996 = arith.shrsi %add3A_993, %shift_right_arithmetic3A_995 : vector<16xi32>
      %gather3A_997 = tpu.vector_load_idx %arg7[%shift_right_arithmetic3A_996] : memref<520xi32, #tpu.memory_space<vmem>>[vector<16xi32>], vector<16xi32>,
      %le3A_998 = arith.cmpi sle, %gather3A_997, %add3A_988 : vector<16xi32>
      %add3A_999 = arith.constant 1 : i32
      %add3A_1000 = vector.broadcast %add3A_999 : i32 to vector<16xi32>
      %add3A_1001 = arith.addi %shift_right_arithmetic3A_996, %add3A_1000 : vector<16xi32>
      %select_n3A_1002 = arith.select %le3A_998, %add3A_1001, %broadcast_in_dim3A_990 : vector<16xi1>, vector<16xi32>
      %select_n3A_1003 = arith.select %le3A_998, %broadcast_in_dim3A_992, %shift_right_arithmetic3A_996 : vector<16xi1>, vector<16xi32>
      %add3A_1004 = arith.addi %select_n3A_1002, %select_n3A_1003 : vector<16xi32>
      %shift_right_arithmetic3A_1005 = arith.constant 1 : i32
      %shift_right_arithmetic3A_1006 = vector.broadcast %shift_right_arithmetic3A_1005 : i32 to vector<16xi32>
      %shift_right_arithmetic3A_1007 = arith.shrsi %add3A_1004, %shift_right_arithmetic3A_1006 : vector<16xi32>
      %gather3A_1008 = tpu.vector_load_idx %arg7[%shift_right_arithmetic3A_1007] : memref<520xi32, #tpu.memory_space<vmem>>[vector<16xi32>], vector<16xi32>,
      %le3A_1009 = arith.cmpi sle, %gather3A_1008, %add3A_988 : vector<16xi32>
      %add3A_1010 = arith.constant 1 : i32
      %add3A_1011 = vector.broadcast %add3A_1010 : i32 to vector<16xi32>
      %add3A_1012 = arith.addi %shift_right_arithmetic3A_1007, %add3A_1011 : vector<16xi32>
      %select_n3A_1013 = arith.select %le3A_1009, %add3A_1012, %select_n3A_1002 : vector<16xi1>, vector<16xi32>
      %select_n3A_1014 = arith.select %le3A_1009, %select_n3A_1003, %shift_right_arithmetic3A_1007 : vector<16xi1>, vector<16xi32>
      %add3A_1015 = arith.addi %select_n3A_1013, %select_n3A_1014 : vector<16xi32>
      %shift_right_arithmetic3A_1016 = arith.constant 1 : i32
      %shift_right_arithmetic3A_1017 = vector.broadcast %shift_right_arithmetic3A_1016 : i32 to vector<16xi32>
      %shift_right_arithmetic3A_1018 = arith.shrsi %add3A_1015, %shift_right_arithmetic3A_1017 : vector<16xi32>
      %gather3A_1019 = tpu.vector_load_idx %arg7[%shift_right_arithmetic3A_1018] : memref<520xi32, #tpu.memory_space<vmem>>[vector<16xi32>], vector<16xi32>,
      %le3A_1020 = arith.cmpi sle, %gather3A_1019, %add3A_988 : vector<16xi32>
      %add3A_1021 = arith.constant 1 : i32
      %add3A_1022 = vector.broadcast %add3A_1021 : i32 to vector<16xi32>
      %add3A_1023 = arith.addi %shift_right_arithmetic3A_1018, %add3A_1022 : vector<16xi32>
      %select_n3A_1024 = arith.select %le3A_1020, %add3A_1023, %select_n3A_1013 : vector<16xi1>, vector<16xi32>
      %select_n3A_1025 = arith.select %le3A_1020, %select_n3A_1014, %shift_right_arithmetic3A_1018 : vector<16xi1>, vector<16xi32>
      %add3A_1026 = arith.addi %select_n3A_1024, %select_n3A_1025 : vector<16xi32>
      %shift_right_arithmetic3A_1027 = arith.constant 1 : i32
      %shift_right_arithmetic3A_1028 = vector.broadcast %shift_right_arithmetic3A_1027 : i32 to vector<16xi32>
      %shift_right_arithmetic3A_1029 = arith.shrsi %add3A_1026, %shift_right_arithmetic3A_1028 : vector<16xi32>
      %gather3A_1030 = tpu.vector_load_idx %arg7[%shift_right_arithmetic3A_1029] : memref<520xi32, #tpu.memory_space<vmem>>[vector<16xi32>], vector<16xi32>,
      %le3A_1031 = arith.cmpi sle, %gather3A_1030, %add3A_988 : vector<16xi32>
      %add3A_1032 = arith.constant 1 : i32
      %add3A_1033 = vector.broadcast %add3A_1032 : i32 to vector<16xi32>
      %add3A_1034 = arith.addi %shift_right_arithmetic3A_1029, %add3A_1033 : vector<16xi32>
      %select_n3A_1035 = arith.select %le3A_1031, %add3A_1034, %select_n3A_1024 : vector<16xi1>, vector<16xi32>
      %select_n3A_1036 = arith.select %le3A_1031, %select_n3A_1025, %shift_right_arithmetic3A_1029 : vector<16xi1>, vector<16xi32>
      %add3A_1037 = arith.addi %select_n3A_1035, %select_n3A_1036 : vector<16xi32>
      %shift_right_arithmetic3A_1038 = arith.constant 1 : i32
      %shift_right_arithmetic3A_1039 = vector.broadcast %shift_right_arithmetic3A_1038 : i32 to vector<16xi32>
      %shift_right_arithmetic3A_1040 = arith.shrsi %add3A_1037, %shift_right_arithmetic3A_1039 : vector<16xi32>
      %gather3A_1041 = tpu.vector_load_idx %arg7[%shift_right_arithmetic3A_1040] : memref<520xi32, #tpu.memory_space<vmem>>[vector<16xi32>], vector<16xi32>,
      %le3A_1042 = arith.cmpi sle, %gather3A_1041, %add3A_988 : vector<16xi32>
      %add3A_1043 = arith.constant 1 : i32
      %add3A_1044 = vector.broadcast %add3A_1043 : i32 to vector<16xi32>
      %add3A_1045 = arith.addi %shift_right_arithmetic3A_1040, %add3A_1044 : vector<16xi32>
      %select_n3A_1046 = arith.select %le3A_1042, %add3A_1045, %select_n3A_1035 : vector<16xi1>, vector<16xi32>
      %select_n3A_1047 = arith.select %le3A_1042, %select_n3A_1036, %shift_right_arithmetic3A_1040 : vector<16xi1>, vector<16xi32>
      %add3A_1048 = arith.addi %select_n3A_1046, %select_n3A_1047 : vector<16xi32>
      %shift_right_arithmetic3A_1049 = arith.constant 1 : i32
      %shift_right_arithmetic3A_1050 = vector.broadcast %shift_right_arithmetic3A_1049 : i32 to vector<16xi32>
      %shift_right_arithmetic3A_1051 = arith.shrsi %add3A_1048, %shift_right_arithmetic3A_1050 : vector<16xi32>
      %gather3A_1052 = tpu.vector_load_idx %arg7[%shift_right_arithmetic3A_1051] : memref<520xi32, #tpu.memory_space<vmem>>[vector<16xi32>], vector<16xi32>,
      %le3A_1053 = arith.cmpi sle, %gather3A_1052, %add3A_988 : vector<16xi32>
      %add3A_1054 = arith.constant 1 : i32
      %add3A_1055 = vector.broadcast %add3A_1054 : i32 to vector<16xi32>
      %add3A_1056 = arith.addi %shift_right_arithmetic3A_1051, %add3A_1055 : vector<16xi32>
      %select_n3A_1057 = arith.select %le3A_1053, %add3A_1056, %select_n3A_1046 : vector<16xi1>, vector<16xi32>
      %select_n3A_1058 = arith.select %le3A_1053, %select_n3A_1047, %shift_right_arithmetic3A_1051 : vector<16xi1>, vector<16xi32>
      %add3A_1059 = arith.addi %select_n3A_1057, %select_n3A_1058 : vector<16xi32>
      %shift_right_arithmetic3A_1060 = arith.constant 1 : i32
      %shift_right_arithmetic3A_1061 = vector.broadcast %shift_right_arithmetic3A_1060 : i32 to vector<16xi32>
      %shift_right_arithmetic3A_1062 = arith.shrsi %add3A_1059, %shift_right_arithmetic3A_1061 : vector<16xi32>
      %gather3A_1063 = tpu.vector_load_idx %arg7[%shift_right_arithmetic3A_1062] : memref<520xi32, #tpu.memory_space<vmem>>[vector<16xi32>], vector<16xi32>,
      %le3A_1064 = arith.cmpi sle, %gather3A_1063, %add3A_988 : vector<16xi32>
      %add3A_1065 = arith.constant 1 : i32
      %add3A_1066 = vector.broadcast %add3A_1065 : i32 to vector<16xi32>
      %add3A_1067 = arith.addi %shift_right_arithmetic3A_1062, %add3A_1066 : vector<16xi32>
      %select_n3A_1068 = arith.select %le3A_1064, %add3A_1067, %select_n3A_1057 : vector<16xi1>, vector<16xi32>
      %select_n3A_1069 = arith.select %le3A_1064, %select_n3A_1058, %shift_right_arithmetic3A_1062 : vector<16xi1>, vector<16xi32>
      %add3A_1070 = arith.addi %select_n3A_1068, %select_n3A_1069 : vector<16xi32>
      %shift_right_arithmetic3A_1071 = arith.constant 1 : i32
      %shift_right_arithmetic3A_1072 = vector.broadcast %shift_right_arithmetic3A_1071 : i32 to vector<16xi32>
      %shift_right_arithmetic3A_1073 = arith.shrsi %add3A_1070, %shift_right_arithmetic3A_1072 : vector<16xi32>
      %gather3A_1074 = tpu.vector_load_idx %arg7[%shift_right_arithmetic3A_1073] : memref<520xi32, #tpu.memory_space<vmem>>[vector<16xi32>], vector<16xi32>,
      %le3A_1075 = arith.cmpi sle, %gather3A_1074, %add3A_988 : vector<16xi32>
      %add3A_1076 = arith.constant 1 : i32
      %add3A_1077 = vector.broadcast %add3A_1076 : i32 to vector<16xi32>
      %add3A_1078 = arith.addi %shift_right_arithmetic3A_1073, %add3A_1077 : vector<16xi32>
      %select_n3A_1079 = arith.select %le3A_1075, %add3A_1078, %select_n3A_1068 : vector<16xi1>, vector<16xi32>
      %select_n3A_1080 = arith.select %le3A_1075, %select_n3A_1069, %shift_right_arithmetic3A_1073 : vector<16xi1>, vector<16xi32>
      %add3A_1081 = arith.addi %select_n3A_1079, %select_n3A_1080 : vector<16xi32>
      %shift_right_arithmetic3A_1082 = arith.constant 1 : i32
      %shift_right_arithmetic3A_1083 = vector.broadcast %shift_right_arithmetic3A_1082 : i32 to vector<16xi32>
      %shift_right_arithmetic3A_1084 = arith.shrsi %add3A_1081, %shift_right_arithmetic3A_1083 : vector<16xi32>
      %gather3A_1085 = tpu.vector_load_idx %arg7[%shift_right_arithmetic3A_1084] : memref<520xi32, #tpu.memory_space<vmem>>[vector<16xi32>], vector<16xi32>,
      %le3A_1086 = arith.cmpi sle, %gather3A_1085, %add3A_988 : vector<16xi32>
      %add3A_1087 = arith.constant 1 : i32
      %add3A_1088 = vector.broadcast %add3A_1087 : i32 to vector<16xi32>
      %add3A_1089 = arith.addi %shift_right_arithmetic3A_1084, %add3A_1088 : vector<16xi32>
      %select_n3A_1090 = arith.select %le3A_1086, %add3A_1089, %select_n3A_1079 : vector<16xi1>, vector<16xi32>
      %select_n3A_1091 = arith.select %le3A_1086, %select_n3A_1080, %shift_right_arithmetic3A_1084 : vector<16xi1>, vector<16xi32>
      %add3A_1092 = arith.addi %select_n3A_1090, %select_n3A_1091 : vector<16xi32>
      %shift_right_arithmetic3A_1093 = arith.constant 1 : i32
      %shift_right_arithmetic3A_1094 = vector.broadcast %shift_right_arithmetic3A_1093 : i32 to vector<16xi32>
      %shift_right_arithmetic3A_1095 = arith.shrsi %add3A_1092, %shift_right_arithmetic3A_1094 : vector<16xi32>
      %gather3A_1096 = tpu.vector_load_idx %arg7[%shift_right_arithmetic3A_1095] : memref<520xi32, #tpu.memory_space<vmem>>[vector<16xi32>], vector<16xi32>,
      %le3A_1097 = arith.cmpi sle, %gather3A_1096, %add3A_988 : vector<16xi32>
      %add3A_1098 = arith.constant 1 : i32
      %add3A_1099 = vector.broadcast %add3A_1098 : i32 to vector<16xi32>
      %add3A_1100 = arith.addi %shift_right_arithmetic3A_1095, %add3A_1099 : vector<16xi32>
      %select_n3A_1101 = arith.select %le3A_1097, %add3A_1100, %select_n3A_1090 : vector<16xi1>, vector<16xi32>
      %select_n3A_1102 = arith.select %le3A_1097, %select_n3A_1091, %shift_right_arithmetic3A_1095 : vector<16xi1>, vector<16xi32>
      %ge3A_1103 = vector.broadcast %squeeze3A : i32 to vector<16xi32>
      %ge3A_1104 = arith.cmpi sge, %add3A_988, %ge3A_1103 : vector<16xi32>
      %lt3A_1105 = vector.broadcast %squeeze3A_9 : i32 to vector<16xi32>
      %lt3A_1106 = arith.cmpi slt, %add3A_988, %lt3A_1105 : vector<16xi32>
      %and3A_1107 = arith.andi %ge3A_1104, %lt3A_1106 : vector<16xi1>
      %mul3A_1108 = arith.constant 512 : i32
      %mul3A_1109 = arith.muli %arg1, %mul3A_1108 : i32
      %sub3A_1110 = arith.constant 1 : i32
      %sub3A_1111 = vector.broadcast %sub3A_1110 : i32 to vector<16xi32>
      %sub3A_1112 = arith.subi %select_n3A_1101, %sub3A_1111 : vector<16xi32>
      %add3A_1113 = vector.broadcast %mul3A_1109 : i32 to vector<16xi32>
      %add3A_1114 = arith.addi %add3A_1113, %sub3A_1112 : vector<16xi32>
      %jit3A_1115 = arith.constant 8192 : i32
      %broadcast_in_dim3A_1116 = vector.broadcast %jit3A_1115 : i32 to vector<16xi32>
      %select_n3A_1117 = arith.select %and3A_1107, %add3A_1114, %broadcast_in_dim3A_1116 : vector<16xi1>, vector<16xi32>
      %swap3A_1118 = arith.constant 0 : i32
      %swap3A_1119 = arith.index_cast %swap3A_1118 : i32 to index
      %swap3A_1120 = arith.constant 112 : index
      %swap3A_1121 = tpu.vector_load %arg9[%swap3A_1119, %swap3A_1120] {strides = array<i32>} : memref<1x128xi32, #tpu.memory_space<vmem>>, vector<16xi32>,
      tpu.vector_store %arg9[%swap3A_1119, %swap3A_1120], %select_n3A_1117 {strides = array<i32>} : memref<1x128xi32, #tpu.memory_space<vmem>>, vector<16xi32>,
      %dma_wait3A = arith.constant 0 : i32
      %dma_wait3A_1122 = arith.constant 0 : i32
      %dma_wait3A_1123 = tpu.memref_slice %arg8[%dma_wait3A, %dma_wait3A_1122] : memref<1x128xi32, #tpu.memory_space<vmem>> -> memref<1x128xi32, #tpu.memory_space<vmem>>
      %dma_wait3A_1124 = tpu.memref_squeeze %dma_wait3A_1123 : memref<1x128xi32, #tpu.memory_space<vmem>> -> memref<128xi32, #tpu.memory_space<vmem>>
      %dma_wait3A_1125 = arith.constant 0 : i32
      %dma_wait3A_1126 = arith.constant 0 : i32
      %dma_wait3A_1127 = tpu.memref_slice %arg4[%dma_wait3A_1125, %dma_wait3A_1126] : memref<1000000x128xf32, #tpu.memory_space<hbm>> -> memref<1000000x128xf32, #tpu.memory_space<hbm>>
      tpu.wait_indirect_dma semaphore(%arg12 : memref<!tpu.dma_semaphore, #tpu.memory_space<semaphore_mem>>) src(%dma_wait3A_1127 : memref<1000000x128xf32, #tpu.memory_space<hbm>>) dst(%arg10 : memref<128x128xf32, #tpu.memory_space<vmem>>)
      %run_scoped3A_1128 = arith.constant 0 : i32
      "tpu.region"() ({
        %run_scoped3A_1129 = tpu.sem_alloc : memref<!tpu.dma_semaphore, #tpu.memory_space<semaphore_mem>>
        %dma_start3A_1130 = arith.constant 0 : i32
        %dma_start3A_1131 = tpu.memref_slice %arg9[%run_scoped3A_1128, %dma_start3A_1130] : memref<1x128xi32, #tpu.memory_space<vmem>> -> memref<1x128xi32, #tpu.memory_space<vmem>>
        %dma_start3A_1132 = tpu.memref_squeeze %dma_start3A_1131 : memref<1x128xi32, #tpu.memory_space<vmem>> -> memref<128xi32, #tpu.memory_space<vmem>>
        %dma_start3A_1133 = arith.constant 0 : i32
        %dma_start3A_1134 = arith.constant 0 : i32
        %dma_start3A_1135 = tpu.memref_slice %arg11[%dma_start3A_1133, %dma_start3A_1134] : memref<8200x128xf32, #tpu.memory_space<vmem_shared>> -> memref<8200x128xf32, #tpu.memory_space<vmem_shared>>
        tpu.enqueue_indirect_dma source(%arg10 : memref<128x128xf32, #tpu.memory_space<vmem>>) target(%dma_start3A_1135 : memref<8200x128xf32, #tpu.memory_space<vmem_shared>>) offsets(%dma_start3A_1132 : memref<128xi32, #tpu.memory_space<vmem>>) semaphore(%run_scoped3A_1129 : memref<!tpu.dma_semaphore, #tpu.memory_space<semaphore_mem>>) {add = true}
        %dma_wait3A_1136 = arith.constant 0 : i32
        %dma_wait3A_1137 = tpu.memref_slice %arg9[%run_scoped3A_1128, %dma_wait3A_1136] : memref<1x128xi32, #tpu.memory_space<vmem>> -> memref<1x128xi32, #tpu.memory_space<vmem>>
        %dma_wait3A_1138 = tpu.memref_squeeze %dma_wait3A_1137 : memref<1x128xi32, #tpu.memory_space<vmem>> -> memref<128xi32, #tpu.memory_space<vmem>>
        %dma_wait3A_1139 = arith.constant 0 : i32
        %dma_wait3A_1140 = arith.constant 0 : i32
        %dma_wait3A_1141 = tpu.memref_slice %arg11[%dma_wait3A_1139, %dma_wait3A_1140] : memref<8200x128xf32, #tpu.memory_space<vmem_shared>> -> memref<8200x128xf32, #tpu.memory_space<vmem_shared>>
        tpu.wait_indirect_dma semaphore(%run_scoped3A_1129 : memref<!tpu.dma_semaphore, #tpu.memory_space<semaphore_mem>>) src(%arg10 : memref<128x128xf32, #tpu.memory_space<vmem>>) dst(%dma_wait3A_1141 : memref<8200x128xf32, #tpu.memory_space<vmem_shared>>)
        tpu.yield
      }) : () -> ()
    }
    %mul3A_23 = arith.constant 512 : i32
    %mul3A_24 = arith.muli %arg1, %mul3A_23 : i32
    %mul3A_25 = arith.constant 512 : i32
    %mul3A_26 = arith.muli %add3A, %mul3A_25 : i32
    "tpu.region"() ({
      %run_scoped3A = tpu.sem_alloc : memref<!tpu.dma_semaphore, #tpu.memory_space<semaphore_mem>>
      %dma_start3A = arith.constant 0 : i32
      %dma_start3A_27 = tpu.memref_slice %arg6[%mul3A_26, %dma_start3A] : memref<16384x128xf32, #tpu.memory_space<hbm>> -> memref<512x128xf32, #tpu.memory_space<hbm>>
      %dma_start3A_28 = arith.constant 0 : i32
      %dma_start3A_29 = tpu.memref_slice %arg11[%mul3A_24, %dma_start3A_28] : memref<8200x128xf32, #tpu.memory_space<vmem_shared>> -> memref<512x128xf32, #tpu.memory_space<vmem_shared>>
      tpu.enqueue_dma source(%dma_start3A_29 : memref<512x128xf32, #tpu.memory_space<vmem_shared>>) target(%dma_start3A_27 : memref<512x128xf32, #tpu.memory_space<hbm>>) target_semaphore(%run_scoped3A : memref<!tpu.dma_semaphore, #tpu.memory_space<semaphore_mem>>)
      %dma_wait3A = arith.constant 0 : i32
      %dma_wait3A_30 = tpu.memref_slice %arg6[%mul3A_26, %dma_wait3A] : memref<16384x128xf32, #tpu.memory_space<hbm>> -> memref<512x128xf32, #tpu.memory_space<hbm>>
      %dma_wait3A_31 = arith.constant 0 : i32
      %dma_wait3A_32 = tpu.memref_slice %arg11[%mul3A_24, %dma_wait3A_31] : memref<8200x128xf32, #tpu.memory_space<vmem_shared>> -> memref<512x128xf32, #tpu.memory_space<vmem_shared>>
      tpu.wait_dma2 semaphore(%run_scoped3A : memref<!tpu.dma_semaphore, #tpu.memory_space<semaphore_mem>>) src(%dma_wait3A_32 : memref<512x128xf32, #tpu.memory_space<vmem_shared>>) dst(%dma_wait3A_30 : memref<512x128xf32, #tpu.memory_space<hbm>>)
      tpu.yield
    }) : () -> ()
    return
  }
}

</mosaic_0001>

<sc_bundles>
// kernel: kernel.3.cloned.1.call-start
scs
__scs_entry_jumppad:
0x0: {  	(pc) =	sbr.rel $0x88, $3  }
0x1: {  	(tag) =	ssettag $0x0;
	lr =	simm.s32 $0x1  }
0x2: {  	[smem:$0x3F9D] =	sst lr;
	_ =	strace $0xD0000000  }
0x3: {  	_ = 	snop  }
0x4: {  	_ = 	snop  }
0x5: {  	_ = 	snop  }
0x6: {  	_ = 	snop  }
0x7: {  	_ = 	snop  }
__scs_overlays_trampoline_lowered:
0x8: {  	[smem:$0x3FAC] =	sst s0  }
0x9: {  	[smem:$0x3FAD] =	sst s1  }
0xa: {  	[smem:$0x3FAE] =	sst s2  }
0xb: {  	[smem:$0x3FAF] =	sst s3  }
0xc: {  	[smem:$0x3FB0] =	sst s4  }
0xd: {  	[smem:$0x3FB1] =	sst s5  }
0xe: {  	[smem:$0x3FB2] =	sst s6  }
0xf: {  	[smem:$0x3FB3] =	sst s7  }
0x10: {  	[smem:$0x3FB4] =	sst s8  }
0x11: {  	[smem:$0x3FB5] =	sst s9;
	s0 =	simm.s32 @!p0 $0x0  }
0x12: {  	s1 =	sld [smem:$0x3F9B];
	s0 =	simm.s32 @p0 $0x1  }
0x13: {  	[smem:$0x3FB6] =	sst s0;
	s0 =	simm.s32 @!p1 $0x0  }
0x14: {  	s2 =	sld [smem:$0x3F9A];
	s0 =	simm.s32 @p1 $0x1  }
0x15: {  	[smem:$0x3FB7] =	sst s0;
	s0 =	simm.s32 @!p2 $0x0  }
0x16: {  	s3 =	sld [smem:$0x3FDB];
	s0 =	simm.s32 @p2 $0x1  }
0x17: {  	s4 =	simm.s32 $0x1BF5;
	[smem:$0x3FB9] =	sst s0  }
0x18: {  	s0 =	sld [smem:$0x3F9C];
	_ =	swait.ge [sflag:s4], $0x0  }
0x19: {  	s7 =	sld [smem:$0x3F9D]  }
0x1a: {  	s8 =	sadd.s32 $0xFFFFE003, lr  }
0x1b: {  	s9 =	sadd.s32 $0xFFFFFEF7, lr;
	s5 =	simm.s32 $0xFFFFFFFF;
	p2 =	slt.u32 s8, $0xFFFFF086  }
0x1c: {  	p1 =	slt.u32 s9, $0xF7A;
	s5 =	simm.s32 @!p2 $0x0  }
0x1d: {  	s5 =	simm.s32 @p1 $0x1;
	p0 =	seq.s32 s7, s2  }
0x1e: {  	s7 =	smul.u32 @!p0 $0xF7A, s2;
	p2 =	seq.s32 @!p0 s5, $0x0  }
0x1f: {  	s9 =	smul.u32 $0xF7A, s1;
	s8 =	simm.s32 @!p0 $0x1BF5;
	p2 =	por !p2, p0  }
0x20: {  	[sflag:s8] =	ssyncset.s32 @!p0 $0xFFFFF086;
	s6 =	sadd.s32 @!p0 s3, s7;
	s7 =	simm.s32 @!p0 $0x108  }
0x21: {  	s3 =	sadd.s32 s3, s9;
	s6 =	sadd.s32 @!p0 $0x88, s6;
	s7 =	simm.s32 @p2 $0x1082  }
0x22: {  	[simem:s7], [sflag:s8] =	dma.local @!p0 [hbm:s6], $0xF7A  }
0x23: {  	s9 =	sor.u32 $0xD0000000, s2;
	s6 =	simm.s32 $0x108;
	_ =	swait.ge @!p0 [sflag:s8], $0x0  }
0x24: {  	s3 =	sadd.s32 $0x88, s3;
	s6 =	simm.s32 @!p1 $0x1082;
	[sflag:s4] =	ssyncset.s32 $0xFFFFF086  }
0x25: {  	[simem:s6], [sflag:s4] =	dma.local [hbm:s3], $0xF7A  }
0x26: {  	[smem:$0x3F9D] =	sst s1;
	(tag) =	ssettag s2;
	_ =	strace s9  }
0x27: {  	s1 =	sld [smem:$0x3FAD]  }
0x28: {  	s2 =	sld [smem:$0x3FAE]  }
0x29: {  	s4 =	sld [smem:$0x3FB0]  }
0x2a: {  	p0 =	seq.s32 s5, $0x0;
	s5 =	sld [smem:$0x3FB1]  }
0x2b: {  	s6 =	sld [smem:$0x3FB2]  }
0x2c: {  	s7 =	sld [smem:$0x3FB3]  }
0x2d: {  	s3 =	simm.s32 $0x108;
	s8 =	sld [smem:$0x3FB4]  }
0x2e: {  	s3 =	simm.s32 @!p0 $0x1082;
	s9 =	sld [smem:$0x3FB5]  }
0x2f: {  	lr =	sadd.s32 s0, s3;
	s0 =	sld [smem:$0x3FAC]  }
0x30: {  	s3 =	sld [smem:$0x3FAF]  }
0x31: {  	[smem:$0x3FB8] =	sst s10  }
0x32: {  	s10 =	sld [smem:$0x3FB6];
	_ =	sdelay $0x3  }
0x33: {  	p0 =	seq.s32 s10, $0x1;
	s10 =	sld [smem:$0x3FB8];
	_ =	sdelay $0x3  }
0x34: {  	[smem:$0x3FB8] =	sst s10  }
0x35: {  	s10 =	sld [smem:$0x3FB7];
	_ =	sdelay $0x3  }
0x36: {  	p1 =	seq.s32 s10, $0x1;
	s10 =	sld [smem:$0x3FB8];
	_ =	sdelay $0x3  }
0x37: {  	[smem:$0x3FB8] =	sst s10  }
0x38: {  	s10 =	sld [smem:$0x3FB9]  }
0x39: {  	_ = 	snop;
	(pc) =	sbr.ind lr, $3  }
0x3a: {  	_ = 	snop  }
0x3b: {  	_ = 	snop  }
0x3c: {  	p2 =	seq.s32 s10, $0x1;
	s10 =	sld [smem:$0x3FB8]  }
0x3d: {  	_ =	shalt  }
0x3e: {  	_ =	shalt  }
0x3f: {  	_ =	shalt  }
0x40: {  	_ =	shalt  }
0x41: {  	_ =	shalt  }
0x42: {  	_ =	shalt  }
0x43: {  	_ =	shalt  }
0x44: {  	_ =	shalt  }
0x45: {  	_ =	shalt  }
0x46: {  	_ =	shalt  }
0x47: {  	_ =	shalt  }
0x48: {  	_ =	shalt  }
0x49: {  	_ =	shalt  }
0x4a: {  	_ =	shalt  }
0x4b: {  	_ =	shalt  }
0x4c: {  	_ =	shalt  }
0x4d: {  	_ =	shalt  }
0x4e: {  	_ =	shalt  }
0x4f: {  	_ =	shalt  }
0x50: {  	_ =	shalt  }
0x51: {  	_ =	shalt  }
0x52: {  	_ =	shalt  }
0x53: {  	_ =	shalt  }
0x54: {  	_ =	shalt  }
0x55: {  	_ =	shalt  }
0x56: {  	_ =	shalt  }
0x57: {  	_ =	shalt  }
0x58: {  	_ =	shalt  }
0x59: {  	_ =	shalt  }
0x5a: {  	_ =	shalt  }
0x5b: {  	_ =	shalt  }
0x5c: {  	_ =	shalt  }
0x5d: {  	_ =	shalt  }
0x5e: {  	_ =	shalt  }
0x5f: {  	_ =	shalt  }
0x60: {  	_ =	shalt  }
0x61: {  	_ =	shalt  }
0x62: {  	_ =	shalt  }
0x63: {  	_ =	shalt  }
0x64: {  	_ =	shalt  }
0x65: {  	_ =	shalt  }
0x66: {  	_ =	shalt  }
0x67: {  	_ =	shalt  }
0x68: {  	_ =	shalt  }
0x69: {  	_ =	shalt  }
0x6a: {  	_ =	shalt  }
0x6b: {  	_ =	shalt  }
0x6c: {  	_ =	shalt  }
0x6d: {  	_ =	shalt  }
0x6e: {  	_ =	shalt  }
0x6f: {  	_ =	shalt  }
0x70: {  	_ =	shalt  }
0x71: {  	_ =	shalt  }
0x72: {  	_ =	shalt  }
0x73: {  	_ =	shalt  }
0x74: {  	_ =	shalt  }
0x75: {  	_ =	shalt  }
0x76: {  	_ =	shalt  }
0x77: {  	_ =	shalt  }
0x78: {  	_ =	shalt  }
0x79: {  	_ =	shalt  }
0x7a: {  	_ =	shalt  }
0x7b: {  	_ =	shalt  }
0x7c: {  	_ =	shalt  }
0x7d: {  	_ =	shalt  }
0x7e: {  	_ =	shalt  }
0x7f: {  	_ =	shalt  }
0x80: {  	_ =	shalt  }
0x81: {  	_ =	shalt  }
0x82: {  	_ =	shalt  }
0x83: {  	_ =	shalt  }
0x84: {  	_ =	shalt  }
0x85: {  	_ =	shalt  }
0x86: {  	_ =	shalt  }
0x87: {  	_ =	shalt  }
.Lfunc_end0:
.L_simem_size_0:
called_computation_lowered:
.L_overlay_start_0:
0x88: {  	s2 =	sld [smem:$0x3FD9]  }
0x89: {  	s3 =	sld [smem:$0x3FFE];
	_ =	sdelay $0x1  }
0x8a: {  	s1 =	srdreg.scid  }
0x8b: {  	s0 =	sand.u32 $0x1, s1  }
0x8c: {  	s17 =	sshll.u32 s0, $0xA;
	s2 =	sadd.s32 s3, s2  }
0x8d: {  	s2 =	sadd.s32 s2, s17  }
0x8e: {  	[smem:$0x3FC4] =	sst s2  }
0x8f: {  	_ = 	snop  }
0x90: {  	s2 =	sld [smem:$0x3FC9]  }
0x91: {  	s18 =	sld [smem:$0x3FC7]  }
0x92: {  	s4 =	sld [smem:$0x3FD0];
	(tm) =	ssettm $0x1  }
0x93: {  	s5 =	sld [smem:$0x3FFB];
	_ =	sdelay $0x3  }
0x94: {  	_ =	strace s5  }
0x95: {  	s5 =	sld [smem:$0x3FFC];
	_ =	sdelay $0x3  }
0x96: {  	_ =	strace s5  }
0x97: {  	s5 =	sld [smem:$0x3FFD];
	_ =	sdelay $0x3  }
0x98: {  	_ =	strace s5  }
0x99: {  	_ =	strace $0x8FFFFFFF  }
0x9a: {  	s19 =	sld [smem:$0x3FDB];
	_ =	sdelay $0x1  }
0x9b: {  	s6 =	simm.s32 $_scs_section_size  }
0x9c: {  	s7 =	simm.s32 $_size__tile_overlayer_lowered;
	s8 =	simm.s32 $_tile_overlayer_lowered  }
0x9d: {  	s22 =	simm.s32 $0x1BFF;
	s21 =	sshll.u32 s8, $0x1;
	s5 =	sadd.s32 s6, s19  }
0x9e: {  	s9 =	simm.s32 $0x0;
	s20 =	sshll.u32 s7, $0x1;
	s7 =	sadd.s32 s21, s5  }
0x9f: {  	[timem:s9], [sflag:s22] =	dma.local [hbm:s7], s20  }
0xa0: {  	_ =	swait.ge [sflag:s22], s20  }
0xa1: {  	s6 =	ssub.s32 $0x0, s20;
	[sflag:s22] =	ssyncset.done $0x0  }
0xa2: {  	[sflag:s22] =	ssyncadd.s32 s6;
	_ =	sdelay $0x1  }
0xa3: {  	s23 =	simm.s32 $0x1B8B  }
0xa4: {  	_ =	swait.ge [sflag:s23], $0x1  }
0xa5: {  	[sflag:s23] =	ssyncset.done $0x0  }
0xa6: {  	s25 =	simm.s32 $0x1B8E;
	s24 =	sld [smem:$0x3FFE];
	[sflag:s23] =	ssyncadd.s32 $0xFFFFFFFF  }
0xa7: {  	s26 =	simm.s32 $execute0_lowered;
	[smem:$0x3FD2] =	sst s25  }
0xa8: {  	s7 =	sshll.u32 s26, $0x1;
	_ =	strace $0x80000046;
	[dreg:$0x1] =	wrdreg $0xFFFFFFFF  }
0xa9: {  	s28 =	simm.s32 $_size_execute0_lowered;
	s5 =	sadd.s32 s5, s7;
	[dreg:$0x0] =	wrdreg $0x0  }
0xaa: {  	s7 =	sshll.u32 s28, $0x1;
	[dreg:$0x2] =	wrdreg s5  }
0xab: {  	[dreg:$0x3] =	wrdreg s7  }
0xac: {  	[dreg:$0x4] =	wrdreg $0xC0  }
0xad: {  	_ =	task [dreg:s9], $0x5FFFF  }
0xae: {  	[dreg:$0x1] =	wrdreg $0xFFFFFFFF  }
0xaf: {  	[dreg:$0x0] =	wrdreg $0x60  }
0xb0: {  	[dreg:$0x2] =	wrdreg s2  }
0xb1: {  	[dreg:$0x3] =	wrdreg s24  }
0xb2: {  	[dreg:$0x4] =	wrdreg s18  }
0xb3: {  	[dreg:$0x5] =	wrdreg s4  }
0xb4: {  	[dreg:$0x6] =	wrdreg $0x43800  }
0xb5: {  	[dreg:$0x7] =	wrdreg $0x9  }
0xb6: {  	_ =	task.clear_ibuf [dreg:s9], $0x8FFFF;
	_ =	strace $0x90000046  }
0xb7: {  	s29 =	simm.s32 $0x9;
	_ =	strace $0x80000048  }
0xb8: {  	_ =	swait.ge [sflag:s29], $0x1  }
0xb9: {  	[sflag:s29] =	ssyncadd.s32 $0xFFFFFFFF  }
0xba: {  	_ =	strace $0x90000048  }
0xbb: {  	_ =	sfence  }
0xbc: {  	s30 =	sld [smem:$0x0];
	_ =	sdelay $0x2  }
0xbd: {  	s31 =	sshll.u32 s1, $0xD;
	s1 =	sshrl.u32 s1, $0x2  }
0xbe: {  	s3 =	sand.u32 $0x4000, s31;
	s1 =	sadd.s32 s1, s30  }
0xbf: {  	s0 =	sor.u32 s3, s0;
	s1 =	sshll.u32 s1, $0x11  }
0xc0: {  	s0 =	sor.u32 s1, s0  }
0xc1: {  	s0 =	sadd.s32 $0x8F2B, s0  }
0xc2: {  	[sflag:s0] =	ssyncadd.remote.s32 $0x1  }
0xc3: {  	_ =	sfence.sel $0xFFFF  }
0xc4: {  	[dreg:$0x0] =	wrdreg $0xFFFFFFFF;
	(pc) =	sbr.abs _section_cstart, $3  }
0xc5: {  	[dreg:$0x1] =	wrdreg $0xFFFFFFFF  }
0xc6: {  	_ =	task.clear_ibuf [dreg:s9], $0x2FFFF;
	_ =	strace $0x9FFFFFFF  }
0xc7: {  	(tm) =	ssettm $0x7FFFFFFF  }
tec
execute0_lowered:
.L_overlay_start_1:
0x0: {  	(tag) =	ssettag $0x1  }
0x1: {  	s0 =	rddreg [dreg:$0x0]  }
0x2: {  	s6 =	rddreg [dreg:$0x1]  }
0x3: {  	s2 =	rddreg [dreg:$0x2]  }
0x4: {  	s3 =	srdreg.scid;
	s8 =	rddreg [dreg:$0x3]  }
0x5: {  	s1 =	stileid.u32;
	s4 =	rddreg [dreg:$0x4];
	s5 =	simm.s32 $0x0  }
0x6: {  	s14 =	simm.s32 $0x80;
	s15 =	simm.s32 $0x380;
	s16 =	simm.s32 $0x1  }
0x7: {  	s17 =	simm.s32 $0x300;
	s7 =	sand.u32 $0x1, s3;
	s3 =	rddreg [dreg:$0x5]  }
0x8: {  	s18 =	simm.s32 $0x0;
	s13 =	sshll.u32 s1, $0x9;
	[smem:$0x7FF] =	sst s5  }
0x9: {  	s12 =	sshll.u32 s1, $0x10;
	s31 =	sshll.u32 s1, $0x6;
	s9 =	sshll.u32 s7, $0xD  }
0xa: {  	s7 =	ssub.s32 $0x2, s7;
	_ =	strace $0x80000047;
	s12 =	sadd.s32 s12, s4  }
.Ltmp0:
0xb: {  	s9 =	sor.u32 s13, s9;
	s11 =	sshrl.u32 s7, $0x1;
	(pc) =	sbr.rel .LBB2_1-.Ltmp0, $4  }
0xc: {  	v0 =	vmov s13;
	s12 =	sshrl.u32 s12, $0x3;
	s13 =	simm.s32 $0x280;
	s10 =	sshrl.u32 s9, $0x3  }
0xd: {  	s11 =	ssub.s32 s7, s11;
	s9 =	sshll.u32 s9, $0x4;
	s10 =	sadd.s32 s10, s6  }
0xe: {  	v1 =	vlaneseq.u32;
	v2 =	vimm.s32 $0x100;
	s6 =	sadd.s32 $0xE00, s6;
	s8 =	sadd.s32 s8, s9;
	s9 =	smax.u32 s11, $0x1  }
0xf: {  	v3 =	vimm.s32 $0x101;
	v4 =	vimm.s32 $0x201;
	v5 =	vimm.s32 $0x181;
	s11 =	sor.u32 $0x1C02, s31;
	s7 =	sadd.s32 $0x400, s10;
	s10 =	simm.s32 $0x2  }
.LBB2_4:
0x10: {  	s18 =	sadd.s32 $0x1, s18  }
0x11: {  	p0 =	sne.s32 s18, s9  }
.Ltmp1:
0x12: {  	_ = 	snop;
	(pc) =	sbr.rel @!p0 .LBB2_5-.Ltmp1, $4  }
0x13: {  	[hbm:s8], [sflag:s11] =	dma.local [spmem:s12], $0x2000  }
0x14: {  	_ =	swait.ge [sflag:s10], $0x2000  }
0x15: {  	[sflag:s10] =	ssyncset.done $0x0  }
0x16: {  	[sflag:s10] =	ssyncadd.s32 $0xFFFFE000  }
.LBB2_1:
0x17: {  	[tilespmem:s5], [sflag:$0x2] =	stream.linear.gather [hbm4b:s7+s5], $0x208, $0x38;
	[tilespmem:$0x143C0] =	vst v63  }
0x18: {  	_ =	swait.ge [sflag:s10], $0x208  }
0x19: {  	[sflag:s10] =	ssyncset.done $0x0  }
0x1a: {  	[sflag:s10] =	ssyncadd.s32 $0xFFFFFDF8  }
0x1b: {  	[spmem:s12], [sflag:s11] =	dma.local [hbm:s6], $0x2000  }
0x1c: {  	_ =	swait.ge [sflag:s10], $0x2000  }
0x1d: {  	[sflag:s10] =	ssyncset.done $0x0  }
0x1e: {  	[sflag:s10] =	ssyncadd.s32 $0xFFFFE000  }
0x1f: {  	v6 =	vld [tilespmem:$0x0]  }
0x20: {  	v7 =	vld [tilespmem:$0x1F8];
	_ =	sdelay $0x3  }
0x21: {  	(v2sf) =	vpush v6, $0x0  }
0x22: {  	(v2sf) =	vpush v7, $0x8;
	_ =	sdelay $0xd  }
0x23: {  	s19 =	spop (v2sf)  }
0x24: {  	s20 =	spop (v2sf)  }
0x25: {  	s21 =	sadd.s32 $0x7F, s20  }
0x26: {  	s20 =	sshra.s32 s19, $0x7;
	s19 =	sshra.s32 s21, $0x7  }
0x27: {  	p0 =	sle.s32 s19, s20  }
.Ltmp2:
0x28: {  	_ = 	snop;
	(pc) =	sbr.rel @p0 .LBB2_4-.Ltmp2, $1  }
0x29: {  	_ =	sdelay $0x3  }
0x2a: {  	s21 =	sshll.u32 s20, $0x7  }
0x2b: {  	v6 =	vbroadcast v6, $0x0;
	v7 =	vbroadcast v7, $0x8;
	s19 =	ssub.s32 s19, s20;
	s20 =	sshll.u32 s20, $0x4;
	s21 =	sor.u32 $0x70, s21  }
.LBB2_3:
0x2c: {  	s22 =	sand.u32 $0x1FFFFFF0, s20  }
0x2d: {  	s22 =	sadd.s32 s0, s22  }
0x2e: {  	[tilespmem:s13], [sflag:$0x2] =	stream.linear.gather [hbm4b:s22+s5], $0x80, $0x38;
	[tilespmem:$0x143C0] =	vst v63  }
0x2f: {  	_ =	swait.ge [sflag:s10], $0x80  }
0x30: {  	[sflag:s10] =	ssyncset.done $0x0  }
0x31: {  	[sflag:s10] =	ssyncadd.s32 $0xFFFFFF80  }
0x32: {  	[tilespmem:s15], [sflag:$0x1] =	stream.indirect.gather [hbm4b:s2+s14], $0x80, s13, s14, $0xb8;
	[tilespmem:$0x143C0] =	vst v63  }
0x33: {  	v8 =	vld.idx.msk [tilespmem:v2+s5+$0x0], $0xffff;
	_ =	sdelay $0x2  }
0x34: {  	s24 =	sadd.s32 $0xFFFFFF90, s21  }
0x35: {  	v9 =	vor.u32 s24, v1  }
0x36: {  	vm0 =	vgt.s32 v8, v9  }
0x37: {  	v8 =	vsel vm0, $0x80, v5;
	_ =	sdelay $0x4  }
0x38: {  	v10 =	vld.idx.msk [tilespmem:v8+s5+$0x0], $0xffff;
	_ =	sdelay $0x4  }
0x39: {  	v11 =	vsel vm0, $0x100, v4;
	vm1 =	vgt.s32 v10, v9  }
0x3a: {  	v20 =	vsel vm0, $0x0, v3;
	v12 =	vadd.s32 $0x1, v8;
	v8 =	vsel vm1, v8, v11  }
0x3b: {  	v10 =	vsel vm1, v20, v12;
	v11 =	vadd.s32 $0xFFFFFFFF, v8  }
0x3c: {  	v12 =	vxor.u32 v11, v10  }
0x3d: {  	v11 =	vor.u32 v11, v10;
	v12 =	vshrl.u32 v12, $0x1  }
0x3e: {  	v11 =	vsub.s32 v11, v12;
	_ =	sdelay $0x4  }
0x3f: {  	v12 =	vld.idx.msk [tilespmem:v11+s5+$0x0], $0xffff;
	_ =	sdelay $0x4  }
0x40: {  	v21 =	vadd.s32 $0x1, v11;
	vm11 =	vgt.s32 v12, v9  }
0x41: {  	v10 =	vsel vm11, v10, v21;
	v8 =	vsel vm11, v11, v8  }
0x42: {  	v11 =	vxor.u32 v8, v10  }
0x43: {  	v12 =	vand.u32 v8, v10;
	v11 =	vshrl.u32 v11, $0x1  }
0x44: {  	v11 =	vadd.s32 v11, v12;
	_ =	sdelay $0x4  }
0x45: {  	v12 =	vld.idx.msk [tilespmem:v11+s5+$0x0], $0xffff;
	_ =	sdelay $0x4  }
0x46: {  	v22 =	vadd.s32 $0x1, v11;
	vm12 =	vgt.s32 v12, v9  }
0x47: {  	v10 =	vsel vm12, v10, v22;
	v8 =	vsel vm12, v11, v8  }
0x48: {  	v11 =	vadd.s32 v8, v10  }
0x49: {  	v11 =	vshrl.u32 v11, $0x1;
	_ =	sdelay $0x4  }
0x4a: {  	v23 =	vld.idx.msk [tilespmem:v11+s5+$0x0], $0xffff;
	_ =	sdelay $0x4  }
0x4b: {  	v24 =	vadd.s32 $0x1, v11;
	vm13 =	vgt.s32 v23, v9  }
0x4c: {  	v10 =	vsel vm13, v10, v24;
	v8 =	vsel vm13, v11, v8  }
0x4d: {  	v11 =	vadd.s32 v8, v10  }
0x4e: {  	v11 =	vshrl.u32 v11, $0x1;
	_ =	sdelay $0x4  }
0x4f: {  	v25 =	vld.idx.msk [tilespmem:v11+s5+$0x0], $0xffff;
	_ =	sdelay $0x4  }
0x50: {  	v26 =	vadd.s32 $0x1, v11;
	vm14 =	vgt.s32 v25, v9  }
0x51: {  	v10 =	vsel vm14, v10, v26;
	v8 =	vsel vm14, v11, v8  }
0x52: {  	v11 =	vadd.s32 v8, v10  }
0x53: {  	v11 =	vshrl.u32 v11, $0x1;
	_ =	sdelay $0x4  }
0x54: {  	v27 =	vld.idx.msk [tilespmem:v11+s5+$0x0], $0xffff;
	_ =	sdelay $0x4  }
0x55: {  	v28 =	vadd.s32 $0x1, v11;
	vm15 =	vgt.s32 v27, v9  }
0x56: {  	v10 =	vsel vm15, v10, v28;
	v8 =	vsel vm15, v11, v8  }
0x57: {  	v11 =	vadd.s32 v8, v10  }
0x58: {  	v11 =	vshrl.u32 v11, $0x1;
	_ =	sdelay $0x4  }
0x59: {  	v29 =	vld.idx.msk [tilespmem:v11+s5+$0x0], $0xffff;
	_ =	sdelay $0x4  }
0x5a: {  	v30 =	vadd.s32 $0x1, v11;
	vm4 =	vgt.s32 v29, v9  }
0x5b: {  	v10 =	vsel vm4, v10, v30;
	v8 =	vsel vm4, v11, v8  }
0x5c: {  	v11 =	vadd.s32 v8, v10  }
0x5d: {  	v11 =	vshrl.u32 v11, $0x1;
	_ =	sdelay $0x4  }
0x5e: {  	v31 =	vld.idx.msk [tilespmem:v11+s5+$0x0], $0xffff;
	_ =	sdelay $0x4  }
0x5f: {  	v32 =	vadd.s32 $0x1, v11;
	vm5 =	vgt.s32 v31, v9  }
0x60: {  	v10 =	vsel vm5, v10, v32;
	v8 =	vsel vm5, v11, v8  }
0x61: {  	v8 =	vadd.s32 v8, v10  }
0x62: {  	v8 =	vshrl.u32 v8, $0x1;
	_ =	sdelay $0x4  }
0x63: {  	v33 =	vld.idx.msk [tilespmem:v8+s5+$0x0], $0xffff;
	_ =	sdelay $0x4  }
0x64: {  	v10 =	vadd.s32 $0xFFFFFFFF, v10;
	vm6 =	vgt.s32 v33, v9  }
0x65: {  	vm7 =	vge.s32 v9, v6;
	vm2 =	vlt.s32 v9, v7;
	v8 =	vsel vm6, v10, v8  }
0x66: {  	vm8 =	vmand vm7, vm2;
	v8 =	vadd.s32 v0, v8  }
0x67: {  	v8 =	vnsel vm8, $0x2000, v8  }
0x68: {  	[tilespmem:$0x300] =	vst v8  }
0x69: {  	v8 =	vld.idx.msk [tilespmem:v2+s5+$0x0], $0xffff;
	_ =	sdelay $0x2  }
0x6a: {  	s25 =	sadd.s32 $0xFFFFFFA0, s21  }
0x6b: {  	v34 =	vor.u32 s25, v1  }
0x6c: {  	vm9 =	vgt.s32 v8, v34  }
0x6d: {  	v8 =	vsel vm9, $0x80, v5;
	_ =	sdelay $0x4  }
0x6e: {  	v35 =	vld.idx.msk [tilespmem:v8+s5+$0x0], $0xffff;
	_ =	sdelay $0x4  }
0x6f: {  	v36 =	vsel vm9, $0x100, v4;
	vm10 =	vgt.s32 v35, v34  }
0x70: {  	v37 =	vsel vm9, $0x0, v3;
	v38 =	vadd.s32 $0x1, v8;
	v8 =	vsel vm10, v8, v36  }
0x71: {  	v10 =	vsel vm10, v37, v38;
	v11 =	vadd.s32 $0xFFFFFFFF, v8  }
0x72: {  	v12 =	vxor.u32 v11, v10  }
0x73: {  	v11 =	vor.u32 v11, v10;
	v12 =	vshrl.u32 v12, $0x1  }
0x74: {  	v11 =	vsub.s32 v11, v12;
	_ =	sdelay $0x4  }
0x75: {  	v12 =	vld.idx.msk [tilespmem:v11+s5+$0x0], $0xffff;
	_ =	sdelay $0x4  }
0x76: {  	v39 =	vadd.s32 $0x1, v11;
	vm11 =	vgt.s32 v12, v34  }
0x77: {  	v10 =	vsel vm11, v10, v39;
	v8 =	vsel vm11, v11, v8  }
0x78: {  	v11 =	vxor.u32 v8, v10  }
0x79: {  	v12 =	vand.u32 v8, v10;
	v11 =	vshrl.u32 v11, $0x1  }
0x7a: {  	v11 =	vadd.s32 v11, v12;
	_ =	sdelay $0x4  }
0x7b: {  	v12 =	vld.idx.msk [tilespmem:v11+s5+$0x0], $0xffff;
	_ =	sdelay $0x4  }
0x7c: {  	v40 =	vadd.s32 $0x1, v11;
	vm12 =	vgt.s32 v12, v34  }
0x7d: {  	v10 =	vsel vm12, v10, v40;
	v8 =	vsel vm12, v11, v8  }
0x7e: {  	v11 =	vadd.s32 v8, v10  }
0x7f: {  	v11 =	vshrl.u32 v11, $0x1;
	_ =	sdelay $0x4  }
0x80: {  	v41 =	vld.idx.msk [tilespmem:v11+s5+$0x0], $0xffff;
	_ =	sdelay $0x4  }
0x81: {  	v42 =	vadd.s32 $0x1, v11;
	vm13 =	vgt.s32 v41, v34  }
0x82: {  	v10 =	vsel vm13, v10, v42;
	v8 =	vsel vm13, v11, v8  }
0x83: {  	v11 =	vadd.s32 v8, v10  }
0x84: {  	v11 =	vshrl.u32 v11, $0x1;
	_ =	sdelay $0x4  }
0x85: {  	v43 =	vld.idx.msk [tilespmem:v11+s5+$0x0], $0xffff;
	_ =	sdelay $0x4  }
0x86: {  	v44 =	vadd.s32 $0x1, v11;
	vm14 =	vgt.s32 v43, v34  }
0x87: {  	v10 =	vsel vm14, v10, v44;
	v8 =	vsel vm14, v11, v8  }
0x88: {  	v11 =	vadd.s32 v8, v10  }
0x89: {  	v11 =	vshrl.u32 v11, $0x1;
	_ =	sdelay $0x4  }
0x8a: {  	v45 =	vld.idx.msk [tilespmem:v11+s5+$0x0], $0xffff;
	_ =	sdelay $0x4  }
0x8b: {  	v46 =	vadd.s32 $0x1, v11;
	vm15 =	vgt.s32 v45, v34  }
0x8c: {  	v10 =	vsel vm15, v10, v46;
	v8 =	vsel vm15, v11, v8  }
0x8d: {  	v11 =	vadd.s32 v8, v10  }
0x8e: {  	v11 =	vshrl.u32 v11, $0x1;
	_ =	sdelay $0x4  }
0x8f: {  	v47 =	vld.idx.msk [tilespmem:v11+s5+$0x0], $0xffff;
	_ =	sdelay $0x4  }
0x90: {  	v48 =	vadd.s32 $0x1, v11;
	vm4 =	vgt.s32 v47, v34  }
0x91: {  	v10 =	vsel vm4, v10, v48;
	v8 =	vsel vm4, v11, v8  }
0x92: {  	v11 =	vadd.s32 v8, v10  }
0x93: {  	v11 =	vshrl.u32 v11, $0x1;
	_ =	sdelay $0x4  }
0x94: {  	v49 =	vld.idx.msk [tilespmem:v11+s5+$0x0], $0xffff;
	_ =	sdelay $0x4  }
0x95: {  	v50 =	vadd.s32 $0x1, v11;
	vm5 =	vgt.s32 v49, v34  }
0x96: {  	v10 =	vsel vm5, v10, v50;
	v8 =	vsel vm5, v11, v8  }
0x97: {  	v8 =	vadd.s32 v8, v10  }
0x98: {  	v8 =	vshrl.u32 v8, $0x1;
	_ =	sdelay $0x4  }
0x99: {  	v51 =	vld.idx.msk [tilespmem:v8+s5+$0x0], $0xffff;
	_ =	sdelay $0x4  }
0x9a: {  	v10 =	vadd.s32 $0xFFFFFFFF, v10;
	vm6 =	vgt.s32 v51, v34  }
0x9b: {  	vm7 =	vge.s32 v34, v6;
	vm8 =	vlt.s32 v34, v7;
	v8 =	vsel vm6, v10, v8  }
0x9c: {  	vm9 =	vmand vm7, vm8;
	v8 =	vadd.s32 v0, v8  }
0x9d: {  	v8 =	vnsel vm9, $0x2000, v8  }
0x9e: {  	[tilespmem:$0x310] =	vst v8  }
0x9f: {  	v8 =	vld.idx.msk [tilespmem:v2+s5+$0x0], $0xffff;
	_ =	sdelay $0x2  }
0xa0: {  	s26 =	sadd.s32 $0xFFFFFFB0, s21  }
0xa1: {  	v52 =	vor.u32 s26, v1  }
0xa2: {  	vm10 =	vgt.s32 v8, v52  }
0xa3: {  	v8 =	vsel vm10, $0x80, v5;
	_ =	sdelay $0x4  }
0xa4: {  	v53 =	vld.idx.msk [tilespmem:v8+s5+$0x0], $0xffff;
	_ =	sdelay $0x4  }
0xa5: {  	v54 =	vsel vm10, $0x100, v4;
	vm11 =	vgt.s32 v53, v52  }
0xa6: {  	v55 =	vsel vm10, $0x0, v3;
	v56 =	vadd.s32 $0x1, v8;
	v8 =	vsel vm11, v8, v54  }
0xa7: {  	v10 =	vsel vm11, v55, v56;
	v11 =	vadd.s32 $0xFFFFFFFF, v8  }
0xa8: {  	v12 =	vxor.u32 v11, v10  }
0xa9: {  	v11 =	vor.u32 v11, v10;
	v12 =	vshrl.u32 v12, $0x1  }
0xaa: {  	v11 =	vsub.s32 v11, v12;
	_ =	sdelay $0x4  }
0xab: {  	v12 =	vld.idx.msk [tilespmem:v11+s5+$0x0], $0xffff;
	_ =	sdelay $0x4  }
0xac: {  	v57 =	vadd.s32 $0x1, v11;
	vm12 =	vgt.s32 v12, v52  }
0xad: {  	v10 =	vsel vm12, v10, v57;
	v8 =	vsel vm12, v11, v8  }
0xae: {  	v11 =	vxor.u32 v8, v10  }
0xaf: {  	v12 =	vand.u32 v8, v10;
	v11 =	vshrl.u32 v11, $0x1  }
0xb0: {  	v11 =	vadd.s32 v11, v12;
	_ =	sdelay $0x4  }
0xb1: {  	v12 =	vld.idx.msk [tilespmem:v11+s5+$0x0], $0xffff;
	_ =	sdelay $0x4  }
0xb2: {  	v58 =	vadd.s32 $0x1, v11;
	vm13 =	vgt.s32 v12, v52  }
0xb3: {  	v10 =	vsel vm13, v10, v58;
	v8 =	vsel vm13, v11, v8  }
0xb4: {  	v11 =	vadd.s32 v8, v10  }
0xb5: {  	v11 =	vshrl.u32 v11, $0x1;
	_ =	sdelay $0x4  }
0xb6: {  	v59 =	vld.idx.msk [tilespmem:v11+s5+$0x0], $0xffff;
	_ =	sdelay $0x4  }
0xb7: {  	v60 =	vadd.s32 $0x1, v11;
	vm14 =	vgt.s32 v59, v52  }
0xb8: {  	v10 =	vsel vm14, v10, v60;
	v8 =	vsel vm14, v11, v8  }
0xb9: {  	v11 =	vadd.s32 v8, v10  }
0xba: {  	v11 =	vshrl.u32 v11, $0x1;
	_ =	sdelay $0x4  }
0xbb: {  	v61 =	vld.idx.msk [tilespmem:v11+s5+$0x0], $0xffff;
	_ =	sdelay $0x4  }
0xbc: {  	v62 =	vadd.s32 $0x1, v11;
	vm15 =	vgt.s32 v61, v52  }
0xbd: {  	v10 =	vsel vm15, v10, v62;
	v8 =	vsel vm15, v11, v8  }
0xbe: {  	v11 =	vadd.s32 v8, v10  }
0xbf: {  	v11 =	vshrl.u32 v11, $0x1;
	_ =	sdelay $0x4  }
0xc0: {  	v63 =	vld.idx.msk [tilespmem:v11+s5+$0x0], $0xffff;
	_ =	sdelay $0x4  }
0xc1: {  	v16 =	vadd.s32 $0x1, v11;
	vm4 =	vgt.s32 v63, v52  }
0xc2: {  	v10 =	vsel vm4, v10, v16;
	v8 =	vsel vm4, v11, v8  }
0xc3: {  	v11 =	vadd.s32 v8, v10  }
0xc4: {  	v11 =	vshrl.u32 v11, $0x1;
	_ =	sdelay $0x4  }
0xc5: {  	v17 =	vld.idx.msk [tilespmem:v11+s5+$0x0], $0xffff;
	_ =	sdelay $0x4  }
0xc6: {  	v18 =	vadd.s32 $0x1, v11;
	vm5 =	vgt.s32 v17, v52  }
0xc7: {  	v10 =	vsel vm5, v10, v18;
	v8 =	vsel vm5, v11, v8  }
0xc8: {  	v11 =	vadd.s32 v8, v10  }
0xc9: {  	v11 =	vshrl.u32 v11, $0x1;
	_ =	sdelay $0x4  }
0xca: {  	v19 =	vld.idx.msk [tilespmem:v11+s5+$0x0], $0xffff;
	_ =	sdelay $0x4  }
0xcb: {  	v20 =	vadd.s32 $0x1, v11;
	vm6 =	vgt.s32 v19, v52  }
0xcc: {  	v10 =	vsel vm6, v10, v20;
	v8 =	vsel vm6, v11, v8  }
0xcd: {  	v8 =	vadd.s32 v8, v10  }
0xce: {  	v8 =	vshrl.u32 v8, $0x1;
	_ =	sdelay $0x4  }
0xcf: {  	v21 =	vld.idx.msk [tilespmem:v8+s5+$0x0], $0xffff;
	_ =	sdelay $0x4  }
0xd0: {  	v10 =	vadd.s32 $0xFFFFFFFF, v10;
	vm7 =	vgt.s32 v21, v52  }
0xd1: {  	vm8 =	vge.s32 v52, v6;
	vm9 =	vlt.s32 v52, v7;
	v8 =	vsel vm7, v10, v8  }
0xd2: {  	vm10 =	vmand vm8, vm9;
	v8 =	vadd.s32 v0, v8  }
0xd3: {  	v8 =	vnsel vm10, $0x2000, v8  }
0xd4: {  	[tilespmem:$0x320] =	vst v8  }
0xd5: {  	v8 =	vld.idx.msk [tilespmem:v2+s5+$0x0], $0xffff;
	_ =	sdelay $0x2  }
0xd6: {  	s28 =	sadd.s32 $0xFFFFFFC0, s21  }
0xd7: {  	v22 =	vor.u32 s28, v1  }
0xd8: {  	vm11 =	vgt.s32 v8, v22  }
0xd9: {  	v8 =	vsel vm11, $0x80, v5;
	_ =	sdelay $0x4  }
0xda: {  	v23 =	vld.idx.msk [tilespmem:v8+s5+$0x0], $0xffff;
	_ =	sdelay $0x4  }
0xdb: {  	v24 =	vsel vm11, $0x100, v4;
	vm12 =	vgt.s32 v23, v22  }
0xdc: {  	v25 =	vsel vm11, $0x0, v3;
	v26 =	vadd.s32 $0x1, v8;
	v8 =	vsel vm12, v8, v24  }
0xdd: {  	v10 =	vsel vm12, v25, v26;
	v11 =	vadd.s32 $0xFFFFFFFF, v8  }
0xde: {  	v12 =	vxor.u32 v11, v10  }
0xdf: {  	v11 =	vor.u32 v11, v10;
	v12 =	vshrl.u32 v12, $0x1  }
0xe0: {  	v11 =	vsub.s32 v11, v12;
	_ =	sdelay $0x4  }
0xe1: {  	v12 =	vld.idx.msk [tilespmem:v11+s5+$0x0], $0xffff;
	_ =	sdelay $0x4  }
0xe2: {  	v27 =	vadd.s32 $0x1, v11;
	vm13 =	vgt.s32 v12, v22  }
0xe3: {  	v10 =	vsel vm13, v10, v27;
	v8 =	vsel vm13, v11, v8  }
0xe4: {  	v11 =	vxor.u32 v8, v10  }
0xe5: {  	v12 =	vand.u32 v8, v10;
	v11 =	vshrl.u32 v11, $0x1  }
0xe6: {  	v11 =	vadd.s32 v11, v12;
	_ =	sdelay $0x4  }
0xe7: {  	v12 =	vld.idx.msk [tilespmem:v11+s5+$0x0], $0xffff;
	_ =	sdelay $0x4  }
0xe8: {  	v28 =	vadd.s32 $0x1, v11;
	vm14 =	vgt.s32 v12, v22  }
0xe9: {  	v10 =	vsel vm14, v10, v28;
	v8 =	vsel vm14, v11, v8  }
0xea: {  	v11 =	vadd.s32 v8, v10  }
0xeb: {  	v11 =	vshrl.u32 v11, $0x1;
	_ =	sdelay $0x4  }
0xec: {  	v29 =	vld.idx.msk [tilespmem:v11+s5+$0x0], $0xffff;
	_ =	sdelay $0x4  }
0xed: {  	v30 =	vadd.s32 $0x1, v11;
	vm15 =	vgt.s32 v29, v22  }
0xee: {  	v10 =	vsel vm15, v10, v30;
	v8 =	vsel vm15, v11, v8  }
0xef: {  	v11 =	vadd.s32 v8, v10  }
0xf0: {  	v11 =	vshrl.u32 v11, $0x1;
	_ =	sdelay $0x4  }
0xf1: {  	v31 =	vld.idx.msk [tilespmem:v11+s5+$0x0], $0xffff;
	_ =	sdelay $0x4  }
0xf2: {  	v32 =	vadd.s32 $0x1, v11;
	vm4 =	vgt.s32 v31, v22  }
0xf3: {  	v10 =	vsel vm4, v10, v32;
	v8 =	vsel vm4, v11, v8  }
0xf4: {  	v11 =	vadd.s32 v8, v10  }
0xf5: {  	v11 =	vshrl.u32 v11, $0x1;
	_ =	sdelay $0x4  }
0xf6: {  	v33 =	vld.idx.msk [tilespmem:v11+s5+$0x0], $0xffff;
	_ =	sdelay $0x4  }
0xf7: {  	v34 =	vadd.s32 $0x1, v11;
	vm5 =	vgt.s32 v33, v22  }
0xf8: {  	v10 =	vsel vm5, v10, v34;
	v8 =	vsel vm5, v11, v8  }
0xf9: {  	v11 =	vadd.s32 v8, v10  }
0xfa: {  	v11 =	vshrl.u32 v11, $0x1;
	_ =	sdelay $0x4  }
0xfb: {  	v35 =	vld.idx.msk [tilespmem:v11+s5+$0x0], $0xffff;
	_ =	sdelay $0x4  }
0xfc: {  	v36 =	vadd.s32 $0x1, v11;
	vm6 =	vgt.s32 v35, v22  }
0xfd: {  	v10 =	vsel vm6, v10, v36;
	v8 =	vsel vm6, v11, v8  }
0xfe: {  	v11 =	vadd.s32 v8, v10  }
0xff: {  	v11 =	vshrl.u32 v11, $0x1;
	_ =	sdelay $0x4  }
0x100: {  	v37 =	vld.idx.msk [tilespmem:v11+s5+$0x0], $0xffff;
	_ =	sdelay $0x4  }
0x101: {  	v38 =	vadd.s32 $0x1, v11;
	vm7 =	vgt.s32 v37, v22  }
0x102: {  	v10 =	vsel vm7, v10, v38;
	v8 =	vsel vm7, v11, v8  }
0x103: {  	v8 =	vadd.s32 v8, v10  }
0x104: {  	v8 =	vshrl.u32 v8, $0x1;
	_ =	sdelay $0x4  }
0x105: {  	v39 =	vld.idx.msk [tilespmem:v8+s5+$0x0], $0xffff;
	_ =	sdelay $0x4  }
0x106: {  	v10 =	vadd.s32 $0xFFFFFFFF, v10;
	vm8 =	vgt.s32 v39, v22  }
0x107: {  	vm9 =	vge.s32 v22, v6;
	vm10 =	vlt.s32 v22, v7;
	v8 =	vsel vm8, v10, v8  }
0x108: {  	vm11 =	vmand vm9, vm10;
	v8 =	vadd.s32 v0, v8  }
0x109: {  	v8 =	vnsel vm11, $0x2000, v8  }
0x10a: {  	[tilespmem:$0x330] =	vst v8  }
0x10b: {  	v8 =	vld.idx.msk [tilespmem:v2+s5+$0x0], $0xffff;
	_ =	sdelay $0x2  }
0x10c: {  	s29 =	sadd.s32 $0xFFFFFFD0, s21  }
0x10d: {  	v40 =	vor.u32 s29, v1  }
0x10e: {  	vm12 =	vgt.s32 v8, v40  }
0x10f: {  	v8 =	vsel vm12, $0x80, v5;
	_ =	sdelay $0x4  }
0x110: {  	v41 =	vld.idx.msk [tilespmem:v8+s5+$0x0], $0xffff;
	_ =	sdelay $0x4  }
0x111: {  	v42 =	vsel vm12, $0x100, v4;
	vm13 =	vgt.s32 v41, v40  }
0x112: {  	v43 =	vsel vm12, $0x0, v3;
	v44 =	vadd.s32 $0x1, v8;
	v8 =	vsel vm13, v8, v42  }
0x113: {  	v10 =	vsel vm13, v43, v44;
	v11 =	vadd.s32 $0xFFFFFFFF, v8  }
0x114: {  	v12 =	vxor.u32 v11, v10  }
0x115: {  	v11 =	vor.u32 v11, v10;
	v12 =	vshrl.u32 v12, $0x1  }
0x116: {  	v11 =	vsub.s32 v11, v12;
	_ =	sdelay $0x4  }
0x117: {  	v12 =	vld.idx.msk [tilespmem:v11+s5+$0x0], $0xffff;
	_ =	sdelay $0x4  }
0x118: {  	v45 =	vadd.s32 $0x1, v11;
	vm14 =	vgt.s32 v12, v40  }
0x119: {  	v10 =	vsel vm14, v10, v45;
	v8 =	vsel vm14, v11, v8  }
0x11a: {  	v11 =	vxor.u32 v8, v10  }
0x11b: {  	v12 =	vand.u32 v8, v10;
	v11 =	vshrl.u32 v11, $0x1  }
0x11c: {  	v11 =	vadd.s32 v11, v12;
	_ =	sdelay $0x4  }
0x11d: {  	v12 =	vld.idx.msk [tilespmem:v11+s5+$0x0], $0xffff;
	_ =	sdelay $0x4  }
0x11e: {  	v46 =	vadd.s32 $0x1, v11;
	vm15 =	vgt.s32 v12, v40  }
0x11f: {  	v10 =	vsel vm15, v10, v46;
	v8 =	vsel vm15, v11, v8  }
0x120: {  	v11 =	vadd.s32 v8, v10  }
0x121: {  	v11 =	vshrl.u32 v11, $0x1;
	_ =	sdelay $0x4  }
0x122: {  	v47 =	vld.idx.msk [tilespmem:v11+s5+$0x0], $0xffff;
	_ =	sdelay $0x4  }
0x123: {  	v48 =	vadd.s32 $0x1, v11;
	vm4 =	vgt.s32 v47, v40  }
0x124: {  	v10 =	vsel vm4, v10, v48;
	v8 =	vsel vm4, v11, v8  }
0x125: {  	v11 =	vadd.s32 v8, v10  }
0x126: {  	v11 =	vshrl.u32 v11, $0x1;
	_ =	sdelay $0x4  }
0x127: {  	v49 =	vld.idx.msk [tilespmem:v11+s5+$0x0], $0xffff;
	_ =	sdelay $0x4  }
0x128: {  	v50 =	vadd.s32 $0x1, v11;
	vm5 =	vgt.s32 v49, v40  }
0x129: {  	v10 =	vsel vm5, v10, v50;
	v8 =	vsel vm5, v11, v8  }
0x12a: {  	v11 =	vadd.s32 v8, v10  }
0x12b: {  	v11 =	vshrl.u32 v11, $0x1;
	_ =	sdelay $0x4  }
0x12c: {  	v51 =	vld.idx.msk [tilespmem:v11+s5+$0x0], $0xffff;
	_ =	sdelay $0x4  }
0x12d: {  	v52 =	vadd.s32 $0x1, v11;
	vm6 =	vgt.s32 v51, v40  }
0x12e: {  	v10 =	vsel vm6, v10, v52;
	v8 =	vsel vm6, v11, v8  }
0x12f: {  	v11 =	vadd.s32 v8, v10  }
0x130: {  	v11 =	vshrl.u32 v11, $0x1;
	_ =	sdelay $0x4  }
0x131: {  	v53 =	vld.idx.msk [tilespmem:v11+s5+$0x0], $0xffff;
	_ =	sdelay $0x4  }
0x132: {  	v54 =	vadd.s32 $0x1, v11;
	vm7 =	vgt.s32 v53, v40  }
0x133: {  	v10 =	vsel vm7, v10, v54;
	v8 =	vsel vm7, v11, v8  }
0x134: {  	v11 =	vadd.s32 v8, v10  }
0x135: {  	v11 =	vshrl.u32 v11, $0x1;
	_ =	sdelay $0x4  }
0x136: {  	v55 =	vld.idx.msk [tilespmem:v11+s5+$0x0], $0xffff;
	_ =	sdelay $0x4  }
0x137: {  	v56 =	vadd.s32 $0x1, v11;
	vm8 =	vgt.s32 v55, v40  }
0x138: {  	v10 =	vsel vm8, v10, v56;
	v8 =	vsel vm8, v11, v8  }
0x139: {  	v8 =	vadd.s32 v8, v10  }
0x13a: {  	v8 =	vshrl.u32 v8, $0x1;
	_ =	sdelay $0x4  }
0x13b: {  	v57 =	vld.idx.msk [tilespmem:v8+s5+$0x0], $0xffff;
	_ =	sdelay $0x4  }
0x13c: {  	v10 =	vadd.s32 $0xFFFFFFFF, v10;
	vm9 =	vgt.s32 v57, v40  }
0x13d: {  	vm10 =	vge.s32 v40, v6;
	vm11 =	vlt.s32 v40, v7;
	v8 =	vsel vm9, v10, v8  }
0x13e: {  	vm12 =	vmand vm10, vm11;
	v8 =	vadd.s32 v0, v8  }
0x13f: {  	v8 =	vnsel vm12, $0x2000, v8  }
0x140: {  	[tilespmem:$0x340] =	vst v8  }
0x141: {  	v8 =	vld.idx.msk [tilespmem:v2+s5+$0x0], $0xffff;
	_ =	sdelay $0x2  }
0x142: {  	s30 =	sadd.s32 $0xFFFFFFE0, s21  }
0x143: {  	v58 =	vor.u32 s30, v1  }
0x144: {  	vm13 =	vgt.s32 v8, v58  }
0x145: {  	v8 =	vsel vm13, $0x80, v5;
	_ =	sdelay $0x4  }
0x146: {  	v59 =	vld.idx.msk [tilespmem:v8+s5+$0x0], $0xffff;
	_ =	sdelay $0x4  }
0x147: {  	v60 =	vsel vm13, $0x100, v4;
	vm14 =	vgt.s32 v59, v58  }
0x148: {  	v61 =	vsel vm13, $0x0, v3;
	v62 =	vadd.s32 $0x1, v8;
	v8 =	vsel vm14, v8, v60  }
0x149: {  	v10 =	vsel vm14, v61, v62;
	v11 =	vadd.s32 $0xFFFFFFFF, v8  }
0x14a: {  	v12 =	vxor.u32 v11, v10  }
0x14b: {  	v11 =	vor.u32 v11, v10;
	v12 =	vshrl.u32 v12, $0x1  }
0x14c: {  	v11 =	vsub.s32 v11, v12;
	_ =	sdelay $0x4  }
0x14d: {  	v12 =	vld.idx.msk [tilespmem:v11+s5+$0x0], $0xffff;
	_ =	sdelay $0x4  }
0x14e: {  	v63 =	vadd.s32 $0x1, v11;
	vm15 =	vgt.s32 v12, v58  }
0x14f: {  	v10 =	vsel vm15, v10, v63;
	v8 =	vsel vm15, v11, v8  }
0x150: {  	v11 =	vxor.u32 v8, v10  }
0x151: {  	v12 =	vand.u32 v8, v10;
	v11 =	vshrl.u32 v11, $0x1  }
0x152: {  	v11 =	vadd.s32 v11, v12;
	_ =	sdelay $0x4  }
0x153: {  	v12 =	vld.idx.msk [tilespmem:v11+s5+$0x0], $0xffff;
	_ =	sdelay $0x4  }
0x154: {  	v16 =	vadd.s32 $0x1, v11;
	vm4 =	vgt.s32 v12, v58  }
0x155: {  	v10 =	vsel vm4, v10, v16;
	v8 =	vsel vm4, v11, v8  }
0x156: {  	v11 =	vadd.s32 v8, v10  }
0x157: {  	v11 =	vshrl.u32 v11, $0x1;
	_ =	sdelay $0x4  }
0x158: {  	v17 =	vld.idx.msk [tilespmem:v11+s5+$0x0], $0xffff;
	_ =	sdelay $0x4  }
0x159: {  	v18 =	vadd.s32 $0x1, v11;
	vm5 =	vgt.s32 v17, v58  }
0x15a: {  	v10 =	vsel vm5, v10, v18;
	v8 =	vsel vm5, v11, v8  }
0x15b: {  	v11 =	vadd.s32 v8, v10  }
0x15c: {  	v11 =	vshrl.u32 v11, $0x1;
	_ =	sdelay $0x4  }
0x15d: {  	v19 =	vld.idx.msk [tilespmem:v11+s5+$0x0], $0xffff;
	_ =	sdelay $0x4  }
0x15e: {  	v20 =	vadd.s32 $0x1, v11;
	vm6 =	vgt.s32 v19, v58  }
0x15f: {  	v10 =	vsel vm6, v10, v20;
	v8 =	vsel vm6, v11, v8  }
0x160: {  	v11 =	vadd.s32 v8, v10  }
0x161: {  	v11 =	vshrl.u32 v11, $0x1;
	_ =	sdelay $0x4  }
0x162: {  	v21 =	vld.idx.msk [tilespmem:v11+s5+$0x0], $0xffff;
	_ =	sdelay $0x4  }
0x163: {  	v22 =	vadd.s32 $0x1, v11;
	vm7 =	vgt.s32 v21, v58  }
0x164: {  	v10 =	vsel vm7, v10, v22;
	v8 =	vsel vm7, v11, v8  }
0x165: {  	v11 =	vadd.s32 v8, v10  }
0x166: {  	v11 =	vshrl.u32 v11, $0x1;
	_ =	sdelay $0x4  }
0x167: {  	v23 =	vld.idx.msk [tilespmem:v11+s5+$0x0], $0xffff;
	_ =	sdelay $0x4  }
0x168: {  	v24 =	vadd.s32 $0x1, v11;
	vm8 =	vgt.s32 v23, v58  }
0x169: {  	v10 =	vsel vm8, v10, v24;
	v8 =	vsel vm8, v11, v8  }
0x16a: {  	v11 =	vadd.s32 v8, v10  }
0x16b: {  	v11 =	vshrl.u32 v11, $0x1;
	_ =	sdelay $0x4  }
0x16c: {  	v25 =	vld.idx.msk [tilespmem:v11+s5+$0x0], $0xffff;
	_ =	sdelay $0x4  }
0x16d: {  	v26 =	vadd.s32 $0x1, v11;
	vm9 =	vgt.s32 v25, v58  }
0x16e: {  	v10 =	vsel vm9, v10, v26;
	v8 =	vsel vm9, v11, v8  }
0x16f: {  	v8 =	vadd.s32 v8, v10  }
0x170: {  	v8 =	vshrl.u32 v8, $0x1;
	_ =	sdelay $0x4  }
0x171: {  	v27 =	vld.idx.msk [tilespmem:v8+s5+$0x0], $0xffff;
	_ =	sdelay $0x4  }
0x172: {  	v10 =	vadd.s32 $0xFFFFFFFF, v10;
	vm10 =	vgt.s32 v27, v58  }
0x173: {  	vm11 =	vge.s32 v58, v6;
	vm12 =	vlt.s32 v58, v7;
	v8 =	vsel vm10, v10, v8  }
0x174: {  	vm13 =	vmand vm11, vm12;
	v8 =	vadd.s32 v0, v8  }
0x175: {  	v8 =	vnsel vm13, $0x2000, v8  }
0x176: {  	[tilespmem:$0x350] =	vst v8  }
0x177: {  	v8 =	vld.idx.msk [tilespmem:v2+s5+$0x0], $0xffff;
	_ =	sdelay $0x2  }
0x178: {  	s31 =	sadd.s32 $0xFFFFFFF0, s21  }
0x179: {  	v28 =	vor.u32 s31, v1  }
0x17a: {  	vm14 =	vgt.s32 v8, v28  }
0x17b: {  	v8 =	vsel vm14, $0x80, v5;
	_ =	sdelay $0x4  }
0x17c: {  	v29 =	vld.idx.msk [tilespmem:v8+s5+$0x0], $0xffff;
	_ =	sdelay $0x4  }
0x17d: {  	v30 =	vsel vm14, $0x100, v4;
	vm15 =	vgt.s32 v29, v28  }
0x17e: {  	v31 =	vsel vm14, $0x0, v3;
	v32 =	vadd.s32 $0x1, v8;
	v8 =	vsel vm15, v8, v30  }
0x17f: {  	v10 =	vsel vm15, v31, v32;
	v11 =	vadd.s32 $0xFFFFFFFF, v8  }
0x180: {  	v12 =	vxor.u32 v11, v10  }
0x181: {  	v11 =	vor.u32 v11, v10;
	v12 =	vshrl.u32 v12, $0x1  }
0x182: {  	v11 =	vsub.s32 v11, v12;
	_ =	sdelay $0x4  }
0x183: {  	v12 =	vld.idx.msk [tilespmem:v11+s5+$0x0], $0xffff;
	_ =	sdelay $0x4  }
0x184: {  	v33 =	vadd.s32 $0x1, v11;
	vm4 =	vgt.s32 v12, v28  }
0x185: {  	v10 =	vsel vm4, v10, v33;
	v8 =	vsel vm4, v11, v8  }
0x186: {  	v11 =	vxor.u32 v8, v10  }
0x187: {  	v12 =	vand.u32 v8, v10;
	v11 =	vshrl.u32 v11, $0x1  }
0x188: {  	v11 =	vadd.s32 v11, v12;
	_ =	sdelay $0x4  }
0x189: {  	v12 =	vld.idx.msk [tilespmem:v11+s5+$0x0], $0xffff;
	_ =	sdelay $0x4  }
0x18a: {  	v34 =	vadd.s32 $0x1, v11;
	vm5 =	vgt.s32 v12, v28  }
0x18b: {  	v10 =	vsel vm5, v10, v34;
	v8 =	vsel vm5, v11, v8  }
0x18c: {  	v11 =	vadd.s32 v8, v10  }
0x18d: {  	v11 =	vshrl.u32 v11, $0x1;
	_ =	sdelay $0x4  }
0x18e: {  	v35 =	vld.idx.msk [tilespmem:v11+s5+$0x0], $0xffff;
	_ =	sdelay $0x4  }
0x18f: {  	v36 =	vadd.s32 $0x1, v11;
	vm6 =	vgt.s32 v35, v28  }
0x190: {  	v10 =	vsel vm6, v10, v36;
	v8 =	vsel vm6, v11, v8  }
0x191: {  	v11 =	vadd.s32 v8, v10  }
0x192: {  	v11 =	vshrl.u32 v11, $0x1;
	_ =	sdelay $0x4  }
0x193: {  	v37 =	vld.idx.msk [tilespmem:v11+s5+$0x0], $0xffff;
	_ =	sdelay $0x4  }
0x194: {  	v38 =	vadd.s32 $0x1, v11;
	vm7 =	vgt.s32 v37, v28  }
0x195: {  	v10 =	vsel vm7, v10, v38;
	v8 =	vsel vm7, v11, v8  }
0x196: {  	v11 =	vadd.s32 v8, v10  }
0x197: {  	v11 =	vshrl.u32 v11, $0x1;
	_ =	sdelay $0x4  }
0x198: {  	v39 =	vld.idx.msk [tilespmem:v11+s5+$0x0], $0xffff;
	_ =	sdelay $0x4  }
0x199: {  	v40 =	vadd.s32 $0x1, v11;
	vm8 =	vgt.s32 v39, v28  }
0x19a: {  	v10 =	vsel vm8, v10, v40;
	v8 =	vsel vm8, v11, v8  }
0x19b: {  	v11 =	vadd.s32 v8, v10  }
0x19c: {  	v11 =	vshrl.u32 v11, $0x1;
	_ =	sdelay $0x4  }
0x19d: {  	v41 =	vld.idx.msk [tilespmem:v11+s5+$0x0], $0xffff;
	_ =	sdelay $0x4  }
0x19e: {  	v42 =	vadd.s32 $0x1, v11;
	vm9 =	vgt.s32 v41, v28  }
0x19f: {  	v10 =	vsel vm9, v10, v42;
	v8 =	vsel vm9, v11, v8  }
0x1a0: {  	v11 =	vadd.s32 v8, v10  }
0x1a1: {  	v11 =	vshrl.u32 v11, $0x1;
	_ =	sdelay $0x4  }
0x1a2: {  	v43 =	vld.idx.msk [tilespmem:v11+s5+$0x0], $0xffff;
	_ =	sdelay $0x4  }
0x1a3: {  	v44 =	vadd.s32 $0x1, v11;
	vm10 =	vgt.s32 v43, v28  }
0x1a4: {  	v10 =	vsel vm10, v10, v44;
	v8 =	vsel vm10, v11, v8  }
0x1a5: {  	v8 =	vadd.s32 v8, v10  }
0x1a6: {  	v8 =	vshrl.u32 v8, $0x1;
	_ =	sdelay $0x4  }
0x1a7: {  	v45 =	vld.idx.msk [tilespmem:v8+s5+$0x0], $0xffff;
	_ =	sdelay $0x4  }
0x1a8: {  	v10 =	vadd.s32 $0xFFFFFFFF, v10;
	vm11 =	vgt.s32 v45, v28  }
0x1a9: {  	vm12 =	vge.s32 v28, v6;
	vm13 =	vlt.s32 v28, v7;
	v8 =	vsel vm11, v10, v8  }
0x1aa: {  	vm14 =	vmand vm12, vm13;
	v8 =	vadd.s32 v0, v8  }
0x1ab: {  	v8 =	vnsel vm14, $0x2000, v8  }
0x1ac: {  	[tilespmem:$0x360] =	vst v8  }
0x1ad: {  	v8 =	vld.idx.msk [tilespmem:v2+s5+$0x0], $0xffff;
	_ =	sdelay $0x3  }
0x1ae: {  	v46 =	vor.u32 s21, v1  }
0x1af: {  	vm15 =	vgt.s32 v8, v46  }
0x1b0: {  	v8 =	vsel vm15, $0x80, v5;
	_ =	sdelay $0x4  }
0x1b1: {  	v47 =	vld.idx.msk [tilespmem:v8+s5+$0x0], $0xffff;
	_ =	sdelay $0x4  }
0x1b2: {  	v48 =	vsel vm15, $0x100, v4;
	vm4 =	vgt.s32 v47, v46  }
0x1b3: {  	v49 =	vsel vm15, $0x0, v3;
	v50 =	vadd.s32 $0x1, v8;
	v8 =	vsel vm4, v8, v48  }
0x1b4: {  	v10 =	vsel vm4, v49, v50;
	v11 =	vadd.s32 $0xFFFFFFFF, v8  }
0x1b5: {  	v12 =	vxor.u32 v11, v10  }
0x1b6: {  	v11 =	vor.u32 v11, v10;
	v12 =	vshrl.u32 v12, $0x1  }
0x1b7: {  	v11 =	vsub.s32 v11, v12;
	_ =	sdelay $0x4  }
0x1b8: {  	v12 =	vld.idx.msk [tilespmem:v11+s5+$0x0], $0xffff;
	_ =	sdelay $0x4  }
0x1b9: {  	v51 =	vadd.s32 $0x1, v11;
	vm5 =	vgt.s32 v12, v46  }
0x1ba: {  	v10 =	vsel vm5, v10, v51;
	v8 =	vsel vm5, v11, v8  }
0x1bb: {  	v11 =	vxor.u32 v8, v10  }
0x1bc: {  	v12 =	vand.u32 v8, v10;
	v11 =	vshrl.u32 v11, $0x1  }
0x1bd: {  	v11 =	vadd.s32 v11, v12;
	_ =	sdelay $0x4  }
0x1be: {  	v12 =	vld.idx.msk [tilespmem:v11+s5+$0x0], $0xffff;
	_ =	sdelay $0x4  }
0x1bf: {  	v52 =	vadd.s32 $0x1, v11;
	vm6 =	vgt.s32 v12, v46  }
0x1c0: {  	v10 =	vsel vm6, v10, v52;
	v8 =	vsel vm6, v11, v8  }
0x1c1: {  	v11 =	vadd.s32 v8, v10  }
0x1c2: {  	v11 =	vshrl.u32 v11, $0x1;
	_ =	sdelay $0x4  }
0x1c3: {  	v53 =	vld.idx.msk [tilespmem:v11+s5+$0x0], $0xffff;
	_ =	sdelay $0x4  }
0x1c4: {  	v54 =	vadd.s32 $0x1, v11;
	vm7 =	vgt.s32 v53, v46  }
0x1c5: {  	v10 =	vsel vm7, v10, v54;
	v8 =	vsel vm7, v11, v8  }
0x1c6: {  	v11 =	vadd.s32 v8, v10  }
0x1c7: {  	v11 =	vshrl.u32 v11, $0x1;
	_ =	sdelay $0x4  }
0x1c8: {  	v55 =	vld.idx.msk [tilespmem:v11+s5+$0x0], $0xffff;
	_ =	sdelay $0x4  }
0x1c9: {  	v56 =	vadd.s32 $0x1, v11;
	vm8 =	vgt.s32 v55, v46  }
0x1ca: {  	v10 =	vsel vm8, v10, v56;
	v8 =	vsel vm8, v11, v8  }
0x1cb: {  	v11 =	vadd.s32 v8, v10  }
0x1cc: {  	v11 =	vshrl.u32 v11, $0x1;
	_ =	sdelay $0x4  }
0x1cd: {  	v57 =	vld.idx.msk [tilespmem:v11+s5+$0x0], $0xffff;
	_ =	sdelay $0x4  }
0x1ce: {  	v58 =	vadd.s32 $0x1, v11;
	vm9 =	vgt.s32 v57, v46  }
0x1cf: {  	v10 =	vsel vm9, v10, v58;
	v8 =	vsel vm9, v11, v8  }
0x1d0: {  	v11 =	vadd.s32 v8, v10  }
0x1d1: {  	v11 =	vshrl.u32 v11, $0x1;
	_ =	sdelay $0x4  }
0x1d2: {  	v59 =	vld.idx.msk [tilespmem:v11+s5+$0x0], $0xffff;
	_ =	sdelay $0x4  }
0x1d3: {  	v60 =	vadd.s32 $0x1, v11;
	vm10 =	vgt.s32 v59, v46  }
0x1d4: {  	v10 =	vsel vm10, v10, v60;
	v8 =	vsel vm10, v11, v8  }
0x1d5: {  	v11 =	vadd.s32 v8, v10  }
0x1d6: {  	v11 =	vshrl.u32 v11, $0x1;
	_ =	sdelay $0x4  }
0x1d7: {  	v61 =	vld.idx.msk [tilespmem:v11+s5+$0x0], $0xffff;
	_ =	sdelay $0x4  }
0x1d8: {  	v62 =	vadd.s32 $0x1, v11;
	vm11 =	vgt.s32 v61, v46  }
0x1d9: {  	v10 =	vsel vm11, v10, v62;
	v8 =	vsel vm11, v11, v8  }
0x1da: {  	v8 =	vadd.s32 v8, v10  }
0x1db: {  	v8 =	vshrl.u32 v8, $0x1;
	_ =	sdelay $0x4  }
0x1dc: {  	v63 =	vld.idx.msk [tilespmem:v8+s5+$0x0], $0xffff;
	_ =	sdelay $0x4  }
0x1dd: {  	v10 =	vadd.s32 $0xFFFFFFFF, v10;
	vm12 =	vgt.s32 v63, v46  }
0x1de: {  	vm13 =	vge.s32 v46, v6;
	vm14 =	vlt.s32 v46, v7;
	v8 =	vsel vm12, v10, v8  }
0x1df: {  	vm15 =	vmand vm13, vm14;
	v8 =	vadd.s32 v0, v8  }
0x1e0: {  	v8 =	vnsel vm15, $0x2000, v8  }
0x1e1: {  	[tilespmem:$0x370] =	vst v8  }
0x1e2: {  	_ =	swait.ge [sflag:s16], $0x4000  }
0x1e3: {  	p0 =	sne.s32 s19, $0x1;
	[sflag:s16] =	ssyncset.done $0x0  }
.Ltmp3:
0x1e4: {  	[sflag:s16] =	ssyncadd.s32 $0xFFFFC000;
	(pc) =	sbr.rel @p0 .LBB2_3-.Ltmp3, $4  }
0x1e5: {  	[spmem:s4] =	stream.indirect.scatter.add.f32 [tilespmem:s15], [sflag:$0x2], $0x80, s17, s14, $0xb8;
	[tilespmem:$0x143C0] =	vst v63  }
0x1e6: {  	_ =	swait.ge [sflag:s10], $0x4000  }
0x1e7: {  	s20 =	sadd.s32 $0x10, s20;
	[sflag:s10] =	ssyncset.done $0x0  }
0x1e8: {  	s19 =	sadd.s32 $0xFFFFFFFF, s19;
	s21 =	sadd.s32 $0x80, s21;
	[sflag:s10] =	ssyncadd.s32 $0xFFFFC000  }
.Ltmp4:
0x1e9: {  	_ = 	snop;
	(pc) =	sbr.rel .LBB2_4-.Ltmp4, $1  }
0x1ea: {  	_ =	sdelay $0x3  }
.LBB2_5:
0x1eb: {  	_ =	sfence.sel $0x180000  }
0x1ec: {  	[bflag:$0x0] =	sbarrier.arrive $0xFFFF  }
0x1ed: {  	p0 =	sne.s32 s1, $0x0;
	_ =	strace $0x90000047  }
0x1ee: {  	s0 =	sadd.s32 @!p0 $0x100000, s3;
	[bflag:$0x2] =	sbarrier.arrive $0xFFFF  }
0x1ef: {  	[sflag:s0] =	ssyncadd.tile.s32 @!p0 $0x1;
	_ =	shalt  }
.Lfunc_end2:
_tile_overlayer_lowered:
.L_overlay_start_2:
0x1f0: {  	(tag) =	ssettag $0x2  }
0x1f1: {  	s0 =	rddreg [dreg:$0x0];
	s2 =	stileid.u32  }
0x1f2: {  	s1 =	rddreg [dreg:$0x1];
	p0 =	sne.s32 s2, $0x0  }
0x1f3: {  	s3 =	rddreg [dreg:$0x2];
	[bflag:$0x3] =	sbarrier.arrive $0xFFFF;
	s2 =	simm.s32 @!p0 $0x1C02  }
0x1f4: {  	[timem:s3], [sflag:s2] =	dma.local @!p0 [hbm:s0], s1  }
0x1f5: {  	s0 =	simm.s32 @!p0 $0x2  }
0x1f6: {  	_ =	swait.ge @!p0 [sflag:s0], s1  }
0x1f7: {  	s1 =	ssub.s32 @!p0 $0x0, s1;
	[sflag:s0] =	ssyncset.done @!p0 $0x0  }
0x1f8: {  	[sflag:s0] =	ssyncadd.s32 @!p0 s1  }
0x1f9: {  	[bflag:$0x3] =	sbarrier.arrive $0xFFFF  }
0x1fa: {  	_ =	shalt  }

</sc_bundles>
